<compile_context>
chip_gen: v7x
topology: tpu7x:2x2x1
jax: 0.10.2.dev20260603
libtpu: 0.0.44.dev20260713+nightly
codegen_flags: <defaults>
</compile_context>

<pallas_src>
import dataclasses
import functools

import jax
import jax.numpy as jnp
from jax import lax
from jax.experimental import pallas as pl
from jax.experimental.pallas import tpu as pltpu
from jax.experimental.pallas import tpu_sc as plsc

B = 16384
M = 32
L = 16
NC = 2
NS = 16
NW = NC * NS
BPW = B // NW
G = 16
G4 = 4
NG = BPW // G
CH = 128
NCH = BPW // CH
IDX_ROWS = B // CH


def _sc_dot(user_flat, item_flat, ue, ie):
  mesh = plsc.VectorSubcoreMesh(core_axis_name="c", subcore_axis_name="s")
  f32 = jnp.float32
  out_type = (
      jax.ShapeDtypeStruct((B,), f32),
      jax.ShapeDtypeStruct((G4, M, 128), f32),
  )

  cp = pltpu.CompilerParams()
  if "needs_layout_passes" in pltpu.CompilerParams.__dataclass_fields__:
    cp = dataclasses.replace(cp, needs_layout_passes=False)

  @functools.partial(
      pl.kernel,
      out_type=out_type,
      mesh=mesh,
      compiler_params=cp,
      scratch_types=[
          pltpu.VMEM((BPW,), jnp.int32),
          pltpu.VMEM((BPW,), jnp.int32),
          pltpu.VMEM((G4, M, 128), f32),
          pltpu.VMEM((G4, M, 128), f32),
          pltpu.VMEM((G4, M, 128), f32),
          pltpu.VMEM((G4, M, 128), f32),
          pltpu.VMEM((BPW,), f32),
          pltpu.SemaphoreType.DMA,
          pltpu.SemaphoreType.DMA,
      ],
  )
  def k(user_hbm, item_hbm, ue_hbm, ie_hbm, dot_out, dummy,
        uidx_s, iidx_s, ua, ub, va, vb, dotv, sema, semb):
    cid = lax.axis_index("c")
    sid = lax.axis_index("s")
    wid = sid * NC + cid
    base = wid * BPW
    pltpu.sync_copy(user_hbm.at[pl.ds(base, BPW)], uidx_s)
    pltpu.sync_copy(item_hbm.at[pl.ds(base, BPW)], iidx_s)

    def fire(ws, pos, ubuf, vbuf, sem):
      idxu = uidx_s[pl.ds(ws, L)]
      idxi = iidx_s[pl.ds(ws, L)]
      for jj in range(G4):
        u = idxu[pos * G4 + jj]
        i = idxi[pos * G4 + jj]
        u128 = pl.multiple_of((u >> 7) * 128, 128)
        i128 = pl.multiple_of((i >> 7) * 128, 128)
        pltpu.async_copy(ue_hbm.at[:, pl.ds(u128, 128)], ubuf.at[jj], sem)
        pltpu.async_copy(ie_hbm.at[:, pl.ds(i128, 128)], vbuf.at[jj], sem)

    def drain(ubuf, vbuf, sem):
      pltpu.make_async_copy(dummy, ubuf, sem).wait()
      pltpu.make_async_copy(dummy, vbuf, sem).wait()

    rows0 = lax.broadcasted_iota(jnp.int32, (L,), 0)
    rows1 = rows0 + L

    def extract(ws, pos, ubuf, vbuf, acc0, lane):
      idxu = uidx_s[pl.ds(ws, L)]
      idxi = iidx_s[pl.ds(ws, L)]
      for jj in range(G4):
        b = pos * G4 + jj
        ucols = jnp.full((L,), idxu[b] & 127, jnp.int32)
        icols = jnp.full((L,), idxi[b] & 127, jnp.int32)
        ua0 = plsc.load_gather(ubuf.at[jj], [rows0, ucols])
        ua1 = plsc.load_gather(ubuf.at[jj], [rows1, ucols])
        va0 = plsc.load_gather(vbuf.at[jj], [rows0, icols])
        va1 = plsc.load_gather(vbuf.at[jj], [rows1, icols])
        r = jnp.sum(ua0 * va0 + ua1 * va1)
        acc0 = jnp.where(lane == b, r, acc0)
      return acc0

    fire(0, 0, ua, va, sema)
    lane = lax.broadcasted_iota(jnp.int32, (L,), 0)

    @pl.loop(0, NG)
    def _(gs):
      ws = gs * L
      acc = jnp.zeros((L,), f32)
      for h in range(4):
        bufs = (ua, va, sema) if h % 2 == 0 else (ub, vb, semb)
        nbufs = (ub, vb, semb) if h % 2 == 0 else (ua, va, sema)
        if h < 3:
          fire(ws, h + 1, nbufs[0], nbufs[1], nbufs[2])
        else:
          @pl.when(gs + 1 < NG)
          def _():
            fire(ws + L, 0, nbufs[0], nbufs[1], nbufs[2])
        drain(bufs[0], bufs[1], bufs[2])
        acc = extract(ws, h, bufs[0], bufs[1], acc, lane)
      dotv[pl.ds(ws, L)] = acc

    pltpu.sync_copy(dotv, dot_out.at[pl.ds(base, BPW)])

  return k(user_flat, item_flat, ue, ie)[0]


def _sc_finish(user2d, item2d, dot, user_bias, item_bias, offset_b):
  mesh = plsc.VectorSubcoreMesh(core_axis_name="c", subcore_axis_name="s")
  f32 = jnp.float32

  @functools.partial(
      pl.kernel,
      out_type=jax.ShapeDtypeStruct((B,), f32),
      mesh=mesh,
      compiler_params=pltpu.CompilerParams(use_tc_tiling_on_sc=False),
      scratch_types=[
          pltpu.VMEM((NCH, CH), jnp.int32),
          pltpu.VMEM((NCH, CH), jnp.int32),
          pltpu.VMEM((BPW,), f32),
          pltpu.VMEM((BPW,), f32),
          pltpu.VMEM((BPW,), f32),
          pltpu.VMEM((BPW,), f32),
          pltpu.VMEM((L,), f32),
          pltpu.SemaphoreType.DMA,
      ],
  )
  def k(user_hbm, item_hbm, dot_hbm, ubias_hbm, ibias_hbm, off_hbm, out_hbm,
        uidx_v, iidx_v, ub_v, ib_v, dv_v, outv, off_v, sem):
    cid = lax.axis_index("c")
    sid = lax.axis_index("s")
    wid = sid * NC + cid
    base = wid * BPW
    rowbase = wid * NCH
    pltpu.sync_copy(user_hbm.at[pl.ds(rowbase, NCH)], uidx_v)
    pltpu.sync_copy(item_hbm.at[pl.ds(rowbase, NCH)], iidx_v)
    copies = [pltpu.async_copy(dot_hbm.at[pl.ds(base, BPW)], dv_v, sem)]
    for j in range(NCH):
      copies.append(pltpu.async_copy(
          ubias_hbm.at[uidx_v.at[j]], ub_v.at[pl.ds(j * CH, CH)], sem))
      copies.append(pltpu.async_copy(
          ibias_hbm.at[iidx_v.at[j]], ib_v.at[pl.ds(j * CH, CH)], sem))
    pltpu.sync_copy(off_hbm, off_v)
    for c in copies:
      c.wait()

    @pl.loop(0, BPW, step=L)
    def _(s):
      outv[pl.ds(s, L)] = (dv_v[pl.ds(s, L)] + ub_v[pl.ds(s, L)]
                           + ib_v[pl.ds(s, L)] + off_v[pl.ds(0, L)])

    pltpu.sync_copy(outv, out_hbm.at[pl.ds(base, BPW)])

  return k(user2d, item2d, dot, user_bias, item_bias, offset_b)


@jax.jit
def kernel(user, item, user_emb, item_emb, user_bias, item_bias, offset):
  user = user.astype(jnp.int32)
  item = item.astype(jnp.int32)
  dot = _sc_dot(user, item, user_emb.T, item_emb.T)
  offset_b = jnp.broadcast_to(offset, (L,))
  return _sc_finish(
      user.reshape(IDX_ROWS, CH), item.reshape(IDX_ROWS, CH),
      dot, user_bias, item_bias, offset_b)

# --- scband reference (transcript-rebuilt; emitter-appended) ---
"""Pipeline reference for scband-mfadvanced-74251394613981 (READ-ONLY COPY).

The authoritative reference and input builder live on the scoring server;
editing this copy changes nothing except your own understanding.
"""

import jax, jax.numpy as jnp
import numpy as np

NUM_USERS = 1000000
NUM_ITEMS = 1000000
M = 32
B = 16384

def setup_inputs(seed: int = 0) -> dict:
    key = jax.random.key(seed)
    k1, k2, k3, k4, k5, k6 = jax.random.split(key, 6)
    user = jax.random.randint(k1, (B,), 0, NUM_USERS, dtype=jnp.int64 if jax.config.jax_enable_x64 else jnp.int32)
    item = jax.random.randint(k2, (B,), 0, NUM_ITEMS, dtype=jnp.int64 if jax.config.jax_enable_x64 else jnp.int32)
    user_emb = jax.random.normal(k3, (NUM_USERS, M), dtype=jnp.float32)
    item_emb = jax.random.normal(k4, (NUM_ITEMS, M), dtype=jnp.float32)
    user_bias = jnp.zeros((NUM_USERS,), dtype=jnp.float32)
    item_bias = jnp.zeros((NUM_ITEMS,), dtype=jnp.float32)
    offset = jnp.zeros((1,), dtype=jnp.float32)
    return {"user": user, "item": item, "user_emb": user_emb, "item_emb": item_emb,
            "user_bias": user_bias, "item_bias": item_bias, "offset": offset}

def reference(user, item, user_emb, item_emb, user_bias, item_bias, offset):
    u = jnp.take(user_emb, user, axis=0)
    v = jnp.take(item_emb, item, axis=0)
    element_product = (u * v).sum(axis=1)
    ub = jnp.take(user_bias, user, axis=0)
    ib = jnp.take(item_bias, item, axis=0)
    element_product = element_product + ub + ib + offset
    return element_product

if __name__ == "__main__":
    import jax
    _d = setup_inputs()
    print(jax.jit(kernel)(*tuple(_d.values())))

</pallas_src>

<mosaic_0001>
#map = affine_map<(d0, d1) -> (0)>
#map1 = affine_map<(d0, d1) -> (0, 0)>
#map2 = affine_map<(d0, d1) -> (0, 0, 0)>
module attributes {stable_mosaic.version = 14 : i64} {
  func.func @k(%arg0: i32, %arg1: i32, %arg2: memref<16384xi32, #tpu.memory_space<hbm>>, %arg3: memref<16384xi32, #tpu.memory_space<hbm>>, %arg4: memref<32x1000000xf32, #tpu.memory_space<hbm>>, %arg5: memref<32x1000000xf32, #tpu.memory_space<hbm>>, %arg6: memref<16384xf32, #tpu.memory_space<hbm>>, %arg7: memref<4x32x128xf32, #tpu.memory_space<hbm>>, %arg8: memref<512xi32, #tpu.memory_space<vmem>>, %arg9: memref<512xi32, #tpu.memory_space<vmem>>, %arg10: memref<4x32x128xf32, #tpu.memory_space<vmem>>, %arg11: memref<4x32x128xf32, #tpu.memory_space<vmem>>, %arg12: memref<4x32x128xf32, #tpu.memory_space<vmem>>, %arg13: memref<4x32x128xf32, #tpu.memory_space<vmem>>, %arg14: memref<512xf32, #tpu.memory_space<vmem>>, %arg15: memref<!tpu.dma_semaphore, #tpu.memory_space<semaphore_mem>>, %arg16: memref<!tpu.dma_semaphore, #tpu.memory_space<semaphore_mem>>) attributes {dimension_semantics = [#tpu.dimension_semantics<core_parallel>, #tpu.dimension_semantics<subcore_parallel>], iteration_bounds = array<i64: 2, 16>, scalar_prefetch = 0 : i64, scratch_operands = 9 : i64, tpu.core_type = #tpu.core_type<sc_vector_subcore>, window_params = [{transform_indices = #map}, {transform_indices = #map}, {transform_indices = #map1}, {transform_indices = #map1}, {transform_indices = #map}, {transform_indices = #map2}]} {
    %mul3A = arith.constant 2 : i32
    %mul3A_0 = arith.muli %arg1, %mul3A : i32
    %add3A = arith.addi %mul3A_0, %arg0 : i32
    %mul3A_1 = arith.constant 512 : i32
    %mul3A_2 = arith.muli %add3A, %mul3A_1 : i32
    "tpu.region"() ({
      %run_scoped3A = tpu.sem_alloc : memref<!tpu.dma_semaphore, #tpu.memory_space<semaphore_mem>>
      %dma_start3A_169 = tpu.memref_slice %arg2[%mul3A_2] : memref<16384xi32, #tpu.memory_space<hbm>> -> memref<512xi32, #tpu.memory_space<hbm>>
      %dma_start3A_170 = tpu.memref_slice %arg2[%mul3A_2] : memref<16384xi32, #tpu.memory_space<hbm>> -> memref<512xi32, #tpu.memory_space<hbm>>
      tpu.enqueue_dma source(%dma_start3A_170 : memref<512xi32, #tpu.memory_space<hbm>>) target(%arg8 : memref<512xi32, #tpu.memory_space<vmem>>) target_semaphore(%run_scoped3A : memref<!tpu.dma_semaphore, #tpu.memory_space<semaphore_mem>>)
      %dma_wait3A = tpu.memref_slice %arg2[%mul3A_2] : memref<16384xi32, #tpu.memory_space<hbm>> -> memref<512xi32, #tpu.memory_space<hbm>>
      %dma_wait3A_171 = tpu.memref_slice %arg2[%mul3A_2] : memref<16384xi32, #tpu.memory_space<hbm>> -> memref<512xi32, #tpu.memory_space<hbm>>
      tpu.wait_dma2 semaphore(%run_scoped3A : memref<!tpu.dma_semaphore, #tpu.memory_space<semaphore_mem>>) src(%dma_wait3A_171 : memref<512xi32, #tpu.memory_space<hbm>>) dst(%arg8 : memref<512xi32, #tpu.memory_space<vmem>>)
      tpu.yield
    }) : () -> ()
    "tpu.region"() ({
      %run_scoped3A = tpu.sem_alloc : memref<!tpu.dma_semaphore, #tpu.memory_space<semaphore_mem>>
      %dma_start3A_169 = tpu.memref_slice %arg3[%mul3A_2] : memref<16384xi32, #tpu.memory_space<hbm>> -> memref<512xi32, #tpu.memory_space<hbm>>
      %dma_start3A_170 = tpu.memref_slice %arg3[%mul3A_2] : memref<16384xi32, #tpu.memory_space<hbm>> -> memref<512xi32, #tpu.memory_space<hbm>>
      tpu.enqueue_dma source(%dma_start3A_170 : memref<512xi32, #tpu.memory_space<hbm>>) target(%arg9 : memref<512xi32, #tpu.memory_space<vmem>>) target_semaphore(%run_scoped3A : memref<!tpu.dma_semaphore, #tpu.memory_space<semaphore_mem>>)
      %dma_wait3A = tpu.memref_slice %arg3[%mul3A_2] : memref<16384xi32, #tpu.memory_space<hbm>> -> memref<512xi32, #tpu.memory_space<hbm>>
      %dma_wait3A_171 = tpu.memref_slice %arg3[%mul3A_2] : memref<16384xi32, #tpu.memory_space<hbm>> -> memref<512xi32, #tpu.memory_space<hbm>>
      tpu.wait_dma2 semaphore(%run_scoped3A : memref<!tpu.dma_semaphore, #tpu.memory_space<semaphore_mem>>) src(%dma_wait3A_171 : memref<512xi32, #tpu.memory_space<hbm>>) dst(%arg9 : memref<512xi32, #tpu.memory_space<vmem>>)
      tpu.yield
    }) : () -> ()
    %iota3A = tpu.iota {dimensions = array<i32: 0>} : vector<16xi32>
    %add3A_3 = arith.constant 16 : i32
    %add3A_4 = vector.broadcast %add3A_3 : i32 to vector<16xi32>
    %add3A_5 = arith.addi %iota3A, %add3A_4 : vector<16xi32>
    %get3A = arith.constant 0 : index
    %get3A_6 = tpu.vector_load %arg8[%get3A] {strides = array<i32>} : memref<512xi32, #tpu.memory_space<vmem>>, vector<16xi32>,
    %get3A_7 = arith.constant 0 : index
    %get3A_8 = tpu.vector_load %arg9[%get3A_7] {strides = array<i32>} : memref<512xi32, #tpu.memory_space<vmem>>, vector<16xi32>,
    %slice3A = vector.extract_strided_slice %get3A_6 {offsets = [0], sizes = [1], strides = [1]} : vector<16xi32> to vector<1xi32>
    %squeeze3A = vector.extract %slice3A[0] : i32 from vector<1xi32>
    %slice3A_9 = vector.extract_strided_slice %get3A_8 {offsets = [0], sizes = [1], strides = [1]} : vector<16xi32> to vector<1xi32>
    %squeeze3A_10 = vector.extract %slice3A_9[0] : i32 from vector<1xi32>
    %shift_right_arithmetic3A = arith.constant 7 : i32
    %shift_right_arithmetic3A_11 = arith.shrsi %squeeze3A, %shift_right_arithmetic3A : i32
    %mul3A_12 = arith.constant 128 : i32
    %mul3A_13 = arith.muli %shift_right_arithmetic3A_11, %mul3A_12 : i32
    %multiple_of3A = tpu.assume_multiple %mul3A_13, 128 : i32
    %shift_right_arithmetic3A_14 = arith.constant 7 : i32
    %shift_right_arithmetic3A_15 = arith.shrsi %squeeze3A_10, %shift_right_arithmetic3A_14 : i32
    %mul3A_16 = arith.constant 128 : i32
    %mul3A_17 = arith.muli %shift_right_arithmetic3A_15, %mul3A_16 : i32
    %multiple_of3A_18 = tpu.assume_multiple %mul3A_17, 128 : i32
    %dma_start3A = arith.constant 0 : i32
    %dma_start3A_19 = arith.constant 0 : i32
    %dma_start3A_20 = arith.constant 0 : i32
    %dma_start3A_21 = tpu.memref_slice %arg10[%dma_start3A, %dma_start3A_19, %dma_start3A_20] : memref<4x32x128xf32, #tpu.memory_space<vmem>> -> memref<1x32x128xf32, #tpu.memory_space<vmem>>
    %dma_start3A_22 = tpu.memref_squeeze %dma_start3A_21 : memref<1x32x128xf32, #tpu.memory_space<vmem>> -> memref<32x128xf32, #tpu.memory_space<vmem>>
    %dma_start3A_23 = arith.constant 0 : i32
    %dma_start3A_24 = tpu.memref_slice %arg4[%dma_start3A_23, %multiple_of3A] : memref<32x1000000xf32, #tpu.memory_space<hbm>> -> memref<32x128xf32, #tpu.memory_space<hbm>>
    %dma_start3A_25 = arith.constant 0 : i32
    %dma_start3A_26 = arith.constant 0 : i32
    %dma_start3A_27 = tpu.memref_slice %arg10[%dma_start3A, %dma_start3A_25, %dma_start3A_26] : memref<4x32x128xf32, #tpu.memory_space<vmem>> -> memref<1x32x128xf32, #tpu.memory_space<vmem>>
    %dma_start3A_28 = tpu.memref_squeeze %dma_start3A_27 : memref<1x32x128xf32, #tpu.memory_space<vmem>> -> memref<32x128xf32, #tpu.memory_space<vmem>>
    %dma_start3A_29 = arith.constant 0 : i32
    %dma_start3A_30 = tpu.memref_slice %arg4[%dma_start3A_29, %multiple_of3A] : memref<32x1000000xf32, #tpu.memory_space<hbm>> -> memref<32x128xf32, #tpu.memory_space<hbm>>
    tpu.enqueue_dma source(%dma_start3A_30 : memref<32x128xf32, #tpu.memory_space<hbm>>) target(%dma_start3A_28 : memref<32x128xf32, #tpu.memory_space<vmem>>) target_semaphore(%arg15 : memref<!tpu.dma_semaphore, #tpu.memory_space<semaphore_mem>>)
    %dma_start3A_31 = arith.constant 0 : i32
    %dma_start3A_32 = arith.constant 0 : i32
    %dma_start3A_33 = arith.constant 0 : i32
    %dma_start3A_34 = tpu.memref_slice %arg12[%dma_start3A_31, %dma_start3A_32, %dma_start3A_33] : memref<4x32x128xf32, #tpu.memory_space<vmem>> -> memref<1x32x128xf32, #tpu.memory_space<vmem>>
    %dma_start3A_35 = tpu.memref_squeeze %dma_start3A_34 : memref<1x32x128xf32, #tpu.memory_space<vmem>> -> memref<32x128xf32, #tpu.memory_space<vmem>>
    %dma_start3A_36 = arith.constant 0 : i32
    %dma_start3A_37 = tpu.memref_slice %arg5[%dma_start3A_36, %multiple_of3A_18] : memref<32x1000000xf32, #tpu.memory_space<hbm>> -> memref<32x128xf32, #tpu.memory_space<hbm>>
    %dma_start3A_38 = arith.constant 0 : i32
    %dma_start3A_39 = arith.constant 0 : i32
    %dma_start3A_40 = tpu.memref_slice %arg12[%dma_start3A_31, %dma_start3A_38, %dma_start3A_39] : memref<4x32x128xf32, #tpu.memory_space<vmem>> -> memref<1x32x128xf32, #tpu.memory_space<vmem>>
    %dma_start3A_41 = tpu.memref_squeeze %dma_start3A_40 : memref<1x32x128xf32, #tpu.memory_space<vmem>> -> memref<32x128xf32, #tpu.memory_space<vmem>>
    %dma_start3A_42 = arith.constant 0 : i32
    %dma_start3A_43 = tpu.memref_slice %arg5[%dma_start3A_42, %multiple_of3A_18] : memref<32x1000000xf32, #tpu.memory_space<hbm>> -> memref<32x128xf32, #tpu.memory_space<hbm>>
    tpu.enqueue_dma source(%dma_start3A_43 : memref<32x128xf32, #tpu.memory_space<hbm>>) target(%dma_start3A_41 : memref<32x128xf32, #tpu.memory_space<vmem>>) target_semaphore(%arg15 : memref<!tpu.dma_semaphore, #tpu.memory_space<semaphore_mem>>)
    %slice3A_44 = vector.extract_strided_slice %get3A_6 {offsets = [1], sizes = [1], strides = [1]} : vector<16xi32> to vector<1xi32>
    %squeeze3A_45 = vector.extract %slice3A_44[0] : i32 from vector<1xi32>
    %slice3A_46 = vector.extract_strided_slice %get3A_8 {offsets = [1], sizes = [1], strides = [1]} : vector<16xi32> to vector<1xi32>
    %squeeze3A_47 = vector.extract %slice3A_46[0] : i32 from vector<1xi32>
    %shift_right_arithmetic3A_48 = arith.constant 7 : i32
    %shift_right_arithmetic3A_49 = arith.shrsi %squeeze3A_45, %shift_right_arithmetic3A_48 : i32
    %mul3A_50 = arith.constant 128 : i32
    %mul3A_51 = arith.muli %shift_right_arithmetic3A_49, %mul3A_50 : i32
    %multiple_of3A_52 = tpu.assume_multiple %mul3A_51, 128 : i32
    %shift_right_arithmetic3A_53 = arith.constant 7 : i32
    %shift_right_arithmetic3A_54 = arith.shrsi %squeeze3A_47, %shift_right_arithmetic3A_53 : i32
    %mul3A_55 = arith.constant 128 : i32
    %mul3A_56 = arith.muli %shift_right_arithmetic3A_54, %mul3A_55 : i32
    %multiple_of3A_57 = tpu.assume_multiple %mul3A_56, 128 : i32
    %dma_start3A_58 = arith.constant 1 : i32
    %dma_start3A_59 = arith.constant 0 : i32
    %dma_start3A_60 = arith.constant 0 : i32
    %dma_start3A_61 = tpu.memref_slice %arg10[%dma_start3A_58, %dma_start3A_59, %dma_start3A_60] : memref<4x32x128xf32, #tpu.memory_space<vmem>> -> memref<1x32x128xf32, #tpu.memory_space<vmem>>
    %dma_start3A_62 = tpu.memref_squeeze %dma_start3A_61 : memref<1x32x128xf32, #tpu.memory_space<vmem>> -> memref<32x128xf32, #tpu.memory_space<vmem>>
    %dma_start3A_63 = arith.constant 0 : i32
    %dma_start3A_64 = tpu.memref_slice %arg4[%dma_start3A_63, %multiple_of3A_52] : memref<32x1000000xf32, #tpu.memory_space<hbm>> -> memref<32x128xf32, #tpu.memory_space<hbm>>
    %dma_start3A_65 = arith.constant 0 : i32
    %dma_start3A_66 = arith.constant 0 : i32
    %dma_start3A_67 = tpu.memref_slice %arg10[%dma_start3A_58, %dma_start3A_65, %dma_start3A_66] : memref<4x32x128xf32, #tpu.memory_space<vmem>> -> memref<1x32x128xf32, #tpu.memory_space<vmem>>
    %dma_start3A_68 = tpu.memref_squeeze %dma_start3A_67 : memref<1x32x128xf32, #tpu.memory_space<vmem>> -> memref<32x128xf32, #tpu.memory_space<vmem>>
    %dma_start3A_69 = arith.constant 0 : i32
    %dma_start3A_70 = tpu.memref_slice %arg4[%dma_start3A_69, %multiple_of3A_52] : memref<32x1000000xf32, #tpu.memory_space<hbm>> -> memref<32x128xf32, #tpu.memory_space<hbm>>
    tpu.enqueue_dma source(%dma_start3A_70 : memref<32x128xf32, #tpu.memory_space<hbm>>) target(%dma_start3A_68 : memref<32x128xf32, #tpu.memory_space<vmem>>) target_semaphore(%arg15 : memref<!tpu.dma_semaphore, #tpu.memory_space<semaphore_mem>>)
    %dma_start3A_71 = arith.constant 1 : i32
    %dma_start3A_72 = arith.constant 0 : i32
    %dma_start3A_73 = arith.constant 0 : i32
    %dma_start3A_74 = tpu.memref_slice %arg12[%dma_start3A_71, %dma_start3A_72, %dma_start3A_73] : memref<4x32x128xf32, #tpu.memory_space<vmem>> -> memref<1x32x128xf32, #tpu.memory_space<vmem>>
    %dma_start3A_75 = tpu.memref_squeeze %dma_start3A_74 : memref<1x32x128xf32, #tpu.memory_space<vmem>> -> memref<32x128xf32, #tpu.memory_space<vmem>>
    %dma_start3A_76 = arith.constant 0 : i32
    %dma_start3A_77 = tpu.memref_slice %arg5[%dma_start3A_76, %multiple_of3A_57] : memref<32x1000000xf32, #tpu.memory_space<hbm>> -> memref<32x128xf32, #tpu.memory_space<hbm>>
    %dma_start3A_78 = arith.constant 0 : i32
    %dma_start3A_79 = arith.constant 0 : i32
    %dma_start3A_80 = tpu.memref_slice %arg12[%dma_start3A_71, %dma_start3A_78, %dma_start3A_79] : memref<4x32x128xf32, #tpu.memory_space<vmem>> -> memref<1x32x128xf32, #tpu.memory_space<vmem>>
    %dma_start3A_81 = tpu.memref_squeeze %dma_start3A_80 : memref<1x32x128xf32, #tpu.memory_space<vmem>> -> memref<32x128xf32, #tpu.memory_space<vmem>>
    %dma_start3A_82 = arith.constant 0 : i32
    %dma_start3A_83 = tpu.memref_slice %arg5[%dma_start3A_82, %multiple_of3A_57] : memref<32x1000000xf32, #tpu.memory_space<hbm>> -> memref<32x128xf32, #tpu.memory_space<hbm>>
    tpu.enqueue_dma source(%dma_start3A_83 : memref<32x128xf32, #tpu.memory_space<hbm>>) target(%dma_start3A_81 : memref<32x128xf32, #tpu.memory_space<vmem>>) target_semaphore(%arg15 : memref<!tpu.dma_semaphore, #tpu.memory_space<semaphore_mem>>)
    %slice3A_84 = vector.extract_strided_slice %get3A_6 {offsets = [2], sizes = [1], strides = [1]} : vector<16xi32> to vector<1xi32>
    %squeeze3A_85 = vector.extract %slice3A_84[0] : i32 from vector<1xi32>
    %slice3A_86 = vector.extract_strided_slice %get3A_8 {offsets = [2], sizes = [1], strides = [1]} : vector<16xi32> to vector<1xi32>
    %squeeze3A_87 = vector.extract %slice3A_86[0] : i32 from vector<1xi32>
    %shift_right_arithmetic3A_88 = arith.constant 7 : i32
    %shift_right_arithmetic3A_89 = arith.shrsi %squeeze3A_85, %shift_right_arithmetic3A_88 : i32
    %mul3A_90 = arith.constant 128 : i32
    %mul3A_91 = arith.muli %shift_right_arithmetic3A_89, %mul3A_90 : i32
    %multiple_of3A_92 = tpu.assume_multiple %mul3A_91, 128 : i32
    %shift_right_arithmetic3A_93 = arith.constant 7 : i32
    %shift_right_arithmetic3A_94 = arith.shrsi %squeeze3A_87, %shift_right_arithmetic3A_93 : i32
    %mul3A_95 = arith.constant 128 : i32
    %mul3A_96 = arith.muli %shift_right_arithmetic3A_94, %mul3A_95 : i32
    %multiple_of3A_97 = tpu.assume_multiple %mul3A_96, 128 : i32
    %dma_start3A_98 = arith.constant 2 : i32
    %dma_start3A_99 = arith.constant 0 : i32
    %dma_start3A_100 = arith.constant 0 : i32
    %dma_start3A_101 = tpu.memref_slice %arg10[%dma_start3A_98, %dma_start3A_99, %dma_start3A_100] : memref<4x32x128xf32, #tpu.memory_space<vmem>> -> memref<1x32x128xf32, #tpu.memory_space<vmem>>
    %dma_start3A_102 = tpu.memref_squeeze %dma_start3A_101 : memref<1x32x128xf32, #tpu.memory_space<vmem>> -> memref<32x128xf32, #tpu.memory_space<vmem>>
    %dma_start3A_103 = arith.constant 0 : i32
    %dma_start3A_104 = tpu.memref_slice %arg4[%dma_start3A_103, %multiple_of3A_92] : memref<32x1000000xf32, #tpu.memory_space<hbm>> -> memref<32x128xf32, #tpu.memory_space<hbm>>
    %dma_start3A_105 = arith.constant 0 : i32
    %dma_start3A_106 = arith.constant 0 : i32
    %dma_start3A_107 = tpu.memref_slice %arg10[%dma_start3A_98, %dma_start3A_105, %dma_start3A_106] : memref<4x32x128xf32, #tpu.memory_space<vmem>> -> memref<1x32x128xf32, #tpu.memory_space<vmem>>
    %dma_start3A_108 = tpu.memref_squeeze %dma_start3A_107 : memref<1x32x128xf32, #tpu.memory_space<vmem>> -> memref<32x128xf32, #tpu.memory_space<vmem>>
    %dma_start3A_109 = arith.constant 0 : i32
    %dma_start3A_110 = tpu.memref_slice %arg4[%dma_start3A_109, %multiple_of3A_92] : memref<32x1000000xf32, #tpu.memory_space<hbm>> -> memref<32x128xf32, #tpu.memory_space<hbm>>
    tpu.enqueue_dma source(%dma_start3A_110 : memref<32x128xf32, #tpu.memory_space<hbm>>) target(%dma_start3A_108 : memref<32x128xf32, #tpu.memory_space<vmem>>) target_semaphore(%arg15 : memref<!tpu.dma_semaphore, #tpu.memory_space<semaphore_mem>>)
    %dma_start3A_111 = arith.constant 2 : i32
    %dma_start3A_112 = arith.constant 0 : i32
    %dma_start3A_113 = arith.constant 0 : i32
    %dma_start3A_114 = tpu.memref_slice %arg12[%dma_start3A_111, %dma_start3A_112, %dma_start3A_113] : memref<4x32x128xf32, #tpu.memory_space<vmem>> -> memref<1x32x128xf32, #tpu.memory_space<vmem>>
    %dma_start3A_115 = tpu.memref_squeeze %dma_start3A_114 : memref<1x32x128xf32, #tpu.memory_space<vmem>> -> memref<32x128xf32, #tpu.memory_space<vmem>>
    %dma_start3A_116 = arith.constant 0 : i32
    %dma_start3A_117 = tpu.memref_slice %arg5[%dma_start3A_116, %multiple_of3A_97] : memref<32x1000000xf32, #tpu.memory_space<hbm>> -> memref<32x128xf32, #tpu.memory_space<hbm>>
    %dma_start3A_118 = arith.constant 0 : i32
    %dma_start3A_119 = arith.constant 0 : i32
    %dma_start3A_120 = tpu.memref_slice %arg12[%dma_start3A_111, %dma_start3A_118, %dma_start3A_119] : memref<4x32x128xf32, #tpu.memory_space<vmem>> -> memref<1x32x128xf32, #tpu.memory_space<vmem>>
    %dma_start3A_121 = tpu.memref_squeeze %dma_start3A_120 : memref<1x32x128xf32, #tpu.memory_space<vmem>> -> memref<32x128xf32, #tpu.memory_space<vmem>>
    %dma_start3A_122 = arith.constant 0 : i32
    %dma_start3A_123 = tpu.memref_slice %arg5[%dma_start3A_122, %multiple_of3A_97] : memref<32x1000000xf32, #tpu.memory_space<hbm>> -> memref<32x128xf32, #tpu.memory_space<hbm>>
    tpu.enqueue_dma source(%dma_start3A_123 : memref<32x128xf32, #tpu.memory_space<hbm>>) target(%dma_start3A_121 : memref<32x128xf32, #tpu.memory_space<vmem>>) target_semaphore(%arg15 : memref<!tpu.dma_semaphore, #tpu.memory_space<semaphore_mem>>)
    %slice3A_124 = vector.extract_strided_slice %get3A_6 {offsets = [3], sizes = [1], strides = [1]} : vector<16xi32> to vector<1xi32>
    %squeeze3A_125 = vector.extract %slice3A_124[0] : i32 from vector<1xi32>
    %slice3A_126 = vector.extract_strided_slice %get3A_8 {offsets = [3], sizes = [1], strides = [1]} : vector<16xi32> to vector<1xi32>
    %squeeze3A_127 = vector.extract %slice3A_126[0] : i32 from vector<1xi32>
    %shift_right_arithmetic3A_128 = arith.constant 7 : i32
    %shift_right_arithmetic3A_129 = arith.shrsi %squeeze3A_125, %shift_right_arithmetic3A_128 : i32
    %mul3A_130 = arith.constant 128 : i32
    %mul3A_131 = arith.muli %shift_right_arithmetic3A_129, %mul3A_130 : i32
    %multiple_of3A_132 = tpu.assume_multiple %mul3A_131, 128 : i32
    %shift_right_arithmetic3A_133 = arith.constant 7 : i32
    %shift_right_arithmetic3A_134 = arith.shrsi %squeeze3A_127, %shift_right_arithmetic3A_133 : i32
    %mul3A_135 = arith.constant 128 : i32
    %mul3A_136 = arith.muli %shift_right_arithmetic3A_134, %mul3A_135 : i32
    %multiple_of3A_137 = tpu.assume_multiple %mul3A_136, 128 : i32
    %dma_start3A_138 = arith.constant 3 : i32
    %dma_start3A_139 = arith.constant 0 : i32
    %dma_start3A_140 = arith.constant 0 : i32
    %dma_start3A_141 = tpu.memref_slice %arg10[%dma_start3A_138, %dma_start3A_139, %dma_start3A_140] : memref<4x32x128xf32, #tpu.memory_space<vmem>> -> memref<1x32x128xf32, #tpu.memory_space<vmem>>
    %dma_start3A_142 = tpu.memref_squeeze %dma_start3A_141 : memref<1x32x128xf32, #tpu.memory_space<vmem>> -> memref<32x128xf32, #tpu.memory_space<vmem>>
    %dma_start3A_143 = arith.constant 0 : i32
    %dma_start3A_144 = tpu.memref_slice %arg4[%dma_start3A_143, %multiple_of3A_132] : memref<32x1000000xf32, #tpu.memory_space<hbm>> -> memref<32x128xf32, #tpu.memory_space<hbm>>
    %dma_start3A_145 = arith.constant 0 : i32
    %dma_start3A_146 = arith.constant 0 : i32
    %dma_start3A_147 = tpu.memref_slice %arg10[%dma_start3A_138, %dma_start3A_145, %dma_start3A_146] : memref<4x32x128xf32, #tpu.memory_space<vmem>> -> memref<1x32x128xf32, #tpu.memory_space<vmem>>
    %dma_start3A_148 = tpu.memref_squeeze %dma_start3A_147 : memref<1x32x128xf32, #tpu.memory_space<vmem>> -> memref<32x128xf32, #tpu.memory_space<vmem>>
    %dma_start3A_149 = arith.constant 0 : i32
    %dma_start3A_150 = tpu.memref_slice %arg4[%dma_start3A_149, %multiple_of3A_132] : memref<32x1000000xf32, #tpu.memory_space<hbm>> -> memref<32x128xf32, #tpu.memory_space<hbm>>
    tpu.enqueue_dma source(%dma_start3A_150 : memref<32x128xf32, #tpu.memory_space<hbm>>) target(%dma_start3A_148 : memref<32x128xf32, #tpu.memory_space<vmem>>) target_semaphore(%arg15 : memref<!tpu.dma_semaphore, #tpu.memory_space<semaphore_mem>>)
    %dma_start3A_151 = arith.constant 3 : i32
    %dma_start3A_152 = arith.constant 0 : i32
    %dma_start3A_153 = arith.constant 0 : i32
    %dma_start3A_154 = tpu.memref_slice %arg12[%dma_start3A_151, %dma_start3A_152, %dma_start3A_153] : memref<4x32x128xf32, #tpu.memory_space<vmem>> -> memref<1x32x128xf32, #tpu.memory_space<vmem>>
    %dma_start3A_155 = tpu.memref_squeeze %dma_start3A_154 : memref<1x32x128xf32, #tpu.memory_space<vmem>> -> memref<32x128xf32, #tpu.memory_space<vmem>>
    %dma_start3A_156 = arith.constant 0 : i32
    %dma_start3A_157 = tpu.memref_slice %arg5[%dma_start3A_156, %multiple_of3A_137] : memref<32x1000000xf32, #tpu.memory_space<hbm>> -> memref<32x128xf32, #tpu.memory_space<hbm>>
    %dma_start3A_158 = arith.constant 0 : i32
    %dma_start3A_159 = arith.constant 0 : i32
    %dma_start3A_160 = tpu.memref_slice %arg12[%dma_start3A_151, %dma_start3A_158, %dma_start3A_159] : memref<4x32x128xf32, #tpu.memory_space<vmem>> -> memref<1x32x128xf32, #tpu.memory_space<vmem>>
    %dma_start3A_161 = tpu.memref_squeeze %dma_start3A_160 : memref<1x32x128xf32, #tpu.memory_space<vmem>> -> memref<32x128xf32, #tpu.memory_space<vmem>>
    %dma_start3A_162 = arith.constant 0 : i32
    %dma_start3A_163 = tpu.memref_slice %arg5[%dma_start3A_162, %multiple_of3A_137] : memref<32x1000000xf32, #tpu.memory_space<hbm>> -> memref<32x128xf32, #tpu.memory_space<hbm>>
    tpu.enqueue_dma source(%dma_start3A_163 : memref<32x128xf32, #tpu.memory_space<hbm>>) target(%dma_start3A_161 : memref<32x128xf32, #tpu.memory_space<vmem>>) target_semaphore(%arg15 : memref<!tpu.dma_semaphore, #tpu.memory_space<semaphore_mem>>)
    %iota3A_164 = tpu.iota {dimensions = array<i32: 0>} : vector<16xi32>
    %scan3A = arith.constant 0 : i32
    %scan3A_165 = arith.constant 32 : i32
    %scan3A_166 = arith.addi %scan3A, %scan3A_165 : i32
    %scan3A_167 = arith.constant 1 : i32
    scf.for %scan3A_169 = %scan3A to %scan3A_166 step %scan3A_167  : i32 {
      %mul3A_170 = arith.constant 1 : i32
      %mul3A_171 = arith.muli %scan3A_169, %mul3A_170 : i32
      %add3A_172 = arith.constant 0 : i32
      %add3A_173 = arith.addi %add3A_172, %mul3A_171 : i32
      %mul3A_174 = arith.constant 16 : i32
      %mul3A_175 = arith.muli %add3A_173, %mul3A_174 : i32
      %broadcast_in_dim3A = arith.constant 0.000000e+00 : f32
      %broadcast_in_dim3A_176 = vector.broadcast %broadcast_in_dim3A : f32 to vector<16xf32>
      %get3A_177 = arith.index_cast %mul3A_175 : i32 to index
      %get3A_178 = tpu.vector_load %arg8[%get3A_177] {strides = array<i32>} : memref<512xi32, #tpu.memory_space<vmem>>, vector<16xi32>,
      %get3A_179 = arith.index_cast %mul3A_175 : i32 to index
      %get3A_180 = tpu.vector_load %arg9[%get3A_179] {strides = array<i32>} : memref<512xi32, #tpu.memory_space<vmem>>, vector<16xi32>,
      %slice3A_181 = vector.extract_strided_slice %get3A_178 {offsets = [4], sizes = [1], strides = [1]} : vector<16xi32> to vector<1xi32>
      %squeeze3A_182 = vector.extract %slice3A_181[0] : i32 from vector<1xi32>
      %slice3A_183 = vector.extract_strided_slice %get3A_180 {offsets = [4], sizes = [1], strides = [1]} : vector<16xi32> to vector<1xi32>
      %squeeze3A_184 = vector.extract %slice3A_183[0] : i32 from vector<1xi32>
      %shift_right_arithmetic3A_185 = arith.constant 7 : i32
      %shift_right_arithmetic3A_186 = arith.shrsi %squeeze3A_182, %shift_right_arithmetic3A_185 : i32
      %mul3A_187 = arith.constant 128 : i32
      %mul3A_188 = arith.muli %shift_right_arithmetic3A_186, %mul3A_187 : i32
      %multiple_of3A_189 = tpu.assume_multiple %mul3A_188, 128 : i32
      %shift_right_arithmetic3A_190 = arith.constant 7 : i32
      %shift_right_arithmetic3A_191 = arith.shrsi %squeeze3A_184, %shift_right_arithmetic3A_190 : i32
      %mul3A_192 = arith.constant 128 : i32
      %mul3A_193 = arith.muli %shift_right_arithmetic3A_191, %mul3A_192 : i32
      %multiple_of3A_194 = tpu.assume_multiple %mul3A_193, 128 : i32
      %dma_start3A_195 = arith.constant 0 : i32
      %dma_start3A_196 = arith.constant 0 : i32
      %dma_start3A_197 = arith.constant 0 : i32
      %dma_start3A_198 = tpu.memref_slice %arg11[%dma_start3A_195, %dma_start3A_196, %dma_start3A_197] : memref<4x32x128xf32, #tpu.memory_space<vmem>> -> memref<1x32x128xf32, #tpu.memory_space<vmem>>
      %dma_start3A_199 = tpu.memref_squeeze %dma_start3A_198 : memref<1x32x128xf32, #tpu.memory_space<vmem>> -> memref<32x128xf32, #tpu.memory_space<vmem>>
      %dma_start3A_200 = arith.constant 0 : i32
      %dma_start3A_201 = tpu.memref_slice %arg4[%dma_start3A_200, %multiple_of3A_189] : memref<32x1000000xf32, #tpu.memory_space<hbm>> -> memref<32x128xf32, #tpu.memory_space<hbm>>
      %dma_start3A_202 = arith.constant 0 : i32
      %dma_start3A_203 = arith.constant 0 : i32
      %dma_start3A_204 = tpu.memref_slice %arg11[%dma_start3A_195, %dma_start3A_202, %dma_start3A_203] : memref<4x32x128xf32, #tpu.memory_space<vmem>> -> memref<1x32x128xf32, #tpu.memory_space<vmem>>
      %dma_start3A_205 = tpu.memref_squeeze %dma_start3A_204 : memref<1x32x128xf32, #tpu.memory_space<vmem>> -> memref<32x128xf32, #tpu.memory_space<vmem>>
      %dma_start3A_206 = arith.constant 0 : i32
      %dma_start3A_207 = tpu.memref_slice %arg4[%dma_start3A_206, %multiple_of3A_189] : memref<32x1000000xf32, #tpu.memory_space<hbm>> -> memref<32x128xf32, #tpu.memory_space<hbm>>
      tpu.enqueue_dma source(%dma_start3A_207 : memref<32x128xf32, #tpu.memory_space<hbm>>) target(%dma_start3A_205 : memref<32x128xf32, #tpu.memory_space<vmem>>) target_semaphore(%arg16 : memref<!tpu.dma_semaphore, #tpu.memory_space<semaphore_mem>>)
      %dma_start3A_208 = arith.constant 0 : i32
      %dma_start3A_209 = arith.constant 0 : i32
      %dma_start3A_210 = arith.constant 0 : i32
      %dma_start3A_211 = tpu.memref_slice %arg13[%dma_start3A_208, %dma_start3A_209, %dma_start3A_210] : memref<4x32x128xf32, #tpu.memory_space<vmem>> -> memref<1x32x128xf32, #tpu.memory_space<vmem>>
      %dma_start3A_212 = tpu.memref_squeeze %dma_start3A_211 : memref<1x32x128xf32, #tpu.memory_space<vmem>> -> memref<32x128xf32, #tpu.memory_space<vmem>>
      %dma_start3A_213 = arith.constant 0 : i32
      %dma_start3A_214 = tpu.memref_slice %arg5[%dma_start3A_213, %multiple_of3A_194] : memref<32x1000000xf32, #tpu.memory_space<hbm>> -> memref<32x128xf32, #tpu.memory_space<hbm>>
      %dma_start3A_215 = arith.constant 0 : i32
      %dma_start3A_216 = arith.constant 0 : i32
      %dma_start3A_217 = tpu.memref_slice %arg13[%dma_start3A_208, %dma_start3A_215, %dma_start3A_216] : memref<4x32x128xf32, #tpu.memory_space<vmem>> -> memref<1x32x128xf32, #tpu.memory_space<vmem>>
      %dma_start3A_218 = tpu.memref_squeeze %dma_start3A_217 : memref<1x32x128xf32, #tpu.memory_space<vmem>> -> memref<32x128xf32, #tpu.memory_space<vmem>>
      %dma_start3A_219 = arith.constant 0 : i32
      %dma_start3A_220 = tpu.memref_slice %arg5[%dma_start3A_219, %multiple_of3A_194] : memref<32x1000000xf32, #tpu.memory_space<hbm>> -> memref<32x128xf32, #tpu.memory_space<hbm>>
      tpu.enqueue_dma source(%dma_start3A_220 : memref<32x128xf32, #tpu.memory_space<hbm>>) target(%dma_start3A_218 : memref<32x128xf32, #tpu.memory_space<vmem>>) target_semaphore(%arg16 : memref<!tpu.dma_semaphore, #tpu.memory_space<semaphore_mem>>)
      %slice3A_221 = vector.extract_strided_slice %get3A_178 {offsets = [5], sizes = [1], strides = [1]} : vector<16xi32> to vector<1xi32>
      %squeeze3A_222 = vector.extract %slice3A_221[0] : i32 from vector<1xi32>
      %slice3A_223 = vector.extract_strided_slice %get3A_180 {offsets = [5], sizes = [1], strides = [1]} : vector<16xi32> to vector<1xi32>
      %squeeze3A_224 = vector.extract %slice3A_223[0] : i32 from vector<1xi32>
      %shift_right_arithmetic3A_225 = arith.constant 7 : i32
      %shift_right_arithmetic3A_226 = arith.shrsi %squeeze3A_222, %shift_right_arithmetic3A_225 : i32
      %mul3A_227 = arith.constant 128 : i32
      %mul3A_228 = arith.muli %shift_right_arithmetic3A_226, %mul3A_227 : i32
      %multiple_of3A_229 = tpu.assume_multiple %mul3A_228, 128 : i32
      %shift_right_arithmetic3A_230 = arith.constant 7 : i32
      %shift_right_arithmetic3A_231 = arith.shrsi %squeeze3A_224, %shift_right_arithmetic3A_230 : i32
      %mul3A_232 = arith.constant 128 : i32
      %mul3A_233 = arith.muli %shift_right_arithmetic3A_231, %mul3A_232 : i32
      %multiple_of3A_234 = tpu.assume_multiple %mul3A_233, 128 : i32
      %dma_start3A_235 = arith.constant 1 : i32
      %dma_start3A_236 = arith.constant 0 : i32
      %dma_start3A_237 = arith.constant 0 : i32
      %dma_start3A_238 = tpu.memref_slice %arg11[%dma_start3A_235, %dma_start3A_236, %dma_start3A_237] : memref<4x32x128xf32, #tpu.memory_space<vmem>> -> memref<1x32x128xf32, #tpu.memory_space<vmem>>
      %dma_start3A_239 = tpu.memref_squeeze %dma_start3A_238 : memref<1x32x128xf32, #tpu.memory_space<vmem>> -> memref<32x128xf32, #tpu.memory_space<vmem>>
      %dma_start3A_240 = arith.constant 0 : i32
      %dma_start3A_241 = tpu.memref_slice %arg4[%dma_start3A_240, %multiple_of3A_229] : memref<32x1000000xf32, #tpu.memory_space<hbm>> -> memref<32x128xf32, #tpu.memory_space<hbm>>
      %dma_start3A_242 = arith.constant 0 : i32
      %dma_start3A_243 = arith.constant 0 : i32
      %dma_start3A_244 = tpu.memref_slice %arg11[%dma_start3A_235, %dma_start3A_242, %dma_start3A_243] : memref<4x32x128xf32, #tpu.memory_space<vmem>> -> memref<1x32x128xf32, #tpu.memory_space<vmem>>
      %dma_start3A_245 = tpu.memref_squeeze %dma_start3A_244 : memref<1x32x128xf32, #tpu.memory_space<vmem>> -> memref<32x128xf32, #tpu.memory_space<vmem>>
      %dma_start3A_246 = arith.constant 0 : i32
      %dma_start3A_247 = tpu.memref_slice %arg4[%dma_start3A_246, %multiple_of3A_229] : memref<32x1000000xf32, #tpu.memory_space<hbm>> -> memref<32x128xf32, #tpu.memory_space<hbm>>
      tpu.enqueue_dma source(%dma_start3A_247 : memref<32x128xf32, #tpu.memory_space<hbm>>) target(%dma_start3A_245 : memref<32x128xf32, #tpu.memory_space<vmem>>) target_semaphore(%arg16 : memref<!tpu.dma_semaphore, #tpu.memory_space<semaphore_mem>>)
      %dma_start3A_248 = arith.constant 1 : i32
      %dma_start3A_249 = arith.constant 0 : i32
      %dma_start3A_250 = arith.constant 0 : i32
      %dma_start3A_251 = tpu.memref_slice %arg13[%dma_start3A_248, %dma_start3A_249, %dma_start3A_250] : memref<4x32x128xf32, #tpu.memory_space<vmem>> -> memref<1x32x128xf32, #tpu.memory_space<vmem>>
      %dma_start3A_252 = tpu.memref_squeeze %dma_start3A_251 : memref<1x32x128xf32, #tpu.memory_space<vmem>> -> memref<32x128xf32, #tpu.memory_space<vmem>>
      %dma_start3A_253 = arith.constant 0 : i32
      %dma_start3A_254 = tpu.memref_slice %arg5[%dma_start3A_253, %multiple_of3A_234] : memref<32x1000000xf32, #tpu.memory_space<hbm>> -> memref<32x128xf32, #tpu.memory_space<hbm>>
      %dma_start3A_255 = arith.constant 0 : i32
      %dma_start3A_256 = arith.constant 0 : i32
      %dma_start3A_257 = tpu.memref_slice %arg13[%dma_start3A_248, %dma_start3A_255, %dma_start3A_256] : memref<4x32x128xf32, #tpu.memory_space<vmem>> -> memref<1x32x128xf32, #tpu.memory_space<vmem>>
      %dma_start3A_258 = tpu.memref_squeeze %dma_start3A_257 : memref<1x32x128xf32, #tpu.memory_space<vmem>> -> memref<32x128xf32, #tpu.memory_space<vmem>>
      %dma_start3A_259 = arith.constant 0 : i32
      %dma_start3A_260 = tpu.memref_slice %arg5[%dma_start3A_259, %multiple_of3A_234] : memref<32x1000000xf32, #tpu.memory_space<hbm>> -> memref<32x128xf32, #tpu.memory_space<hbm>>
      tpu.enqueue_dma source(%dma_start3A_260 : memref<32x128xf32, #tpu.memory_space<hbm>>) target(%dma_start3A_258 : memref<32x128xf32, #tpu.memory_space<vmem>>) target_semaphore(%arg16 : memref<!tpu.dma_semaphore, #tpu.memory_space<semaphore_mem>>)
      %slice3A_261 = vector.extract_strided_slice %get3A_178 {offsets = [6], sizes = [1], strides = [1]} : vector<16xi32> to vector<1xi32>
      %squeeze3A_262 = vector.extract %slice3A_261[0] : i32 from vector<1xi32>
      %slice3A_263 = vector.extract_strided_slice %get3A_180 {offsets = [6], sizes = [1], strides = [1]} : vector<16xi32> to vector<1xi32>
      %squeeze3A_264 = vector.extract %slice3A_263[0] : i32 from vector<1xi32>
      %shift_right_arithmetic3A_265 = arith.constant 7 : i32
      %shift_right_arithmetic3A_266 = arith.shrsi %squeeze3A_262, %shift_right_arithmetic3A_265 : i32
      %mul3A_267 = arith.constant 128 : i32
      %mul3A_268 = arith.muli %shift_right_arithmetic3A_266, %mul3A_267 : i32
      %multiple_of3A_269 = tpu.assume_multiple %mul3A_268, 128 : i32
      %shift_right_arithmetic3A_270 = arith.constant 7 : i32
      %shift_right_arithmetic3A_271 = arith.shrsi %squeeze3A_264, %shift_right_arithmetic3A_270 : i32
      %mul3A_272 = arith.constant 128 : i32
      %mul3A_273 = arith.muli %shift_right_arithmetic3A_271, %mul3A_272 : i32
      %multiple_of3A_274 = tpu.assume_multiple %mul3A_273, 128 : i32
      %dma_start3A_275 = arith.constant 2 : i32
      %dma_start3A_276 = arith.constant 0 : i32
      %dma_start3A_277 = arith.constant 0 : i32
      %dma_start3A_278 = tpu.memref_slice %arg11[%dma_start3A_275, %dma_start3A_276, %dma_start3A_277] : memref<4x32x128xf32, #tpu.memory_space<vmem>> -> memref<1x32x128xf32, #tpu.memory_space<vmem>>
      %dma_start3A_279 = tpu.memref_squeeze %dma_start3A_278 : memref<1x32x128xf32, #tpu.memory_space<vmem>> -> memref<32x128xf32, #tpu.memory_space<vmem>>
      %dma_start3A_280 = arith.constant 0 : i32
      %dma_start3A_281 = tpu.memref_slice %arg4[%dma_start3A_280, %multiple_of3A_269] : memref<32x1000000xf32, #tpu.memory_space<hbm>> -> memref<32x128xf32, #tpu.memory_space<hbm>>
      %dma_start3A_282 = arith.constant 0 : i32
      %dma_start3A_283 = arith.constant 0 : i32
      %dma_start3A_284 = tpu.memref_slice %arg11[%dma_start3A_275, %dma_start3A_282, %dma_start3A_283] : memref<4x32x128xf32, #tpu.memory_space<vmem>> -> memref<1x32x128xf32, #tpu.memory_space<vmem>>
      %dma_start3A_285 = tpu.memref_squeeze %dma_start3A_284 : memref<1x32x128xf32, #tpu.memory_space<vmem>> -> memref<32x128xf32, #tpu.memory_space<vmem>>
      %dma_start3A_286 = arith.constant 0 : i32
      %dma_start3A_287 = tpu.memref_slice %arg4[%dma_start3A_286, %multiple_of3A_269] : memref<32x1000000xf32, #tpu.memory_space<hbm>> -> memref<32x128xf32, #tpu.memory_space<hbm>>
      tpu.enqueue_dma source(%dma_start3A_287 : memref<32x128xf32, #tpu.memory_space<hbm>>) target(%dma_start3A_285 : memref<32x128xf32, #tpu.memory_space<vmem>>) target_semaphore(%arg16 : memref<!tpu.dma_semaphore, #tpu.memory_space<semaphore_mem>>)
      %dma_start3A_288 = arith.constant 2 : i32
      %dma_start3A_289 = arith.constant 0 : i32
      %dma_start3A_290 = arith.constant 0 : i32
      %dma_start3A_291 = tpu.memref_slice %arg13[%dma_start3A_288, %dma_start3A_289, %dma_start3A_290] : memref<4x32x128xf32, #tpu.memory_space<vmem>> -> memref<1x32x128xf32, #tpu.memory_space<vmem>>
      %dma_start3A_292 = tpu.memref_squeeze %dma_start3A_291 : memref<1x32x128xf32, #tpu.memory_space<vmem>> -> memref<32x128xf32, #tpu.memory_space<vmem>>
      %dma_start3A_293 = arith.constant 0 : i32
      %dma_start3A_294 = tpu.memref_slice %arg5[%dma_start3A_293, %multiple_of3A_274] : memref<32x1000000xf32, #tpu.memory_space<hbm>> -> memref<32x128xf32, #tpu.memory_space<hbm>>
      %dma_start3A_295 = arith.constant 0 : i32
      %dma_start3A_296 = arith.constant 0 : i32
      %dma_start3A_297 = tpu.memref_slice %arg13[%dma_start3A_288, %dma_start3A_295, %dma_start3A_296] : memref<4x32x128xf32, #tpu.memory_space<vmem>> -> memref<1x32x128xf32, #tpu.memory_space<vmem>>
      %dma_start3A_298 = tpu.memref_squeeze %dma_start3A_297 : memref<1x32x128xf32, #tpu.memory_space<vmem>> -> memref<32x128xf32, #tpu.memory_space<vmem>>
      %dma_start3A_299 = arith.constant 0 : i32
      %dma_start3A_300 = tpu.memref_slice %arg5[%dma_start3A_299, %multiple_of3A_274] : memref<32x1000000xf32, #tpu.memory_space<hbm>> -> memref<32x128xf32, #tpu.memory_space<hbm>>
      tpu.enqueue_dma source(%dma_start3A_300 : memref<32x128xf32, #tpu.memory_space<hbm>>) target(%dma_start3A_298 : memref<32x128xf32, #tpu.memory_space<vmem>>) target_semaphore(%arg16 : memref<!tpu.dma_semaphore, #tpu.memory_space<semaphore_mem>>)
      %slice3A_301 = vector.extract_strided_slice %get3A_178 {offsets = [7], sizes = [1], strides = [1]} : vector<16xi32> to vector<1xi32>
      %squeeze3A_302 = vector.extract %slice3A_301[0] : i32 from vector<1xi32>
      %slice3A_303 = vector.extract_strided_slice %get3A_180 {offsets = [7], sizes = [1], strides = [1]} : vector<16xi32> to vector<1xi32>
      %squeeze3A_304 = vector.extract %slice3A_303[0] : i32 from vector<1xi32>
      %shift_right_arithmetic3A_305 = arith.constant 7 : i32
      %shift_right_arithmetic3A_306 = arith.shrsi %squeeze3A_302, %shift_right_arithmetic3A_305 : i32
      %mul3A_307 = arith.constant 128 : i32
      %mul3A_308 = arith.muli %shift_right_arithmetic3A_306, %mul3A_307 : i32
      %multiple_of3A_309 = tpu.assume_multiple %mul3A_308, 128 : i32
      %shift_right_arithmetic3A_310 = arith.constant 7 : i32
      %shift_right_arithmetic3A_311 = arith.shrsi %squeeze3A_304, %shift_right_arithmetic3A_310 : i32
      %mul3A_312 = arith.constant 128 : i32
      %mul3A_313 = arith.muli %shift_right_arithmetic3A_311, %mul3A_312 : i32
      %multiple_of3A_314 = tpu.assume_multiple %mul3A_313, 128 : i32
      %dma_start3A_315 = arith.constant 3 : i32
      %dma_start3A_316 = arith.constant 0 : i32
      %dma_start3A_317 = arith.constant 0 : i32
      %dma_start3A_318 = tpu.memref_slice %arg11[%dma_start3A_315, %dma_start3A_316, %dma_start3A_317] : memref<4x32x128xf32, #tpu.memory_space<vmem>> -> memref<1x32x128xf32, #tpu.memory_space<vmem>>
      %dma_start3A_319 = tpu.memref_squeeze %dma_start3A_318 : memref<1x32x128xf32, #tpu.memory_space<vmem>> -> memref<32x128xf32, #tpu.memory_space<vmem>>
      %dma_start3A_320 = arith.constant 0 : i32
      %dma_start3A_321 = tpu.memref_slice %arg4[%dma_start3A_320, %multiple_of3A_309] : memref<32x1000000xf32, #tpu.memory_space<hbm>> -> memref<32x128xf32, #tpu.memory_space<hbm>>
      %dma_start3A_322 = arith.constant 0 : i32
      %dma_start3A_323 = arith.constant 0 : i32
      %dma_start3A_324 = tpu.memref_slice %arg11[%dma_start3A_315, %dma_start3A_322, %dma_start3A_323] : memref<4x32x128xf32, #tpu.memory_space<vmem>> -> memref<1x32x128xf32, #tpu.memory_space<vmem>>
      %dma_start3A_325 = tpu.memref_squeeze %dma_start3A_324 : memref<1x32x128xf32, #tpu.memory_space<vmem>> -> memref<32x128xf32, #tpu.memory_space<vmem>>
      %dma_start3A_326 = arith.constant 0 : i32
      %dma_start3A_327 = tpu.memref_slice %arg4[%dma_start3A_326, %multiple_of3A_309] : memref<32x1000000xf32, #tpu.memory_space<hbm>> -> memref<32x128xf32, #tpu.memory_space<hbm>>
      tpu.enqueue_dma source(%dma_start3A_327 : memref<32x128xf32, #tpu.memory_space<hbm>>) target(%dma_start3A_325 : memref<32x128xf32, #tpu.memory_space<vmem>>) target_semaphore(%arg16 : memref<!tpu.dma_semaphore, #tpu.memory_space<semaphore_mem>>)
      %dma_start3A_328 = arith.constant 3 : i32
      %dma_start3A_329 = arith.constant 0 : i32
      %dma_start3A_330 = arith.constant 0 : i32
      %dma_start3A_331 = tpu.memref_slice %arg13[%dma_start3A_328, %dma_start3A_329, %dma_start3A_330] : memref<4x32x128xf32, #tpu.memory_space<vmem>> -> memref<1x32x128xf32, #tpu.memory_space<vmem>>
      %dma_start3A_332 = tpu.memref_squeeze %dma_start3A_331 : memref<1x32x128xf32, #tpu.memory_space<vmem>> -> memref<32x128xf32, #tpu.memory_space<vmem>>
      %dma_start3A_333 = arith.constant 0 : i32
      %dma_start3A_334 = tpu.memref_slice %arg5[%dma_start3A_333, %multiple_of3A_314] : memref<32x1000000xf32, #tpu.memory_space<hbm>> -> memref<32x128xf32, #tpu.memory_space<hbm>>
      %dma_start3A_335 = arith.constant 0 : i32
      %dma_start3A_336 = arith.constant 0 : i32
      %dma_start3A_337 = tpu.memref_slice %arg13[%dma_start3A_328, %dma_start3A_335, %dma_start3A_336] : memref<4x32x128xf32, #tpu.memory_space<vmem>> -> memref<1x32x128xf32, #tpu.memory_space<vmem>>
      %dma_start3A_338 = tpu.memref_squeeze %dma_start3A_337 : memref<1x32x128xf32, #tpu.memory_space<vmem>> -> memref<32x128xf32, #tpu.memory_space<vmem>>
      %dma_start3A_339 = arith.constant 0 : i32
      %dma_start3A_340 = tpu.memref_slice %arg5[%dma_start3A_339, %multiple_of3A_314] : memref<32x1000000xf32, #tpu.memory_space<hbm>> -> memref<32x128xf32, #tpu.memory_space<hbm>>
      tpu.enqueue_dma source(%dma_start3A_340 : memref<32x128xf32, #tpu.memory_space<hbm>>) target(%dma_start3A_338 : memref<32x128xf32, #tpu.memory_space<vmem>>) target_semaphore(%arg16 : memref<!tpu.dma_semaphore, #tpu.memory_space<semaphore_mem>>)
      tpu.wait_dma2 semaphore(%arg15 : memref<!tpu.dma_semaphore, #tpu.memory_space<semaphore_mem>>) src(%arg7 : memref<4x32x128xf32, #tpu.memory_space<hbm>>) dst(%arg10 : memref<4x32x128xf32, #tpu.memory_space<vmem>>)
      tpu.wait_dma2 semaphore(%arg15 : memref<!tpu.dma_semaphore, #tpu.memory_space<semaphore_mem>>) src(%arg7 : memref<4x32x128xf32, #tpu.memory_space<hbm>>) dst(%arg12 : memref<4x32x128xf32, #tpu.memory_space<vmem>>)
      %get3A_341 = arith.index_cast %mul3A_175 : i32 to index
      %get3A_342 = tpu.vector_load %arg8[%get3A_341] {strides = array<i32>} : memref<512xi32, #tpu.memory_space<vmem>>, vector<16xi32>,
      %get3A_343 = arith.index_cast %mul3A_175 : i32 to index
      %get3A_344 = tpu.vector_load %arg9[%get3A_343] {strides = array<i32>} : memref<512xi32, #tpu.memory_space<vmem>>, vector<16xi32>,
      %slice3A_345 = vector.extract_strided_slice %get3A_342 {offsets = [0], sizes = [1], strides = [1]} : vector<16xi32> to vector<1xi32>
      %squeeze3A_346 = vector.extract %slice3A_345[0] : i32 from vector<1xi32>
      %and3A = arith.constant 127 : i32
      %and3A_347 = arith.andi %squeeze3A_346, %and3A : i32
      %broadcast_in_dim3A_348 = vector.broadcast %and3A_347 : i32 to vector<16xi32>
      %slice3A_349 = vector.extract_strided_slice %get3A_344 {offsets = [0], sizes = [1], strides = [1]} : vector<16xi32> to vector<1xi32>
      %squeeze3A_350 = vector.extract %slice3A_349[0] : i32 from vector<1xi32>
      %and3A_351 = arith.constant 127 : i32
      %and3A_352 = arith.andi %squeeze3A_350, %and3A_351 : i32
      %broadcast_in_dim3A_353 = vector.broadcast %and3A_352 : i32 to vector<16xi32>
      %gather3A = arith.constant 0 : i32
      %gather3A_354 = arith.constant 0 : i32
      %gather3A_355 = arith.constant 0 : i32
      %gather3A_356 = tpu.memref_slice %arg10[%gather3A, %gather3A_354, %gather3A_355] : memref<4x32x128xf32, #tpu.memory_space<vmem>> -> memref<1x32x128xf32, #tpu.memory_space<vmem>>
      %gather3A_357 = tpu.memref_squeeze %gather3A_356 : memref<1x32x128xf32, #tpu.memory_space<vmem>> -> memref<32x128xf32, #tpu.memory_space<vmem>>
      %gather3A_358 = tpu.vector_load_idx %gather3A_357[%iota3A, %broadcast_in_dim3A_348] : memref<32x128xf32, #tpu.memory_space<vmem>>[vector<16xi32>, vector<16xi32>], vector<16xf32>,
      %gather3A_359 = arith.constant 0 : i32
      %gather3A_360 = arith.constant 0 : i32
      %gather3A_361 = arith.constant 0 : i32
      %gather3A_362 = tpu.memref_slice %arg10[%gather3A_359, %gather3A_360, %gather3A_361] : memref<4x32x128xf32, #tpu.memory_space<vmem>> -> memref<1x32x128xf32, #tpu.memory_space<vmem>>
      %gather3A_363 = tpu.memref_squeeze %gather3A_362 : memref<1x32x128xf32, #tpu.memory_space<vmem>> -> memref<32x128xf32, #tpu.memory_space<vmem>>
      %gather3A_364 = tpu.vector_load_idx %gather3A_363[%add3A_5, %broadcast_in_dim3A_348] : memref<32x128xf32, #tpu.memory_space<vmem>>[vector<16xi32>, vector<16xi32>], vector<16xf32>,
      %gather3A_365 = arith.constant 0 : i32
      %gather3A_366 = arith.constant 0 : i32
      %gather3A_367 = arith.constant 0 : i32
      %gather3A_368 = tpu.memref_slice %arg12[%gather3A_365, %gather3A_366, %gather3A_367] : memref<4x32x128xf32, #tpu.memory_space<vmem>> -> memref<1x32x128xf32, #tpu.memory_space<vmem>>
      %gather3A_369 = tpu.memref_squeeze %gather3A_368 : memref<1x32x128xf32, #tpu.memory_space<vmem>> -> memref<32x128xf32, #tpu.memory_space<vmem>>
      %gather3A_370 = tpu.vector_load_idx %gather3A_369[%iota3A, %broadcast_in_dim3A_353] : memref<32x128xf32, #tpu.memory_space<vmem>>[vector<16xi32>, vector<16xi32>], vector<16xf32>,
      %gather3A_371 = arith.constant 0 : i32
      %gather3A_372 = arith.constant 0 : i32
      %gather3A_373 = arith.constant 0 : i32
      %gather3A_374 = tpu.memref_slice %arg12[%gather3A_371, %gather3A_372, %gather3A_373] : memref<4x32x128xf32, #tpu.memory_space<vmem>> -> memref<1x32x128xf32, #tpu.memory_space<vmem>>
      %gather3A_375 = tpu.memref_squeeze %gather3A_374 : memref<1x32x128xf32, #tpu.memory_space<vmem>> -> memref<32x128xf32, #tpu.memory_space<vmem>>
      %gather3A_376 = tpu.vector_load_idx %gather3A_375[%add3A_5, %broadcast_in_dim3A_353] : memref<32x128xf32, #tpu.memory_space<vmem>>[vector<16xi32>, vector<16xi32>], vector<16xf32>,
      %mul3A_377 = arith.mulf %gather3A_358, %gather3A_370 : vector<16xf32>
      %mul3A_378 = arith.mulf %gather3A_364, %gather3A_376 : vector<16xf32>
      %add3A_379 = arith.addf %mul3A_377, %mul3A_378 : vector<16xf32>
      %reduce_sum3A = arith.constant true
      %reduce_sum3A_380 = vector.broadcast %reduce_sum3A : i1 to vector<16xi1>
      %reduce_sum3A_381 = tpu.scan <sum>, %add3A_379 masked %reduce_sum3A_380 : vector<16xf32>, vector<16xi1> -> vector<16xf32>
      %reduce_sum3A_382 = vector.extract %reduce_sum3A_381[15] : f32 from vector<16xf32>
      %eq3A = arith.constant 0 : i32
      %eq3A_383 = vector.broadcast %eq3A : i32 to vector<16xi32>
      %eq3A_384 = arith.cmpi eq, %iota3A_164, %eq3A_383 : vector<16xi32>
      %broadcast_in_dim3A_385 = vector.broadcast %reduce_sum3A_382 : f32 to vector<16xf32>
      %select_n3A = arith.select %eq3A_384, %broadcast_in_dim3A_385, %broadcast_in_dim3A_176 : vector<16xi1>, vector<16xf32>
      %slice3A_386 = vector.extract_strided_slice %get3A_342 {offsets = [1], sizes = [1], strides = [1]} : vector<16xi32> to vector<1xi32>
      %squeeze3A_387 = vector.extract %slice3A_386[0] : i32 from vector<1xi32>
      %and3A_388 = arith.constant 127 : i32
      %and3A_389 = arith.andi %squeeze3A_387, %and3A_388 : i32
      %broadcast_in_dim3A_390 = vector.broadcast %and3A_389 : i32 to vector<16xi32>
      %slice3A_391 = vector.extract_strided_slice %get3A_344 {offsets = [1], sizes = [1], strides = [1]} : vector<16xi32> to vector<1xi32>
      %squeeze3A_392 = vector.extract %slice3A_391[0] : i32 from vector<1xi32>
      %and3A_393 = arith.constant 127 : i32
      %and3A_394 = arith.andi %squeeze3A_392, %and3A_393 : i32
      %broadcast_in_dim3A_395 = vector.broadcast %and3A_394 : i32 to vector<16xi32>
      %gather3A_396 = arith.constant 1 : i32
      %gather3A_397 = arith.constant 0 : i32
      %gather3A_398 = arith.constant 0 : i32
      %gather3A_399 = tpu.memref_slice %arg10[%gather3A_396, %gather3A_397, %gather3A_398] : memref<4x32x128xf32, #tpu.memory_space<vmem>> -> memref<1x32x128xf32, #tpu.memory_space<vmem>>
      %gather3A_400 = tpu.memref_squeeze %gather3A_399 : memref<1x32x128xf32, #tpu.memory_space<vmem>> -> memref<32x128xf32, #tpu.memory_space<vmem>>
      %gather3A_401 = tpu.vector_load_idx %gather3A_400[%iota3A, %broadcast_in_dim3A_390] : memref<32x128xf32, #tpu.memory_space<vmem>>[vector<16xi32>, vector<16xi32>], vector<16xf32>,
      %gather3A_402 = arith.constant 1 : i32
      %gather3A_403 = arith.constant 0 : i32
      %gather3A_404 = arith.constant 0 : i32
      %gather3A_405 = tpu.memref_slice %arg10[%gather3A_402, %gather3A_403, %gather3A_404] : memref<4x32x128xf32, #tpu.memory_space<vmem>> -> memref<1x32x128xf32, #tpu.memory_space<vmem>>
      %gather3A_406 = tpu.memref_squeeze %gather3A_405 : memref<1x32x128xf32, #tpu.memory_space<vmem>> -> memref<32x128xf32, #tpu.memory_space<vmem>>
      %gather3A_407 = tpu.vector_load_idx %gather3A_406[%add3A_5, %broadcast_in_dim3A_390] : memref<32x128xf32, #tpu.memory_space<vmem>>[vector<16xi32>, vector<16xi32>], vector<16xf32>,
      %gather3A_408 = arith.constant 1 : i32
      %gather3A_409 = arith.constant 0 : i32
      %gather3A_410 = arith.constant 0 : i32
      %gather3A_411 = tpu.memref_slice %arg12[%gather3A_408, %gather3A_409, %gather3A_410] : memref<4x32x128xf32, #tpu.memory_space<vmem>> -> memref<1x32x128xf32, #tpu.memory_space<vmem>>
      %gather3A_412 = tpu.memref_squeeze %gather3A_411 : memref<1x32x128xf32, #tpu.memory_space<vmem>> -> memref<32x128xf32, #tpu.memory_space<vmem>>
      %gather3A_413 = tpu.vector_load_idx %gather3A_412[%iota3A, %broadcast_in_dim3A_395] : memref<32x128xf32, #tpu.memory_space<vmem>>[vector<16xi32>, vector<16xi32>], vector<16xf32>,
      %gather3A_414 = arith.constant 1 : i32
      %gather3A_415 = arith.constant 0 : i32
      %gather3A_416 = arith.constant 0 : i32
      %gather3A_417 = tpu.memref_slice %arg12[%gather3A_414, %gather3A_415, %gather3A_416] : memref<4x32x128xf32, #tpu.memory_space<vmem>> -> memref<1x32x128xf32, #tpu.memory_space<vmem>>
      %gather3A_418 = tpu.memref_squeeze %gather3A_417 : memref<1x32x128xf32, #tpu.memory_space<vmem>> -> memref<32x128xf32, #tpu.memory_space<vmem>>
      %gather3A_419 = tpu.vector_load_idx %gather3A_418[%add3A_5, %broadcast_in_dim3A_395] : memref<32x128xf32, #tpu.memory_space<vmem>>[vector<16xi32>, vector<16xi32>], vector<16xf32>,
      %mul3A_420 = arith.mulf %gather3A_401, %gather3A_413 : vector<16xf32>
      %mul3A_421 = arith.mulf %gather3A_407, %gather3A_419 : vector<16xf32>
      %add3A_422 = arith.addf %mul3A_420, %mul3A_421 : vector<16xf32>
      %reduce_sum3A_423 = arith.constant true
      %reduce_sum3A_424 = vector.broadcast %reduce_sum3A_423 : i1 to vector<16xi1>
      %reduce_sum3A_425 = tpu.scan <sum>, %add3A_422 masked %reduce_sum3A_424 : vector<16xf32>, vector<16xi1> -> vector<16xf32>
      %reduce_sum3A_426 = vector.extract %reduce_sum3A_425[15] : f32 from vector<16xf32>
      %eq3A_427 = arith.constant 1 : i32
      %eq3A_428 = vector.broadcast %eq3A_427 : i32 to vector<16xi32>
      %eq3A_429 = arith.cmpi eq, %iota3A_164, %eq3A_428 : vector<16xi32>
      %broadcast_in_dim3A_430 = vector.broadcast %reduce_sum3A_426 : f32 to vector<16xf32>
      %select_n3A_431 = arith.select %eq3A_429, %broadcast_in_dim3A_430, %select_n3A : vector<16xi1>, vector<16xf32>
      %slice3A_432 = vector.extract_strided_slice %get3A_342 {offsets = [2], sizes = [1], strides = [1]} : vector<16xi32> to vector<1xi32>
      %squeeze3A_433 = vector.extract %slice3A_432[0] : i32 from vector<1xi32>
      %and3A_434 = arith.constant 127 : i32
      %and3A_435 = arith.andi %squeeze3A_433, %and3A_434 : i32
      %broadcast_in_dim3A_436 = vector.broadcast %and3A_435 : i32 to vector<16xi32>
      %slice3A_437 = vector.extract_strided_slice %get3A_344 {offsets = [2], sizes = [1], strides = [1]} : vector<16xi32> to vector<1xi32>
      %squeeze3A_438 = vector.extract %slice3A_437[0] : i32 from vector<1xi32>
      %and3A_439 = arith.constant 127 : i32
      %and3A_440 = arith.andi %squeeze3A_438, %and3A_439 : i32
      %broadcast_in_dim3A_441 = vector.broadcast %and3A_440 : i32 to vector<16xi32>
      %gather3A_442 = arith.constant 2 : i32
      %gather3A_443 = arith.constant 0 : i32
      %gather3A_444 = arith.constant 0 : i32
      %gather3A_445 = tpu.memref_slice %arg10[%gather3A_442, %gather3A_443, %gather3A_444] : memref<4x32x128xf32, #tpu.memory_space<vmem>> -> memref<1x32x128xf32, #tpu.memory_space<vmem>>
      %gather3A_446 = tpu.memref_squeeze %gather3A_445 : memref<1x32x128xf32, #tpu.memory_space<vmem>> -> memref<32x128xf32, #tpu.memory_space<vmem>>
      %gather3A_447 = tpu.vector_load_idx %gather3A_446[%iota3A, %broadcast_in_dim3A_436] : memref<32x128xf32, #tpu.memory_space<vmem>>[vector<16xi32>, vector<16xi32>], vector<16xf32>,
      %gather3A_448 = arith.constant 2 : i32
      %gather3A_449 = arith.constant 0 : i32
      %gather3A_450 = arith.constant 0 : i32
      %gather3A_451 = tpu.memref_slice %arg10[%gather3A_448, %gather3A_449, %gather3A_450] : memref<4x32x128xf32, #tpu.memory_space<vmem>> -> memref<1x32x128xf32, #tpu.memory_space<vmem>>
      %gather3A_452 = tpu.memref_squeeze %gather3A_451 : memref<1x32x128xf32, #tpu.memory_space<vmem>> -> memref<32x128xf32, #tpu.memory_space<vmem>>
      %gather3A_453 = tpu.vector_load_idx %gather3A_452[%add3A_5, %broadcast_in_dim3A_436] : memref<32x128xf32, #tpu.memory_space<vmem>>[vector<16xi32>, vector<16xi32>], vector<16xf32>,
      %gather3A_454 = arith.constant 2 : i32
      %gather3A_455 = arith.constant 0 : i32
      %gather3A_456 = arith.constant 0 : i32
      %gather3A_457 = tpu.memref_slice %arg12[%gather3A_454, %gather3A_455, %gather3A_456] : memref<4x32x128xf32, #tpu.memory_space<vmem>> -> memref<1x32x128xf32, #tpu.memory_space<vmem>>
      %gather3A_458 = tpu.memref_squeeze %gather3A_457 : memref<1x32x128xf32, #tpu.memory_space<vmem>> -> memref<32x128xf32, #tpu.memory_space<vmem>>
      %gather3A_459 = tpu.vector_load_idx %gather3A_458[%iota3A, %broadcast_in_dim3A_441] : memref<32x128xf32, #tpu.memory_space<vmem>>[vector<16xi32>, vector<16xi32>], vector<16xf32>,
      %gather3A_460 = arith.constant 2 : i32
      %gather3A_461 = arith.constant 0 : i32
      %gather3A_462 = arith.constant 0 : i32
      %gather3A_463 = tpu.memref_slice %arg12[%gather3A_460, %gather3A_461, %gather3A_462] : memref<4x32x128xf32, #tpu.memory_space<vmem>> -> memref<1x32x128xf32, #tpu.memory_space<vmem>>
      %gather3A_464 = tpu.memref_squeeze %gather3A_463 : memref<1x32x128xf32, #tpu.memory_space<vmem>> -> memref<32x128xf32, #tpu.memory_space<vmem>>
      %gather3A_465 = tpu.vector_load_idx %gather3A_464[%add3A_5, %broadcast_in_dim3A_441] : memref<32x128xf32, #tpu.memory_space<vmem>>[vector<16xi32>, vector<16xi32>], vector<16xf32>,
      %mul3A_466 = arith.mulf %gather3A_447, %gather3A_459 : vector<16xf32>
      %mul3A_467 = arith.mulf %gather3A_453, %gather3A_465 : vector<16xf32>
      %add3A_468 = arith.addf %mul3A_466, %mul3A_467 : vector<16xf32>
      %reduce_sum3A_469 = arith.constant true
      %reduce_sum3A_470 = vector.broadcast %reduce_sum3A_469 : i1 to vector<16xi1>
      %reduce_sum3A_471 = tpu.scan <sum>, %add3A_468 masked %reduce_sum3A_470 : vector<16xf32>, vector<16xi1> -> vector<16xf32>
      %reduce_sum3A_472 = vector.extract %reduce_sum3A_471[15] : f32 from vector<16xf32>
      %eq3A_473 = arith.constant 2 : i32
      %eq3A_474 = vector.broadcast %eq3A_473 : i32 to vector<16xi32>
      %eq3A_475 = arith.cmpi eq, %iota3A_164, %eq3A_474 : vector<16xi32>
      %broadcast_in_dim3A_476 = vector.broadcast %reduce_sum3A_472 : f32 to vector<16xf32>
      %select_n3A_477 = arith.select %eq3A_475, %broadcast_in_dim3A_476, %select_n3A_431 : vector<16xi1>, vector<16xf32>
      %slice3A_478 = vector.extract_strided_slice %get3A_342 {offsets = [3], sizes = [1], strides = [1]} : vector<16xi32> to vector<1xi32>
      %squeeze3A_479 = vector.extract %slice3A_478[0] : i32 from vector<1xi32>
      %and3A_480 = arith.constant 127 : i32
      %and3A_481 = arith.andi %squeeze3A_479, %and3A_480 : i32
      %broadcast_in_dim3A_482 = vector.broadcast %and3A_481 : i32 to vector<16xi32>
      %slice3A_483 = vector.extract_strided_slice %get3A_344 {offsets = [3], sizes = [1], strides = [1]} : vector<16xi32> to vector<1xi32>
      %squeeze3A_484 = vector.extract %slice3A_483[0] : i32 from vector<1xi32>
      %and3A_485 = arith.constant 127 : i32
      %and3A_486 = arith.andi %squeeze3A_484, %and3A_485 : i32
      %broadcast_in_dim3A_487 = vector.broadcast %and3A_486 : i32 to vector<16xi32>
      %gather3A_488 = arith.constant 3 : i32
      %gather3A_489 = arith.constant 0 : i32
      %gather3A_490 = arith.constant 0 : i32
      %gather3A_491 = tpu.memref_slice %arg10[%gather3A_488, %gather3A_489, %gather3A_490] : memref<4x32x128xf32, #tpu.memory_space<vmem>> -> memref<1x32x128xf32, #tpu.memory_space<vmem>>
      %gather3A_492 = tpu.memref_squeeze %gather3A_491 : memref<1x32x128xf32, #tpu.memory_space<vmem>> -> memref<32x128xf32, #tpu.memory_space<vmem>>
      %gather3A_493 = tpu.vector_load_idx %gather3A_492[%iota3A, %broadcast_in_dim3A_482] : memref<32x128xf32, #tpu.memory_space<vmem>>[vector<16xi32>, vector<16xi32>], vector<16xf32>,
      %gather3A_494 = arith.constant 3 : i32
      %gather3A_495 = arith.constant 0 : i32
      %gather3A_496 = arith.constant 0 : i32
      %gather3A_497 = tpu.memref_slice %arg10[%gather3A_494, %gather3A_495, %gather3A_496] : memref<4x32x128xf32, #tpu.memory_space<vmem>> -> memref<1x32x128xf32, #tpu.memory_space<vmem>>
      %gather3A_498 = tpu.memref_squeeze %gather3A_497 : memref<1x32x128xf32, #tpu.memory_space<vmem>> -> memref<32x128xf32, #tpu.memory_space<vmem>>
      %gather3A_499 = tpu.vector_load_idx %gather3A_498[%add3A_5, %broadcast_in_dim3A_482] : memref<32x128xf32, #tpu.memory_space<vmem>>[vector<16xi32>, vector<16xi32>], vector<16xf32>,
      %gather3A_500 = arith.constant 3 : i32
      %gather3A_501 = arith.constant 0 : i32
      %gather3A_502 = arith.constant 0 : i32
      %gather3A_503 = tpu.memref_slice %arg12[%gather3A_500, %gather3A_501, %gather3A_502] : memref<4x32x128xf32, #tpu.memory_space<vmem>> -> memref<1x32x128xf32, #tpu.memory_space<vmem>>
      %gather3A_504 = tpu.memref_squeeze %gather3A_503 : memref<1x32x128xf32, #tpu.memory_space<vmem>> -> memref<32x128xf32, #tpu.memory_space<vmem>>
      %gather3A_505 = tpu.vector_load_idx %gather3A_504[%iota3A, %broadcast_in_dim3A_487] : memref<32x128xf32, #tpu.memory_space<vmem>>[vector<16xi32>, vector<16xi32>], vector<16xf32>,
      %gather3A_506 = arith.constant 3 : i32
      %gather3A_507 = arith.constant 0 : i32
      %gather3A_508 = arith.constant 0 : i32
      %gather3A_509 = tpu.memref_slice %arg12[%gather3A_506, %gather3A_507, %gather3A_508] : memref<4x32x128xf32, #tpu.memory_space<vmem>> -> memref<1x32x128xf32, #tpu.memory_space<vmem>>
      %gather3A_510 = tpu.memref_squeeze %gather3A_509 : memref<1x32x128xf32, #tpu.memory_space<vmem>> -> memref<32x128xf32, #tpu.memory_space<vmem>>
      %gather3A_511 = tpu.vector_load_idx %gather3A_510[%add3A_5, %broadcast_in_dim3A_487] : memref<32x128xf32, #tpu.memory_space<vmem>>[vector<16xi32>, vector<16xi32>], vector<16xf32>,
      %mul3A_512 = arith.mulf %gather3A_493, %gather3A_505 : vector<16xf32>
      %mul3A_513 = arith.mulf %gather3A_499, %gather3A_511 : vector<16xf32>
      %add3A_514 = arith.addf %mul3A_512, %mul3A_513 : vector<16xf32>
      %reduce_sum3A_515 = arith.constant true
      %reduce_sum3A_516 = vector.broadcast %reduce_sum3A_515 : i1 to vector<16xi1>
      %reduce_sum3A_517 = tpu.scan <sum>, %add3A_514 masked %reduce_sum3A_516 : vector<16xf32>, vector<16xi1> -> vector<16xf32>
      %reduce_sum3A_518 = vector.extract %reduce_sum3A_517[15] : f32 from vector<16xf32>
      %eq3A_519 = arith.constant 3 : i32
      %eq3A_520 = vector.broadcast %eq3A_519 : i32 to vector<16xi32>
      %eq3A_521 = arith.cmpi eq, %iota3A_164, %eq3A_520 : vector<16xi32>
      %broadcast_in_dim3A_522 = vector.broadcast %reduce_sum3A_518 : f32 to vector<16xf32>
      %select_n3A_523 = arith.select %eq3A_521, %broadcast_in_dim3A_522, %select_n3A_477 : vector<16xi1>, vector<16xf32>
      %get3A_524 = arith.index_cast %mul3A_175 : i32 to index
      %get3A_525 = tpu.vector_load %arg8[%get3A_524] {strides = array<i32>} : memref<512xi32, #tpu.memory_space<vmem>>, vector<16xi32>,
      %get3A_526 = arith.index_cast %mul3A_175 : i32 to index
      %get3A_527 = tpu.vector_load %arg9[%get3A_526] {strides = array<i32>} : memref<512xi32, #tpu.memory_space<vmem>>, vector<16xi32>,
      %slice3A_528 = vector.extract_strided_slice %get3A_525 {offsets = [8], sizes = [1], strides = [1]} : vector<16xi32> to vector<1xi32>
      %squeeze3A_529 = vector.extract %slice3A_528[0] : i32 from vector<1xi32>
      %slice3A_530 = vector.extract_strided_slice %get3A_527 {offsets = [8], sizes = [1], strides = [1]} : vector<16xi32> to vector<1xi32>
      %squeeze3A_531 = vector.extract %slice3A_530[0] : i32 from vector<1xi32>
      %shift_right_arithmetic3A_532 = arith.constant 7 : i32
      %shift_right_arithmetic3A_533 = arith.shrsi %squeeze3A_529, %shift_right_arithmetic3A_532 : i32
      %mul3A_534 = arith.constant 128 : i32
      %mul3A_535 = arith.muli %shift_right_arithmetic3A_533, %mul3A_534 : i32
      %multiple_of3A_536 = tpu.assume_multiple %mul3A_535, 128 : i32
      %shift_right_arithmetic3A_537 = arith.constant 7 : i32
      %shift_right_arithmetic3A_538 = arith.shrsi %squeeze3A_531, %shift_right_arithmetic3A_537 : i32
      %mul3A_539 = arith.constant 128 : i32
      %mul3A_540 = arith.muli %shift_right_arithmetic3A_538, %mul3A_539 : i32
      %multiple_of3A_541 = tpu.assume_multiple %mul3A_540, 128 : i32
      %dma_start3A_542 = arith.constant 0 : i32
      %dma_start3A_543 = arith.constant 0 : i32
      %dma_start3A_544 = arith.constant 0 : i32
      %dma_start3A_545 = tpu.memref_slice %arg10[%dma_start3A_542, %dma_start3A_543, %dma_start3A_544] : memref<4x32x128xf32, #tpu.memory_space<vmem>> -> memref<1x32x128xf32, #tpu.memory_space<vmem>>
      %dma_start3A_546 = tpu.memref_squeeze %dma_start3A_545 : memref<1x32x128xf32, #tpu.memory_space<vmem>> -> memref<32x128xf32, #tpu.memory_space<vmem>>
      %dma_start3A_547 = arith.constant 0 : i32
      %dma_start3A_548 = tpu.memref_slice %arg4[%dma_start3A_547, %multiple_of3A_536] : memref<32x1000000xf32, #tpu.memory_space<hbm>> -> memref<32x128xf32, #tpu.memory_space<hbm>>
      %dma_start3A_549 = arith.constant 0 : i32
      %dma_start3A_550 = arith.constant 0 : i32
      %dma_start3A_551 = tpu.memref_slice %arg10[%dma_start3A_542, %dma_start3A_549, %dma_start3A_550] : memref<4x32x128xf32, #tpu.memory_space<vmem>> -> memref<1x32x128xf32, #tpu.memory_space<vmem>>
      %dma_start3A_552 = tpu.memref_squeeze %dma_start3A_551 : memref<1x32x128xf32, #tpu.memory_space<vmem>> -> memref<32x128xf32, #tpu.memory_space<vmem>>
      %dma_start3A_553 = arith.constant 0 : i32
      %dma_start3A_554 = tpu.memref_slice %arg4[%dma_start3A_553, %multiple_of3A_536] : memref<32x1000000xf32, #tpu.memory_space<hbm>> -> memref<32x128xf32, #tpu.memory_space<hbm>>
      tpu.enqueue_dma source(%dma_start3A_554 : memref<32x128xf32, #tpu.memory_space<hbm>>) target(%dma_start3A_552 : memref<32x128xf32, #tpu.memory_space<vmem>>) target_semaphore(%arg15 : memref<!tpu.dma_semaphore, #tpu.memory_space<semaphore_mem>>)
      %dma_start3A_555 = arith.constant 0 : i32
      %dma_start3A_556 = arith.constant 0 : i32
      %dma_start3A_557 = arith.constant 0 : i32
      %dma_start3A_558 = tpu.memref_slice %arg12[%dma_start3A_555, %dma_start3A_556, %dma_start3A_557] : memref<4x32x128xf32, #tpu.memory_space<vmem>> -> memref<1x32x128xf32, #tpu.memory_space<vmem>>
      %dma_start3A_559 = tpu.memref_squeeze %dma_start3A_558 : memref<1x32x128xf32, #tpu.memory_space<vmem>> -> memref<32x128xf32, #tpu.memory_space<vmem>>
      %dma_start3A_560 = arith.constant 0 : i32
      %dma_start3A_561 = tpu.memref_slice %arg5[%dma_start3A_560, %multiple_of3A_541] : memref<32x1000000xf32, #tpu.memory_space<hbm>> -> memref<32x128xf32, #tpu.memory_space<hbm>>
      %dma_start3A_562 = arith.constant 0 : i32
      %dma_start3A_563 = arith.constant 0 : i32
      %dma_start3A_564 = tpu.memref_slice %arg12[%dma_start3A_555, %dma_start3A_562, %dma_start3A_563] : memref<4x32x128xf32, #tpu.memory_space<vmem>> -> memref<1x32x128xf32, #tpu.memory_space<vmem>>
      %dma_start3A_565 = tpu.memref_squeeze %dma_start3A_564 : memref<1x32x128xf32, #tpu.memory_space<vmem>> -> memref<32x128xf32, #tpu.memory_space<vmem>>
      %dma_start3A_566 = arith.constant 0 : i32
      %dma_start3A_567 = tpu.memref_slice %arg5[%dma_start3A_566, %multiple_of3A_541] : memref<32x1000000xf32, #tpu.memory_space<hbm>> -> memref<32x128xf32, #tpu.memory_space<hbm>>
      tpu.enqueue_dma source(%dma_start3A_567 : memref<32x128xf32, #tpu.memory_space<hbm>>) target(%dma_start3A_565 : memref<32x128xf32, #tpu.memory_space<vmem>>) target_semaphore(%arg15 : memref<!tpu.dma_semaphore, #tpu.memory_space<semaphore_mem>>)
      %slice3A_568 = vector.extract_strided_slice %get3A_525 {offsets = [9], sizes = [1], strides = [1]} : vector<16xi32> to vector<1xi32>
      %squeeze3A_569 = vector.extract %slice3A_568[0] : i32 from vector<1xi32>
      %slice3A_570 = vector.extract_strided_slice %get3A_527 {offsets = [9], sizes = [1], strides = [1]} : vector<16xi32> to vector<1xi32>
      %squeeze3A_571 = vector.extract %slice3A_570[0] : i32 from vector<1xi32>
      %shift_right_arithmetic3A_572 = arith.constant 7 : i32
      %shift_right_arithmetic3A_573 = arith.shrsi %squeeze3A_569, %shift_right_arithmetic3A_572 : i32
      %mul3A_574 = arith.constant 128 : i32
      %mul3A_575 = arith.muli %shift_right_arithmetic3A_573, %mul3A_574 : i32
      %multiple_of3A_576 = tpu.assume_multiple %mul3A_575, 128 : i32
      %shift_right_arithmetic3A_577 = arith.constant 7 : i32
      %shift_right_arithmetic3A_578 = arith.shrsi %squeeze3A_571, %shift_right_arithmetic3A_577 : i32
      %mul3A_579 = arith.constant 128 : i32
      %mul3A_580 = arith.muli %shift_right_arithmetic3A_578, %mul3A_579 : i32
      %multiple_of3A_581 = tpu.assume_multiple %mul3A_580, 128 : i32
      %dma_start3A_582 = arith.constant 1 : i32
      %dma_start3A_583 = arith.constant 0 : i32
      %dma_start3A_584 = arith.constant 0 : i32
      %dma_start3A_585 = tpu.memref_slice %arg10[%dma_start3A_582, %dma_start3A_583, %dma_start3A_584] : memref<4x32x128xf32, #tpu.memory_space<vmem>> -> memref<1x32x128xf32, #tpu.memory_space<vmem>>
      %dma_start3A_586 = tpu.memref_squeeze %dma_start3A_585 : memref<1x32x128xf32, #tpu.memory_space<vmem>> -> memref<32x128xf32, #tpu.memory_space<vmem>>
      %dma_start3A_587 = arith.constant 0 : i32
      %dma_start3A_588 = tpu.memref_slice %arg4[%dma_start3A_587, %multiple_of3A_576] : memref<32x1000000xf32, #tpu.memory_space<hbm>> -> memref<32x128xf32, #tpu.memory_space<hbm>>
      %dma_start3A_589 = arith.constant 0 : i32
      %dma_start3A_590 = arith.constant 0 : i32
      %dma_start3A_591 = tpu.memref_slice %arg10[%dma_start3A_582, %dma_start3A_589, %dma_start3A_590] : memref<4x32x128xf32, #tpu.memory_space<vmem>> -> memref<1x32x128xf32, #tpu.memory_space<vmem>>
      %dma_start3A_592 = tpu.memref_squeeze %dma_start3A_591 : memref<1x32x128xf32, #tpu.memory_space<vmem>> -> memref<32x128xf32, #tpu.memory_space<vmem>>
      %dma_start3A_593 = arith.constant 0 : i32
      %dma_start3A_594 = tpu.memref_slice %arg4[%dma_start3A_593, %multiple_of3A_576] : memref<32x1000000xf32, #tpu.memory_space<hbm>> -> memref<32x128xf32, #tpu.memory_space<hbm>>
      tpu.enqueue_dma source(%dma_start3A_594 : memref<32x128xf32, #tpu.memory_space<hbm>>) target(%dma_start3A_592 : memref<32x128xf32, #tpu.memory_space<vmem>>) target_semaphore(%arg15 : memref<!tpu.dma_semaphore, #tpu.memory_space<semaphore_mem>>)
      %dma_start3A_595 = arith.constant 1 : i32
      %dma_start3A_596 = arith.constant 0 : i32
      %dma_start3A_597 = arith.constant 0 : i32
      %dma_start3A_598 = tpu.memref_slice %arg12[%dma_start3A_595, %dma_start3A_596, %dma_start3A_597] : memref<4x32x128xf32, #tpu.memory_space<vmem>> -> memref<1x32x128xf32, #tpu.memory_space<vmem>>
      %dma_start3A_599 = tpu.memref_squeeze %dma_start3A_598 : memref<1x32x128xf32, #tpu.memory_space<vmem>> -> memref<32x128xf32, #tpu.memory_space<vmem>>
      %dma_start3A_600 = arith.constant 0 : i32
      %dma_start3A_601 = tpu.memref_slice %arg5[%dma_start3A_600, %multiple_of3A_581] : memref<32x1000000xf32, #tpu.memory_space<hbm>> -> memref<32x128xf32, #tpu.memory_space<hbm>>
      %dma_start3A_602 = arith.constant 0 : i32
      %dma_start3A_603 = arith.constant 0 : i32
      %dma_start3A_604 = tpu.memref_slice %arg12[%dma_start3A_595, %dma_start3A_602, %dma_start3A_603] : memref<4x32x128xf32, #tpu.memory_space<vmem>> -> memref<1x32x128xf32, #tpu.memory_space<vmem>>
      %dma_start3A_605 = tpu.memref_squeeze %dma_start3A_604 : memref<1x32x128xf32, #tpu.memory_space<vmem>> -> memref<32x128xf32, #tpu.memory_space<vmem>>
      %dma_start3A_606 = arith.constant 0 : i32
      %dma_start3A_607 = tpu.memref_slice %arg5[%dma_start3A_606, %multiple_of3A_581] : memref<32x1000000xf32, #tpu.memory_space<hbm>> -> memref<32x128xf32, #tpu.memory_space<hbm>>
      tpu.enqueue_dma source(%dma_start3A_607 : memref<32x128xf32, #tpu.memory_space<hbm>>) target(%dma_start3A_605 : memref<32x128xf32, #tpu.memory_space<vmem>>) target_semaphore(%arg15 : memref<!tpu.dma_semaphore, #tpu.memory_space<semaphore_mem>>)
      %slice3A_608 = vector.extract_strided_slice %get3A_525 {offsets = [10], sizes = [1], strides = [1]} : vector<16xi32> to vector<1xi32>
      %squeeze3A_609 = vector.extract %slice3A_608[0] : i32 from vector<1xi32>
      %slice3A_610 = vector.extract_strided_slice %get3A_527 {offsets = [10], sizes = [1], strides = [1]} : vector<16xi32> to vector<1xi32>
      %squeeze3A_611 = vector.extract %slice3A_610[0] : i32 from vector<1xi32>
      %shift_right_arithmetic3A_612 = arith.constant 7 : i32
      %shift_right_arithmetic3A_613 = arith.shrsi %squeeze3A_609, %shift_right_arithmetic3A_612 : i32
      %mul3A_614 = arith.constant 128 : i32
      %mul3A_615 = arith.muli %shift_right_arithmetic3A_613, %mul3A_614 : i32
      %multiple_of3A_616 = tpu.assume_multiple %mul3A_615, 128 : i32
      %shift_right_arithmetic3A_617 = arith.constant 7 : i32
      %shift_right_arithmetic3A_618 = arith.shrsi %squeeze3A_611, %shift_right_arithmetic3A_617 : i32
      %mul3A_619 = arith.constant 128 : i32
      %mul3A_620 = arith.muli %shift_right_arithmetic3A_618, %mul3A_619 : i32
      %multiple_of3A_621 = tpu.assume_multiple %mul3A_620, 128 : i32
      %dma_start3A_622 = arith.constant 2 : i32
      %dma_start3A_623 = arith.constant 0 : i32
      %dma_start3A_624 = arith.constant 0 : i32
      %dma_start3A_625 = tpu.memref_slice %arg10[%dma_start3A_622, %dma_start3A_623, %dma_start3A_624] : memref<4x32x128xf32, #tpu.memory_space<vmem>> -> memref<1x32x128xf32, #tpu.memory_space<vmem>>
      %dma_start3A_626 = tpu.memref_squeeze %dma_start3A_625 : memref<1x32x128xf32, #tpu.memory_space<vmem>> -> memref<32x128xf32, #tpu.memory_space<vmem>>
      %dma_start3A_627 = arith.constant 0 : i32
      %dma_start3A_628 = tpu.memref_slice %arg4[%dma_start3A_627, %multiple_of3A_616] : memref<32x1000000xf32, #tpu.memory_space<hbm>> -> memref<32x128xf32, #tpu.memory_space<hbm>>
      %dma_start3A_629 = arith.constant 0 : i32
      %dma_start3A_630 = arith.constant 0 : i32
      %dma_start3A_631 = tpu.memref_slice %arg10[%dma_start3A_622, %dma_start3A_629, %dma_start3A_630] : memref<4x32x128xf32, #tpu.memory_space<vmem>> -> memref<1x32x128xf32, #tpu.memory_space<vmem>>
      %dma_start3A_632 = tpu.memref_squeeze %dma_start3A_631 : memref<1x32x128xf32, #tpu.memory_space<vmem>> -> memref<32x128xf32, #tpu.memory_space<vmem>>
      %dma_start3A_633 = arith.constant 0 : i32
      %dma_start3A_634 = tpu.memref_slice %arg4[%dma_start3A_633, %multiple_of3A_616] : memref<32x1000000xf32, #tpu.memory_space<hbm>> -> memref<32x128xf32, #tpu.memory_space<hbm>>
      tpu.enqueue_dma source(%dma_start3A_634 : memref<32x128xf32, #tpu.memory_space<hbm>>) target(%dma_start3A_632 : memref<32x128xf32, #tpu.memory_space<vmem>>) target_semaphore(%arg15 : memref<!tpu.dma_semaphore, #tpu.memory_space<semaphore_mem>>)
      %dma_start3A_635 = arith.constant 2 : i32
      %dma_start3A_636 = arith.constant 0 : i32
      %dma_start3A_637 = arith.constant 0 : i32
      %dma_start3A_638 = tpu.memref_slice %arg12[%dma_start3A_635, %dma_start3A_636, %dma_start3A_637] : memref<4x32x128xf32, #tpu.memory_space<vmem>> -> memref<1x32x128xf32, #tpu.memory_space<vmem>>
      %dma_start3A_639 = tpu.memref_squeeze %dma_start3A_638 : memref<1x32x128xf32, #tpu.memory_space<vmem>> -> memref<32x128xf32, #tpu.memory_space<vmem>>
      %dma_start3A_640 = arith.constant 0 : i32
      %dma_start3A_641 = tpu.memref_slice %arg5[%dma_start3A_640, %multiple_of3A_621] : memref<32x1000000xf32, #tpu.memory_space<hbm>> -> memref<32x128xf32, #tpu.memory_space<hbm>>
      %dma_start3A_642 = arith.constant 0 : i32
      %dma_start3A_643 = arith.constant 0 : i32
      %dma_start3A_644 = tpu.memref_slice %arg12[%dma_start3A_635, %dma_start3A_642, %dma_start3A_643] : memref<4x32x128xf32, #tpu.memory_space<vmem>> -> memref<1x32x128xf32, #tpu.memory_space<vmem>>
      %dma_start3A_645 = tpu.memref_squeeze %dma_start3A_644 : memref<1x32x128xf32, #tpu.memory_space<vmem>> -> memref<32x128xf32, #tpu.memory_space<vmem>>
      %dma_start3A_646 = arith.constant 0 : i32
      %dma_start3A_647 = tpu.memref_slice %arg5[%dma_start3A_646, %multiple_of3A_621] : memref<32x1000000xf32, #tpu.memory_space<hbm>> -> memref<32x128xf32, #tpu.memory_space<hbm>>
      tpu.enqueue_dma source(%dma_start3A_647 : memref<32x128xf32, #tpu.memory_space<hbm>>) target(%dma_start3A_645 : memref<32x128xf32, #tpu.memory_space<vmem>>) target_semaphore(%arg15 : memref<!tpu.dma_semaphore, #tpu.memory_space<semaphore_mem>>)
      %slice3A_648 = vector.extract_strided_slice %get3A_525 {offsets = [11], sizes = [1], strides = [1]} : vector<16xi32> to vector<1xi32>
      %squeeze3A_649 = vector.extract %slice3A_648[0] : i32 from vector<1xi32>
      %slice3A_650 = vector.extract_strided_slice %get3A_527 {offsets = [11], sizes = [1], strides = [1]} : vector<16xi32> to vector<1xi32>
      %squeeze3A_651 = vector.extract %slice3A_650[0] : i32 from vector<1xi32>
      %shift_right_arithmetic3A_652 = arith.constant 7 : i32
      %shift_right_arithmetic3A_653 = arith.shrsi %squeeze3A_649, %shift_right_arithmetic3A_652 : i32
      %mul3A_654 = arith.constant 128 : i32
      %mul3A_655 = arith.muli %shift_right_arithmetic3A_653, %mul3A_654 : i32
      %multiple_of3A_656 = tpu.assume_multiple %mul3A_655, 128 : i32
      %shift_right_arithmetic3A_657 = arith.constant 7 : i32
      %shift_right_arithmetic3A_658 = arith.shrsi %squeeze3A_651, %shift_right_arithmetic3A_657 : i32
      %mul3A_659 = arith.constant 128 : i32
      %mul3A_660 = arith.muli %shift_right_arithmetic3A_658, %mul3A_659 : i32
      %multiple_of3A_661 = tpu.assume_multiple %mul3A_660, 128 : i32
      %dma_start3A_662 = arith.constant 3 : i32
      %dma_start3A_663 = arith.constant 0 : i32
      %dma_start3A_664 = arith.constant 0 : i32
      %dma_start3A_665 = tpu.memref_slice %arg10[%dma_start3A_662, %dma_start3A_663, %dma_start3A_664] : memref<4x32x128xf32, #tpu.memory_space<vmem>> -> memref<1x32x128xf32, #tpu.memory_space<vmem>>
      %dma_start3A_666 = tpu.memref_squeeze %dma_start3A_665 : memref<1x32x128xf32, #tpu.memory_space<vmem>> -> memref<32x128xf32, #tpu.memory_space<vmem>>
      %dma_start3A_667 = arith.constant 0 : i32
      %dma_start3A_668 = tpu.memref_slice %arg4[%dma_start3A_667, %multiple_of3A_656] : memref<32x1000000xf32, #tpu.memory_space<hbm>> -> memref<32x128xf32, #tpu.memory_space<hbm>>
      %dma_start3A_669 = arith.constant 0 : i32
      %dma_start3A_670 = arith.constant 0 : i32
      %dma_start3A_671 = tpu.memref_slice %arg10[%dma_start3A_662, %dma_start3A_669, %dma_start3A_670] : memref<4x32x128xf32, #tpu.memory_space<vmem>> -> memref<1x32x128xf32, #tpu.memory_space<vmem>>
      %dma_start3A_672 = tpu.memref_squeeze %dma_start3A_671 : memref<1x32x128xf32, #tpu.memory_space<vmem>> -> memref<32x128xf32, #tpu.memory_space<vmem>>
      %dma_start3A_673 = arith.constant 0 : i32
      %dma_start3A_674 = tpu.memref_slice %arg4[%dma_start3A_673, %multiple_of3A_656] : memref<32x1000000xf32, #tpu.memory_space<hbm>> -> memref<32x128xf32, #tpu.memory_space<hbm>>
      tpu.enqueue_dma source(%dma_start3A_674 : memref<32x128xf32, #tpu.memory_space<hbm>>) target(%dma_start3A_672 : memref<32x128xf32, #tpu.memory_space<vmem>>) target_semaphore(%arg15 : memref<!tpu.dma_semaphore, #tpu.memory_space<semaphore_mem>>)
      %dma_start3A_675 = arith.constant 3 : i32
      %dma_start3A_676 = arith.constant 0 : i32
      %dma_start3A_677 = arith.constant 0 : i32
      %dma_start3A_678 = tpu.memref_slice %arg12[%dma_start3A_675, %dma_start3A_676, %dma_start3A_677] : memref<4x32x128xf32, #tpu.memory_space<vmem>> -> memref<1x32x128xf32, #tpu.memory_space<vmem>>
      %dma_start3A_679 = tpu.memref_squeeze %dma_start3A_678 : memref<1x32x128xf32, #tpu.memory_space<vmem>> -> memref<32x128xf32, #tpu.memory_space<vmem>>
      %dma_start3A_680 = arith.constant 0 : i32
      %dma_start3A_681 = tpu.memref_slice %arg5[%dma_start3A_680, %multiple_of3A_661] : memref<32x1000000xf32, #tpu.memory_space<hbm>> -> memref<32x128xf32, #tpu.memory_space<hbm>>
      %dma_start3A_682 = arith.constant 0 : i32
      %dma_start3A_683 = arith.constant 0 : i32
      %dma_start3A_684 = tpu.memref_slice %arg12[%dma_start3A_675, %dma_start3A_682, %dma_start3A_683] : memref<4x32x128xf32, #tpu.memory_space<vmem>> -> memref<1x32x128xf32, #tpu.memory_space<vmem>>
      %dma_start3A_685 = tpu.memref_squeeze %dma_start3A_684 : memref<1x32x128xf32, #tpu.memory_space<vmem>> -> memref<32x128xf32, #tpu.memory_space<vmem>>
      %dma_start3A_686 = arith.constant 0 : i32
      %dma_start3A_687 = tpu.memref_slice %arg5[%dma_start3A_686, %multiple_of3A_661] : memref<32x1000000xf32, #tpu.memory_space<hbm>> -> memref<32x128xf32, #tpu.memory_space<hbm>>
      tpu.enqueue_dma source(%dma_start3A_687 : memref<32x128xf32, #tpu.memory_space<hbm>>) target(%dma_start3A_685 : memref<32x128xf32, #tpu.memory_space<vmem>>) target_semaphore(%arg15 : memref<!tpu.dma_semaphore, #tpu.memory_space<semaphore_mem>>)
      tpu.wait_dma2 semaphore(%arg16 : memref<!tpu.dma_semaphore, #tpu.memory_space<semaphore_mem>>) src(%arg7 : memref<4x32x128xf32, #tpu.memory_space<hbm>>) dst(%arg11 : memref<4x32x128xf32, #tpu.memory_space<vmem>>)
      tpu.wait_dma2 semaphore(%arg16 : memref<!tpu.dma_semaphore, #tpu.memory_space<semaphore_mem>>) src(%arg7 : memref<4x32x128xf32, #tpu.memory_space<hbm>>) dst(%arg13 : memref<4x32x128xf32, #tpu.memory_space<vmem>>)
      %get3A_688 = arith.index_cast %mul3A_175 : i32 to index
      %get3A_689 = tpu.vector_load %arg8[%get3A_688] {strides = array<i32>} : memref<512xi32, #tpu.memory_space<vmem>>, vector<16xi32>,
      %get3A_690 = arith.index_cast %mul3A_175 : i32 to index
      %get3A_691 = tpu.vector_load %arg9[%get3A_690] {strides = array<i32>} : memref<512xi32, #tpu.memory_space<vmem>>, vector<16xi32>,
      %slice3A_692 = vector.extract_strided_slice %get3A_689 {offsets = [4], sizes = [1], strides = [1]} : vector<16xi32> to vector<1xi32>
      %squeeze3A_693 = vector.extract %slice3A_692[0] : i32 from vector<1xi32>
      %and3A_694 = arith.constant 127 : i32
      %and3A_695 = arith.andi %squeeze3A_693, %and3A_694 : i32
      %broadcast_in_dim3A_696 = vector.broadcast %and3A_695 : i32 to vector<16xi32>
      %slice3A_697 = vector.extract_strided_slice %get3A_691 {offsets = [4], sizes = [1], strides = [1]} : vector<16xi32> to vector<1xi32>
      %squeeze3A_698 = vector.extract %slice3A_697[0] : i32 from vector<1xi32>
      %and3A_699 = arith.constant 127 : i32
      %and3A_700 = arith.andi %squeeze3A_698, %and3A_699 : i32
      %broadcast_in_dim3A_701 = vector.broadcast %and3A_700 : i32 to vector<16xi32>
      %gather3A_702 = arith.constant 0 : i32
      %gather3A_703 = arith.constant 0 : i32
      %gather3A_704 = arith.constant 0 : i32
      %gather3A_705 = tpu.memref_slice %arg11[%gather3A_702, %gather3A_703, %gather3A_704] : memref<4x32x128xf32, #tpu.memory_space<vmem>> -> memref<1x32x128xf32, #tpu.memory_space<vmem>>
      %gather3A_706 = tpu.memref_squeeze %gather3A_705 : memref<1x32x128xf32, #tpu.memory_space<vmem>> -> memref<32x128xf32, #tpu.memory_space<vmem>>
      %gather3A_707 = tpu.vector_load_idx %gather3A_706[%iota3A, %broadcast_in_dim3A_696] : memref<32x128xf32, #tpu.memory_space<vmem>>[vector<16xi32>, vector<16xi32>], vector<16xf32>,
      %gather3A_708 = arith.constant 0 : i32
      %gather3A_709 = arith.constant 0 : i32
      %gather3A_710 = arith.constant 0 : i32
      %gather3A_711 = tpu.memref_slice %arg11[%gather3A_708, %gather3A_709, %gather3A_710] : memref<4x32x128xf32, #tpu.memory_space<vmem>> -> memref<1x32x128xf32, #tpu.memory_space<vmem>>
      %gather3A_712 = tpu.memref_squeeze %gather3A_711 : memref<1x32x128xf32, #tpu.memory_space<vmem>> -> memref<32x128xf32, #tpu.memory_space<vmem>>
      %gather3A_713 = tpu.vector_load_idx %gather3A_712[%add3A_5, %broadcast_in_dim3A_696] : memref<32x128xf32, #tpu.memory_space<vmem>>[vector<16xi32>, vector<16xi32>], vector<16xf32>,
      %gather3A_714 = arith.constant 0 : i32
      %gather3A_715 = arith.constant 0 : i32
      %gather3A_716 = arith.constant 0 : i32
      %gather3A_717 = tpu.memref_slice %arg13[%gather3A_714, %gather3A_715, %gather3A_716] : memref<4x32x128xf32, #tpu.memory_space<vmem>> -> memref<1x32x128xf32, #tpu.memory_space<vmem>>
      %gather3A_718 = tpu.memref_squeeze %gather3A_717 : memref<1x32x128xf32, #tpu.memory_space<vmem>> -> memref<32x128xf32, #tpu.memory_space<vmem>>
      %gather3A_719 = tpu.vector_load_idx %gather3A_718[%iota3A, %broadcast_in_dim3A_701] : memref<32x128xf32, #tpu.memory_space<vmem>>[vector<16xi32>, vector<16xi32>], vector<16xf32>,
      %gather3A_720 = arith.constant 0 : i32
      %gather3A_721 = arith.constant 0 : i32
      %gather3A_722 = arith.constant 0 : i32
      %gather3A_723 = tpu.memref_slice %arg13[%gather3A_720, %gather3A_721, %gather3A_722] : memref<4x32x128xf32, #tpu.memory_space<vmem>> -> memref<1x32x128xf32, #tpu.memory_space<vmem>>
      %gather3A_724 = tpu.memref_squeeze %gather3A_723 : memref<1x32x128xf32, #tpu.memory_space<vmem>> -> memref<32x128xf32, #tpu.memory_space<vmem>>
      %gather3A_725 = tpu.vector_load_idx %gather3A_724[%add3A_5, %broadcast_in_dim3A_701] : memref<32x128xf32, #tpu.memory_space<vmem>>[vector<16xi32>, vector<16xi32>], vector<16xf32>,
      %mul3A_726 = arith.mulf %gather3A_707, %gather3A_719 : vector<16xf32>
      %mul3A_727 = arith.mulf %gather3A_713, %gather3A_725 : vector<16xf32>
      %add3A_728 = arith.addf %mul3A_726, %mul3A_727 : vector<16xf32>
      %reduce_sum3A_729 = arith.constant true
      %reduce_sum3A_730 = vector.broadcast %reduce_sum3A_729 : i1 to vector<16xi1>
      %reduce_sum3A_731 = tpu.scan <sum>, %add3A_728 masked %reduce_sum3A_730 : vector<16xf32>, vector<16xi1> -> vector<16xf32>
      %reduce_sum3A_732 = vector.extract %reduce_sum3A_731[15] : f32 from vector<16xf32>
      %eq3A_733 = arith.constant 4 : i32
      %eq3A_734 = vector.broadcast %eq3A_733 : i32 to vector<16xi32>
      %eq3A_735 = arith.cmpi eq, %iota3A_164, %eq3A_734 : vector<16xi32>
      %broadcast_in_dim3A_736 = vector.broadcast %reduce_sum3A_732 : f32 to vector<16xf32>
      %select_n3A_737 = arith.select %eq3A_735, %broadcast_in_dim3A_736, %select_n3A_523 : vector<16xi1>, vector<16xf32>
      %slice3A_738 = vector.extract_strided_slice %get3A_689 {offsets = [5], sizes = [1], strides = [1]} : vector<16xi32> to vector<1xi32>
      %squeeze3A_739 = vector.extract %slice3A_738[0] : i32 from vector<1xi32>
      %and3A_740 = arith.constant 127 : i32
      %and3A_741 = arith.andi %squeeze3A_739, %and3A_740 : i32
      %broadcast_in_dim3A_742 = vector.broadcast %and3A_741 : i32 to vector<16xi32>
      %slice3A_743 = vector.extract_strided_slice %get3A_691 {offsets = [5], sizes = [1], strides = [1]} : vector<16xi32> to vector<1xi32>
      %squeeze3A_744 = vector.extract %slice3A_743[0] : i32 from vector<1xi32>
      %and3A_745 = arith.constant 127 : i32
      %and3A_746 = arith.andi %squeeze3A_744, %and3A_745 : i32
      %broadcast_in_dim3A_747 = vector.broadcast %and3A_746 : i32 to vector<16xi32>
      %gather3A_748 = arith.constant 1 : i32
      %gather3A_749 = arith.constant 0 : i32
      %gather3A_750 = arith.constant 0 : i32
      %gather3A_751 = tpu.memref_slice %arg11[%gather3A_748, %gather3A_749, %gather3A_750] : memref<4x32x128xf32, #tpu.memory_space<vmem>> -> memref<1x32x128xf32, #tpu.memory_space<vmem>>
      %gather3A_752 = tpu.memref_squeeze %gather3A_751 : memref<1x32x128xf32, #tpu.memory_space<vmem>> -> memref<32x128xf32, #tpu.memory_space<vmem>>
      %gather3A_753 = tpu.vector_load_idx %gather3A_752[%iota3A, %broadcast_in_dim3A_742] : memref<32x128xf32, #tpu.memory_space<vmem>>[vector<16xi32>, vector<16xi32>], vector<16xf32>,
      %gather3A_754 = arith.constant 1 : i32
      %gather3A_755 = arith.constant 0 : i32
      %gather3A_756 = arith.constant 0 : i32
      %gather3A_757 = tpu.memref_slice %arg11[%gather3A_754, %gather3A_755, %gather3A_756] : memref<4x32x128xf32, #tpu.memory_space<vmem>> -> memref<1x32x128xf32, #tpu.memory_space<vmem>>
      %gather3A_758 = tpu.memref_squeeze %gather3A_757 : memref<1x32x128xf32, #tpu.memory_space<vmem>> -> memref<32x128xf32, #tpu.memory_space<vmem>>
      %gather3A_759 = tpu.vector_load_idx %gather3A_758[%add3A_5, %broadcast_in_dim3A_742] : memref<32x128xf32, #tpu.memory_space<vmem>>[vector<16xi32>, vector<16xi32>], vector<16xf32>,
      %gather3A_760 = arith.constant 1 : i32
      %gather3A_761 = arith.constant 0 : i32
      %gather3A_762 = arith.constant 0 : i32
      %gather3A_763 = tpu.memref_slice %arg13[%gather3A_760, %gather3A_761, %gather3A_762] : memref<4x32x128xf32, #tpu.memory_space<vmem>> -> memref<1x32x128xf32, #tpu.memory_space<vmem>>
      %gather3A_764 = tpu.memref_squeeze %gather3A_763 : memref<1x32x128xf32, #tpu.memory_space<vmem>> -> memref<32x128xf32, #tpu.memory_space<vmem>>
      %gather3A_765 = tpu.vector_load_idx %gather3A_764[%iota3A, %broadcast_in_dim3A_747] : memref<32x128xf32, #tpu.memory_space<vmem>>[vector<16xi32>, vector<16xi32>], vector<16xf32>,
      %gather3A_766 = arith.constant 1 : i32
      %gather3A_767 = arith.constant 0 : i32
      %gather3A_768 = arith.constant 0 : i32
      %gather3A_769 = tpu.memref_slice %arg13[%gather3A_766, %gather3A_767, %gather3A_768] : memref<4x32x128xf32, #tpu.memory_space<vmem>> -> memref<1x32x128xf32, #tpu.memory_space<vmem>>
      %gather3A_770 = tpu.memref_squeeze %gather3A_769 : memref<1x32x128xf32, #tpu.memory_space<vmem>> -> memref<32x128xf32, #tpu.memory_space<vmem>>
      %gather3A_771 = tpu.vector_load_idx %gather3A_770[%add3A_5, %broadcast_in_dim3A_747] : memref<32x128xf32, #tpu.memory_space<vmem>>[vector<16xi32>, vector<16xi32>], vector<16xf32>,
      %mul3A_772 = arith.mulf %gather3A_753, %gather3A_765 : vector<16xf32>
      %mul3A_773 = arith.mulf %gather3A_759, %gather3A_771 : vector<16xf32>
      %add3A_774 = arith.addf %mul3A_772, %mul3A_773 : vector<16xf32>
      %reduce_sum3A_775 = arith.constant true
      %reduce_sum3A_776 = vector.broadcast %reduce_sum3A_775 : i1 to vector<16xi1>
      %reduce_sum3A_777 = tpu.scan <sum>, %add3A_774 masked %reduce_sum3A_776 : vector<16xf32>, vector<16xi1> -> vector<16xf32>
      %reduce_sum3A_778 = vector.extract %reduce_sum3A_777[15] : f32 from vector<16xf32>
      %eq3A_779 = arith.constant 5 : i32
      %eq3A_780 = vector.broadcast %eq3A_779 : i32 to vector<16xi32>
      %eq3A_781 = arith.cmpi eq, %iota3A_164, %eq3A_780 : vector<16xi32>
      %broadcast_in_dim3A_782 = vector.broadcast %reduce_sum3A_778 : f32 to vector<16xf32>
      %select_n3A_783 = arith.select %eq3A_781, %broadcast_in_dim3A_782, %select_n3A_737 : vector<16xi1>, vector<16xf32>
      %slice3A_784 = vector.extract_strided_slice %get3A_689 {offsets = [6], sizes = [1], strides = [1]} : vector<16xi32> to vector<1xi32>
      %squeeze3A_785 = vector.extract %slice3A_784[0] : i32 from vector<1xi32>
      %and3A_786 = arith.constant 127 : i32
      %and3A_787 = arith.andi %squeeze3A_785, %and3A_786 : i32
      %broadcast_in_dim3A_788 = vector.broadcast %and3A_787 : i32 to vector<16xi32>
      %slice3A_789 = vector.extract_strided_slice %get3A_691 {offsets = [6], sizes = [1], strides = [1]} : vector<16xi32> to vector<1xi32>
      %squeeze3A_790 = vector.extract %slice3A_789[0] : i32 from vector<1xi32>
      %and3A_791 = arith.constant 127 : i32
      %and3A_792 = arith.andi %squeeze3A_790, %and3A_791 : i32
      %broadcast_in_dim3A_793 = vector.broadcast %and3A_792 : i32 to vector<16xi32>
      %gather3A_794 = arith.constant 2 : i32
      %gather3A_795 = arith.constant 0 : i32
      %gather3A_796 = arith.constant 0 : i32
      %gather3A_797 = tpu.memref_slice %arg11[%gather3A_794, %gather3A_795, %gather3A_796] : memref<4x32x128xf32, #tpu.memory_space<vmem>> -> memref<1x32x128xf32, #tpu.memory_space<vmem>>
      %gather3A_798 = tpu.memref_squeeze %gather3A_797 : memref<1x32x128xf32, #tpu.memory_space<vmem>> -> memref<32x128xf32, #tpu.memory_space<vmem>>
      %gather3A_799 = tpu.vector_load_idx %gather3A_798[%iota3A, %broadcast_in_dim3A_788] : memref<32x128xf32, #tpu.memory_space<vmem>>[vector<16xi32>, vector<16xi32>], vector<16xf32>,
      %gather3A_800 = arith.constant 2 : i32
      %gather3A_801 = arith.constant 0 : i32
      %gather3A_802 = arith.constant 0 : i32
      %gather3A_803 = tpu.memref_slice %arg11[%gather3A_800, %gather3A_801, %gather3A_802] : memref<4x32x128xf32, #tpu.memory_space<vmem>> -> memref<1x32x128xf32, #tpu.memory_space<vmem>>
      %gather3A_804 = tpu.memref_squeeze %gather3A_803 : memref<1x32x128xf32, #tpu.memory_space<vmem>> -> memref<32x128xf32, #tpu.memory_space<vmem>>
      %gather3A_805 = tpu.vector_load_idx %gather3A_804[%add3A_5, %broadcast_in_dim3A_788] : memref<32x128xf32, #tpu.memory_space<vmem>>[vector<16xi32>, vector<16xi32>], vector<16xf32>,
      %gather3A_806 = arith.constant 2 : i32
      %gather3A_807 = arith.constant 0 : i32
      %gather3A_808 = arith.constant 0 : i32
      %gather3A_809 = tpu.memref_slice %arg13[%gather3A_806, %gather3A_807, %gather3A_808] : memref<4x32x128xf32, #tpu.memory_space<vmem>> -> memref<1x32x128xf32, #tpu.memory_space<vmem>>
      %gather3A_810 = tpu.memref_squeeze %gather3A_809 : memref<1x32x128xf32, #tpu.memory_space<vmem>> -> memref<32x128xf32, #tpu.memory_space<vmem>>
      %gather3A_811 = tpu.vector_load_idx %gather3A_810[%iota3A, %broadcast_in_dim3A_793] : memref<32x128xf32, #tpu.memory_space<vmem>>[vector<16xi32>, vector<16xi32>], vector<16xf32>,
      %gather3A_812 = arith.constant 2 : i32
      %gather3A_813 = arith.constant 0 : i32
      %gather3A_814 = arith.constant 0 : i32
      %gather3A_815 = tpu.memref_slice %arg13[%gather3A_812, %gather3A_813, %gather3A_814] : memref<4x32x128xf32, #tpu.memory_space<vmem>> -> memref<1x32x128xf32, #tpu.memory_space<vmem>>
      %gather3A_816 = tpu.memref_squeeze %gather3A_815 : memref<1x32x128xf32, #tpu.memory_space<vmem>> -> memref<32x128xf32, #tpu.memory_space<vmem>>
      %gather3A_817 = tpu.vector_load_idx %gather3A_816[%add3A_5, %broadcast_in_dim3A_793] : memref<32x128xf32, #tpu.memory_space<vmem>>[vector<16xi32>, vector<16xi32>], vector<16xf32>,
      %mul3A_818 = arith.mulf %gather3A_799, %gather3A_811 : vector<16xf32>
      %mul3A_819 = arith.mulf %gather3A_805, %gather3A_817 : vector<16xf32>
      %add3A_820 = arith.addf %mul3A_818, %mul3A_819 : vector<16xf32>
      %reduce_sum3A_821 = arith.constant true
      %reduce_sum3A_822 = vector.broadcast %reduce_sum3A_821 : i1 to vector<16xi1>
      %reduce_sum3A_823 = tpu.scan <sum>, %add3A_820 masked %reduce_sum3A_822 : vector<16xf32>, vector<16xi1> -> vector<16xf32>
      %reduce_sum3A_824 = vector.extract %reduce_sum3A_823[15] : f32 from vector<16xf32>
      %eq3A_825 = arith.constant 6 : i32
      %eq3A_826 = vector.broadcast %eq3A_825 : i32 to vector<16xi32>
      %eq3A_827 = arith.cmpi eq, %iota3A_164, %eq3A_826 : vector<16xi32>
      %broadcast_in_dim3A_828 = vector.broadcast %reduce_sum3A_824 : f32 to vector<16xf32>
      %select_n3A_829 = arith.select %eq3A_827, %broadcast_in_dim3A_828, %select_n3A_783 : vector<16xi1>, vector<16xf32>
      %slice3A_830 = vector.extract_strided_slice %get3A_689 {offsets = [7], sizes = [1], strides = [1]} : vector<16xi32> to vector<1xi32>
      %squeeze3A_831 = vector.extract %slice3A_830[0] : i32 from vector<1xi32>
      %and3A_832 = arith.constant 127 : i32
      %and3A_833 = arith.andi %squeeze3A_831, %and3A_832 : i32
      %broadcast_in_dim3A_834 = vector.broadcast %and3A_833 : i32 to vector<16xi32>
      %slice3A_835 = vector.extract_strided_slice %get3A_691 {offsets = [7], sizes = [1], strides = [1]} : vector<16xi32> to vector<1xi32>
      %squeeze3A_836 = vector.extract %slice3A_835[0] : i32 from vector<1xi32>
      %and3A_837 = arith.constant 127 : i32
      %and3A_838 = arith.andi %squeeze3A_836, %and3A_837 : i32
      %broadcast_in_dim3A_839 = vector.broadcast %and3A_838 : i32 to vector<16xi32>
      %gather3A_840 = arith.constant 3 : i32
      %gather3A_841 = arith.constant 0 : i32
      %gather3A_842 = arith.constant 0 : i32
      %gather3A_843 = tpu.memref_slice %arg11[%gather3A_840, %gather3A_841, %gather3A_842] : memref<4x32x128xf32, #tpu.memory_space<vmem>> -> memref<1x32x128xf32, #tpu.memory_space<vmem>>
      %gather3A_844 = tpu.memref_squeeze %gather3A_843 : memref<1x32x128xf32, #tpu.memory_space<vmem>> -> memref<32x128xf32, #tpu.memory_space<vmem>>
      %gather3A_845 = tpu.vector_load_idx %gather3A_844[%iota3A, %broadcast_in_dim3A_834] : memref<32x128xf32, #tpu.memory_space<vmem>>[vector<16xi32>, vector<16xi32>], vector<16xf32>,
      %gather3A_846 = arith.constant 3 : i32
      %gather3A_847 = arith.constant 0 : i32
      %gather3A_848 = arith.constant 0 : i32
      %gather3A_849 = tpu.memref_slice %arg11[%gather3A_846, %gather3A_847, %gather3A_848] : memref<4x32x128xf32, #tpu.memory_space<vmem>> -> memref<1x32x128xf32, #tpu.memory_space<vmem>>
      %gather3A_850 = tpu.memref_squeeze %gather3A_849 : memref<1x32x128xf32, #tpu.memory_space<vmem>> -> memref<32x128xf32, #tpu.memory_space<vmem>>
      %gather3A_851 = tpu.vector_load_idx %gather3A_850[%add3A_5, %broadcast_in_dim3A_834] : memref<32x128xf32, #tpu.memory_space<vmem>>[vector<16xi32>, vector<16xi32>], vector<16xf32>,
      %gather3A_852 = arith.constant 3 : i32
      %gather3A_853 = arith.constant 0 : i32
      %gather3A_854 = arith.constant 0 : i32
      %gather3A_855 = tpu.memref_slice %arg13[%gather3A_852, %gather3A_853, %gather3A_854] : memref<4x32x128xf32, #tpu.memory_space<vmem>> -> memref<1x32x128xf32, #tpu.memory_space<vmem>>
      %gather3A_856 = tpu.memref_squeeze %gather3A_855 : memref<1x32x128xf32, #tpu.memory_space<vmem>> -> memref<32x128xf32, #tpu.memory_space<vmem>>
      %gather3A_857 = tpu.vector_load_idx %gather3A_856[%iota3A, %broadcast_in_dim3A_839] : memref<32x128xf32, #tpu.memory_space<vmem>>[vector<16xi32>, vector<16xi32>], vector<16xf32>,
      %gather3A_858 = arith.constant 3 : i32
      %gather3A_859 = arith.constant 0 : i32
      %gather3A_860 = arith.constant 0 : i32
      %gather3A_861 = tpu.memref_slice %arg13[%gather3A_858, %gather3A_859, %gather3A_860] : memref<4x32x128xf32, #tpu.memory_space<vmem>> -> memref<1x32x128xf32, #tpu.memory_space<vmem>>
      %gather3A_862 = tpu.memref_squeeze %gather3A_861 : memref<1x32x128xf32, #tpu.memory_space<vmem>> -> memref<32x128xf32, #tpu.memory_space<vmem>>
      %gather3A_863 = tpu.vector_load_idx %gather3A_862[%add3A_5, %broadcast_in_dim3A_839] : memref<32x128xf32, #tpu.memory_space<vmem>>[vector<16xi32>, vector<16xi32>], vector<16xf32>,
      %mul3A_864 = arith.mulf %gather3A_845, %gather3A_857 : vector<16xf32>
      %mul3A_865 = arith.mulf %gather3A_851, %gather3A_863 : vector<16xf32>
      %add3A_866 = arith.addf %mul3A_864, %mul3A_865 : vector<16xf32>
      %reduce_sum3A_867 = arith.constant true
      %reduce_sum3A_868 = vector.broadcast %reduce_sum3A_867 : i1 to vector<16xi1>
      %reduce_sum3A_869 = tpu.scan <sum>, %add3A_866 masked %reduce_sum3A_868 : vector<16xf32>, vector<16xi1> -> vector<16xf32>
      %reduce_sum3A_870 = vector.extract %reduce_sum3A_869[15] : f32 from vector<16xf32>
      %eq3A_871 = arith.constant 7 : i32
      %eq3A_872 = vector.broadcast %eq3A_871 : i32 to vector<16xi32>
      %eq3A_873 = arith.cmpi eq, %iota3A_164, %eq3A_872 : vector<16xi32>
      %broadcast_in_dim3A_874 = vector.broadcast %reduce_sum3A_870 : f32 to vector<16xf32>
      %select_n3A_875 = arith.select %eq3A_873, %broadcast_in_dim3A_874, %select_n3A_829 : vector<16xi1>, vector<16xf32>
      %get3A_876 = arith.index_cast %mul3A_175 : i32 to index
      %get3A_877 = tpu.vector_load %arg8[%get3A_876] {strides = array<i32>} : memref<512xi32, #tpu.memory_space<vmem>>, vector<16xi32>,
      %get3A_878 = arith.index_cast %mul3A_175 : i32 to index
      %get3A_879 = tpu.vector_load %arg9[%get3A_878] {strides = array<i32>} : memref<512xi32, #tpu.memory_space<vmem>>, vector<16xi32>,
      %slice3A_880 = vector.extract_strided_slice %get3A_877 {offsets = [12], sizes = [1], strides = [1]} : vector<16xi32> to vector<1xi32>
      %squeeze3A_881 = vector.extract %slice3A_880[0] : i32 from vector<1xi32>
      %slice3A_882 = vector.extract_strided_slice %get3A_879 {offsets = [12], sizes = [1], strides = [1]} : vector<16xi32> to vector<1xi32>
      %squeeze3A_883 = vector.extract %slice3A_882[0] : i32 from vector<1xi32>
      %shift_right_arithmetic3A_884 = arith.constant 7 : i32
      %shift_right_arithmetic3A_885 = arith.shrsi %squeeze3A_881, %shift_right_arithmetic3A_884 : i32
      %mul3A_886 = arith.constant 128 : i32
      %mul3A_887 = arith.muli %shift_right_arithmetic3A_885, %mul3A_886 : i32
      %multiple_of3A_888 = tpu.assume_multiple %mul3A_887, 128 : i32
      %shift_right_arithmetic3A_889 = arith.constant 7 : i32
      %shift_right_arithmetic3A_890 = arith.shrsi %squeeze3A_883, %shift_right_arithmetic3A_889 : i32
      %mul3A_891 = arith.constant 128 : i32
      %mul3A_892 = arith.muli %shift_right_arithmetic3A_890, %mul3A_891 : i32
      %multiple_of3A_893 = tpu.assume_multiple %mul3A_892, 128 : i32
      %dma_start3A_894 = arith.constant 0 : i32
      %dma_start3A_895 = arith.constant 0 : i32
      %dma_start3A_896 = arith.constant 0 : i32
      %dma_start3A_897 = tpu.memref_slice %arg11[%dma_start3A_894, %dma_start3A_895, %dma_start3A_896] : memref<4x32x128xf32, #tpu.memory_space<vmem>> -> memref<1x32x128xf32, #tpu.memory_space<vmem>>
      %dma_start3A_898 = tpu.memref_squeeze %dma_start3A_897 : memref<1x32x128xf32, #tpu.memory_space<vmem>> -> memref<32x128xf32, #tpu.memory_space<vmem>>
      %dma_start3A_899 = arith.constant 0 : i32
      %dma_start3A_900 = tpu.memref_slice %arg4[%dma_start3A_899, %multiple_of3A_888] : memref<32x1000000xf32, #tpu.memory_space<hbm>> -> memref<32x128xf32, #tpu.memory_space<hbm>>
      %dma_start3A_901 = arith.constant 0 : i32
      %dma_start3A_902 = arith.constant 0 : i32
      %dma_start3A_903 = tpu.memref_slice %arg11[%dma_start3A_894, %dma_start3A_901, %dma_start3A_902] : memref<4x32x128xf32, #tpu.memory_space<vmem>> -> memref<1x32x128xf32, #tpu.memory_space<vmem>>
      %dma_start3A_904 = tpu.memref_squeeze %dma_start3A_903 : memref<1x32x128xf32, #tpu.memory_space<vmem>> -> memref<32x128xf32, #tpu.memory_space<vmem>>
      %dma_start3A_905 = arith.constant 0 : i32
      %dma_start3A_906 = tpu.memref_slice %arg4[%dma_start3A_905, %multiple_of3A_888] : memref<32x1000000xf32, #tpu.memory_space<hbm>> -> memref<32x128xf32, #tpu.memory_space<hbm>>
      tpu.enqueue_dma source(%dma_start3A_906 : memref<32x128xf32, #tpu.memory_space<hbm>>) target(%dma_start3A_904 : memref<32x128xf32, #tpu.memory_space<vmem>>) target_semaphore(%arg16 : memref<!tpu.dma_semaphore, #tpu.memory_space<semaphore_mem>>)
      %dma_start3A_907 = arith.constant 0 : i32
      %dma_start3A_908 = arith.constant 0 : i32
      %dma_start3A_909 = arith.constant 0 : i32
      %dma_start3A_910 = tpu.memref_slice %arg13[%dma_start3A_907, %dma_start3A_908, %dma_start3A_909] : memref<4x32x128xf32, #tpu.memory_space<vmem>> -> memref<1x32x128xf32, #tpu.memory_space<vmem>>
      %dma_start3A_911 = tpu.memref_squeeze %dma_start3A_910 : memref<1x32x128xf32, #tpu.memory_space<vmem>> -> memref<32x128xf32, #tpu.memory_space<vmem>>
      %dma_start3A_912 = arith.constant 0 : i32
      %dma_start3A_913 = tpu.memref_slice %arg5[%dma_start3A_912, %multiple_of3A_893] : memref<32x1000000xf32, #tpu.memory_space<hbm>> -> memref<32x128xf32, #tpu.memory_space<hbm>>
      %dma_start3A_914 = arith.constant 0 : i32
      %dma_start3A_915 = arith.constant 0 : i32
      %dma_start3A_916 = tpu.memref_slice %arg13[%dma_start3A_907, %dma_start3A_914, %dma_start3A_915] : memref<4x32x128xf32, #tpu.memory_space<vmem>> -> memref<1x32x128xf32, #tpu.memory_space<vmem>>
      %dma_start3A_917 = tpu.memref_squeeze %dma_start3A_916 : memref<1x32x128xf32, #tpu.memory_space<vmem>> -> memref<32x128xf32, #tpu.memory_space<vmem>>
      %dma_start3A_918 = arith.constant 0 : i32
      %dma_start3A_919 = tpu.memref_slice %arg5[%dma_start3A_918, %multiple_of3A_893] : memref<32x1000000xf32, #tpu.memory_space<hbm>> -> memref<32x128xf32, #tpu.memory_space<hbm>>
      tpu.enqueue_dma source(%dma_start3A_919 : memref<32x128xf32, #tpu.memory_space<hbm>>) target(%dma_start3A_917 : memref<32x128xf32, #tpu.memory_space<vmem>>) target_semaphore(%arg16 : memref<!tpu.dma_semaphore, #tpu.memory_space<semaphore_mem>>)
      %slice3A_920 = vector.extract_strided_slice %get3A_877 {offsets = [13], sizes = [1], strides = [1]} : vector<16xi32> to vector<1xi32>
      %squeeze3A_921 = vector.extract %slice3A_920[0] : i32 from vector<1xi32>
      %slice3A_922 = vector.extract_strided_slice %get3A_879 {offsets = [13], sizes = [1], strides = [1]} : vector<16xi32> to vector<1xi32>
      %squeeze3A_923 = vector.extract %slice3A_922[0] : i32 from vector<1xi32>
      %shift_right_arithmetic3A_924 = arith.constant 7 : i32
      %shift_right_arithmetic3A_925 = arith.shrsi %squeeze3A_921, %shift_right_arithmetic3A_924 : i32
      %mul3A_926 = arith.constant 128 : i32
      %mul3A_927 = arith.muli %shift_right_arithmetic3A_925, %mul3A_926 : i32
      %multiple_of3A_928 = tpu.assume_multiple %mul3A_927, 128 : i32
      %shift_right_arithmetic3A_929 = arith.constant 7 : i32
      %shift_right_arithmetic3A_930 = arith.shrsi %squeeze3A_923, %shift_right_arithmetic3A_929 : i32
      %mul3A_931 = arith.constant 128 : i32
      %mul3A_932 = arith.muli %shift_right_arithmetic3A_930, %mul3A_931 : i32
      %multiple_of3A_933 = tpu.assume_multiple %mul3A_932, 128 : i32
      %dma_start3A_934 = arith.constant 1 : i32
      %dma_start3A_935 = arith.constant 0 : i32
      %dma_start3A_936 = arith.constant 0 : i32
      %dma_start3A_937 = tpu.memref_slice %arg11[%dma_start3A_934, %dma_start3A_935, %dma_start3A_936] : memref<4x32x128xf32, #tpu.memory_space<vmem>> -> memref<1x32x128xf32, #tpu.memory_space<vmem>>
      %dma_start3A_938 = tpu.memref_squeeze %dma_start3A_937 : memref<1x32x128xf32, #tpu.memory_space<vmem>> -> memref<32x128xf32, #tpu.memory_space<vmem>>
      %dma_start3A_939 = arith.constant 0 : i32
      %dma_start3A_940 = tpu.memref_slice %arg4[%dma_start3A_939, %multiple_of3A_928] : memref<32x1000000xf32, #tpu.memory_space<hbm>> -> memref<32x128xf32, #tpu.memory_space<hbm>>
      %dma_start3A_941 = arith.constant 0 : i32
      %dma_start3A_942 = arith.constant 0 : i32
      %dma_start3A_943 = tpu.memref_slice %arg11[%dma_start3A_934, %dma_start3A_941, %dma_start3A_942] : memref<4x32x128xf32, #tpu.memory_space<vmem>> -> memref<1x32x128xf32, #tpu.memory_space<vmem>>
      %dma_start3A_944 = tpu.memref_squeeze %dma_start3A_943 : memref<1x32x128xf32, #tpu.memory_space<vmem>> -> memref<32x128xf32, #tpu.memory_space<vmem>>
      %dma_start3A_945 = arith.constant 0 : i32
      %dma_start3A_946 = tpu.memref_slice %arg4[%dma_start3A_945, %multiple_of3A_928] : memref<32x1000000xf32, #tpu.memory_space<hbm>> -> memref<32x128xf32, #tpu.memory_space<hbm>>
      tpu.enqueue_dma source(%dma_start3A_946 : memref<32x128xf32, #tpu.memory_space<hbm>>) target(%dma_start3A_944 : memref<32x128xf32, #tpu.memory_space<vmem>>) target_semaphore(%arg16 : memref<!tpu.dma_semaphore, #tpu.memory_space<semaphore_mem>>)
      %dma_start3A_947 = arith.constant 1 : i32
      %dma_start3A_948 = arith.constant 0 : i32
      %dma_start3A_949 = arith.constant 0 : i32
      %dma_start3A_950 = tpu.memref_slice %arg13[%dma_start3A_947, %dma_start3A_948, %dma_start3A_949] : memref<4x32x128xf32, #tpu.memory_space<vmem>> -> memref<1x32x128xf32, #tpu.memory_space<vmem>>
      %dma_start3A_951 = tpu.memref_squeeze %dma_start3A_950 : memref<1x32x128xf32, #tpu.memory_space<vmem>> -> memref<32x128xf32, #tpu.memory_space<vmem>>
      %dma_start3A_952 = arith.constant 0 : i32
      %dma_start3A_953 = tpu.memref_slice %arg5[%dma_start3A_952, %multiple_of3A_933] : memref<32x1000000xf32, #tpu.memory_space<hbm>> -> memref<32x128xf32, #tpu.memory_space<hbm>>
      %dma_start3A_954 = arith.constant 0 : i32
      %dma_start3A_955 = arith.constant 0 : i32
      %dma_start3A_956 = tpu.memref_slice %arg13[%dma_start3A_947, %dma_start3A_954, %dma_start3A_955] : memref<4x32x128xf32, #tpu.memory_space<vmem>> -> memref<1x32x128xf32, #tpu.memory_space<vmem>>
      %dma_start3A_957 = tpu.memref_squeeze %dma_start3A_956 : memref<1x32x128xf32, #tpu.memory_space<vmem>> -> memref<32x128xf32, #tpu.memory_space<vmem>>
      %dma_start3A_958 = arith.constant 0 : i32
      %dma_start3A_959 = tpu.memref_slice %arg5[%dma_start3A_958, %multiple_of3A_933] : memref<32x1000000xf32, #tpu.memory_space<hbm>> -> memref<32x128xf32, #tpu.memory_space<hbm>>
      tpu.enqueue_dma source(%dma_start3A_959 : memref<32x128xf32, #tpu.memory_space<hbm>>) target(%dma_start3A_957 : memref<32x128xf32, #tpu.memory_space<vmem>>) target_semaphore(%arg16 : memref<!tpu.dma_semaphore, #tpu.memory_space<semaphore_mem>>)
      %slice3A_960 = vector.extract_strided_slice %get3A_877 {offsets = [14], sizes = [1], strides = [1]} : vector<16xi32> to vector<1xi32>
      %squeeze3A_961 = vector.extract %slice3A_960[0] : i32 from vector<1xi32>
      %slice3A_962 = vector.extract_strided_slice %get3A_879 {offsets = [14], sizes = [1], strides = [1]} : vector<16xi32> to vector<1xi32>
      %squeeze3A_963 = vector.extract %slice3A_962[0] : i32 from vector<1xi32>
      %shift_right_arithmetic3A_964 = arith.constant 7 : i32
      %shift_right_arithmetic3A_965 = arith.shrsi %squeeze3A_961, %shift_right_arithmetic3A_964 : i32
      %mul3A_966 = arith.constant 128 : i32
      %mul3A_967 = arith.muli %shift_right_arithmetic3A_965, %mul3A_966 : i32
      %multiple_of3A_968 = tpu.assume_multiple %mul3A_967, 128 : i32
      %shift_right_arithmetic3A_969 = arith.constant 7 : i32
      %shift_right_arithmetic3A_970 = arith.shrsi %squeeze3A_963, %shift_right_arithmetic3A_969 : i32
      %mul3A_971 = arith.constant 128 : i32
      %mul3A_972 = arith.muli %shift_right_arithmetic3A_970, %mul3A_971 : i32
      %multiple_of3A_973 = tpu.assume_multiple %mul3A_972, 128 : i32
      %dma_start3A_974 = arith.constant 2 : i32
      %dma_start3A_975 = arith.constant 0 : i32
      %dma_start3A_976 = arith.constant 0 : i32
      %dma_start3A_977 = tpu.memref_slice %arg11[%dma_start3A_974, %dma_start3A_975, %dma_start3A_976] : memref<4x32x128xf32, #tpu.memory_space<vmem>> -> memref<1x32x128xf32, #tpu.memory_space<vmem>>
      %dma_start3A_978 = tpu.memref_squeeze %dma_start3A_977 : memref<1x32x128xf32, #tpu.memory_space<vmem>> -> memref<32x128xf32, #tpu.memory_space<vmem>>
      %dma_start3A_979 = arith.constant 0 : i32
      %dma_start3A_980 = tpu.memref_slice %arg4[%dma_start3A_979, %multiple_of3A_968] : memref<32x1000000xf32, #tpu.memory_space<hbm>> -> memref<32x128xf32, #tpu.memory_space<hbm>>
      %dma_start3A_981 = arith.constant 0 : i32
      %dma_start3A_982 = arith.constant 0 : i32
      %dma_start3A_983 = tpu.memref_slice %arg11[%dma_start3A_974, %dma_start3A_981, %dma_start3A_982] : memref<4x32x128xf32, #tpu.memory_space<vmem>> -> memref<1x32x128xf32, #tpu.memory_space<vmem>>
      %dma_start3A_984 = tpu.memref_squeeze %dma_start3A_983 : memref<1x32x128xf32, #tpu.memory_space<vmem>> -> memref<32x128xf32, #tpu.memory_space<vmem>>
      %dma_start3A_985 = arith.constant 0 : i32
      %dma_start3A_986 = tpu.memref_slice %arg4[%dma_start3A_985, %multiple_of3A_968] : memref<32x1000000xf32, #tpu.memory_space<hbm>> -> memref<32x128xf32, #tpu.memory_space<hbm>>
      tpu.enqueue_dma source(%dma_start3A_986 : memref<32x128xf32, #tpu.memory_space<hbm>>) target(%dma_start3A_984 : memref<32x128xf32, #tpu.memory_space<vmem>>) target_semaphore(%arg16 : memref<!tpu.dma_semaphore, #tpu.memory_space<semaphore_mem>>)
      %dma_start3A_987 = arith.constant 2 : i32
      %dma_start3A_988 = arith.constant 0 : i32
      %dma_start3A_989 = arith.constant 0 : i32
      %dma_start3A_990 = tpu.memref_slice %arg13[%dma_start3A_987, %dma_start3A_988, %dma_start3A_989] : memref<4x32x128xf32, #tpu.memory_space<vmem>> -> memref<1x32x128xf32, #tpu.memory_space<vmem>>
      %dma_start3A_991 = tpu.memref_squeeze %dma_start3A_990 : memref<1x32x128xf32, #tpu.memory_space<vmem>> -> memref<32x128xf32, #tpu.memory_space<vmem>>
      %dma_start3A_992 = arith.constant 0 : i32
      %dma_start3A_993 = tpu.memref_slice %arg5[%dma_start3A_992, %multiple_of3A_973] : memref<32x1000000xf32, #tpu.memory_space<hbm>> -> memref<32x128xf32, #tpu.memory_space<hbm>>
      %dma_start3A_994 = arith.constant 0 : i32
      %dma_start3A_995 = arith.constant 0 : i32
      %dma_start3A_996 = tpu.memref_slice %arg13[%dma_start3A_987, %dma_start3A_994, %dma_start3A_995] : memref<4x32x128xf32, #tpu.memory_space<vmem>> -> memref<1x32x128xf32, #tpu.memory_space<vmem>>
      %dma_start3A_997 = tpu.memref_squeeze %dma_start3A_996 : memref<1x32x128xf32, #tpu.memory_space<vmem>> -> memref<32x128xf32, #tpu.memory_space<vmem>>
      %dma_start3A_998 = arith.constant 0 : i32
      %dma_start3A_999 = tpu.memref_slice %arg5[%dma_start3A_998, %multiple_of3A_973] : memref<32x1000000xf32, #tpu.memory_space<hbm>> -> memref<32x128xf32, #tpu.memory_space<hbm>>
      tpu.enqueue_dma source(%dma_start3A_999 : memref<32x128xf32, #tpu.memory_space<hbm>>) target(%dma_start3A_997 : memref<32x128xf32, #tpu.memory_space<vmem>>) target_semaphore(%arg16 : memref<!tpu.dma_semaphore, #tpu.memory_space<semaphore_mem>>)
      %slice3A_1000 = vector.extract_strided_slice %get3A_877 {offsets = [15], sizes = [1], strides = [1]} : vector<16xi32> to vector<1xi32>
      %squeeze3A_1001 = vector.extract %slice3A_1000[0] : i32 from vector<1xi32>
      %slice3A_1002 = vector.extract_strided_slice %get3A_879 {offsets = [15], sizes = [1], strides = [1]} : vector<16xi32> to vector<1xi32>
      %squeeze3A_1003 = vector.extract %slice3A_1002[0] : i32 from vector<1xi32>
      %shift_right_arithmetic3A_1004 = arith.constant 7 : i32
      %shift_right_arithmetic3A_1005 = arith.shrsi %squeeze3A_1001, %shift_right_arithmetic3A_1004 : i32
      %mul3A_1006 = arith.constant 128 : i32
      %mul3A_1007 = arith.muli %shift_right_arithmetic3A_1005, %mul3A_1006 : i32
      %multiple_of3A_1008 = tpu.assume_multiple %mul3A_1007, 128 : i32
      %shift_right_arithmetic3A_1009 = arith.constant 7 : i32
      %shift_right_arithmetic3A_1010 = arith.shrsi %squeeze3A_1003, %shift_right_arithmetic3A_1009 : i32
      %mul3A_1011 = arith.constant 128 : i32
      %mul3A_1012 = arith.muli %shift_right_arithmetic3A_1010, %mul3A_1011 : i32
      %multiple_of3A_1013 = tpu.assume_multiple %mul3A_1012, 128 : i32
      %dma_start3A_1014 = arith.constant 3 : i32
      %dma_start3A_1015 = arith.constant 0 : i32
      %dma_start3A_1016 = arith.constant 0 : i32
      %dma_start3A_1017 = tpu.memref_slice %arg11[%dma_start3A_1014, %dma_start3A_1015, %dma_start3A_1016] : memref<4x32x128xf32, #tpu.memory_space<vmem>> -> memref<1x32x128xf32, #tpu.memory_space<vmem>>
      %dma_start3A_1018 = tpu.memref_squeeze %dma_start3A_1017 : memref<1x32x128xf32, #tpu.memory_space<vmem>> -> memref<32x128xf32, #tpu.memory_space<vmem>>
      %dma_start3A_1019 = arith.constant 0 : i32
      %dma_start3A_1020 = tpu.memref_slice %arg4[%dma_start3A_1019, %multiple_of3A_1008] : memref<32x1000000xf32, #tpu.memory_space<hbm>> -> memref<32x128xf32, #tpu.memory_space<hbm>>
      %dma_start3A_1021 = arith.constant 0 : i32
      %dma_start3A_1022 = arith.constant 0 : i32
      %dma_start3A_1023 = tpu.memref_slice %arg11[%dma_start3A_1014, %dma_start3A_1021, %dma_start3A_1022] : memref<4x32x128xf32, #tpu.memory_space<vmem>> -> memref<1x32x128xf32, #tpu.memory_space<vmem>>
      %dma_start3A_1024 = tpu.memref_squeeze %dma_start3A_1023 : memref<1x32x128xf32, #tpu.memory_space<vmem>> -> memref<32x128xf32, #tpu.memory_space<vmem>>
      %dma_start3A_1025 = arith.constant 0 : i32
      %dma_start3A_1026 = tpu.memref_slice %arg4[%dma_start3A_1025, %multiple_of3A_1008] : memref<32x1000000xf32, #tpu.memory_space<hbm>> -> memref<32x128xf32, #tpu.memory_space<hbm>>
      tpu.enqueue_dma source(%dma_start3A_1026 : memref<32x128xf32, #tpu.memory_space<hbm>>) target(%dma_start3A_1024 : memref<32x128xf32, #tpu.memory_space<vmem>>) target_semaphore(%arg16 : memref<!tpu.dma_semaphore, #tpu.memory_space<semaphore_mem>>)
      %dma_start3A_1027 = arith.constant 3 : i32
      %dma_start3A_1028 = arith.constant 0 : i32
      %dma_start3A_1029 = arith.constant 0 : i32
      %dma_start3A_1030 = tpu.memref_slice %arg13[%dma_start3A_1027, %dma_start3A_1028, %dma_start3A_1029] : memref<4x32x128xf32, #tpu.memory_space<vmem>> -> memref<1x32x128xf32, #tpu.memory_space<vmem>>
      %dma_start3A_1031 = tpu.memref_squeeze %dma_start3A_1030 : memref<1x32x128xf32, #tpu.memory_space<vmem>> -> memref<32x128xf32, #tpu.memory_space<vmem>>
      %dma_start3A_1032 = arith.constant 0 : i32
      %dma_start3A_1033 = tpu.memref_slice %arg5[%dma_start3A_1032, %multiple_of3A_1013] : memref<32x1000000xf32, #tpu.memory_space<hbm>> -> memref<32x128xf32, #tpu.memory_space<hbm>>
      %dma_start3A_1034 = arith.constant 0 : i32
      %dma_start3A_1035 = arith.constant 0 : i32
      %dma_start3A_1036 = tpu.memref_slice %arg13[%dma_start3A_1027, %dma_start3A_1034, %dma_start3A_1035] : memref<4x32x128xf32, #tpu.memory_space<vmem>> -> memref<1x32x128xf32, #tpu.memory_space<vmem>>
      %dma_start3A_1037 = tpu.memref_squeeze %dma_start3A_1036 : memref<1x32x128xf32, #tpu.memory_space<vmem>> -> memref<32x128xf32, #tpu.memory_space<vmem>>
      %dma_start3A_1038 = arith.constant 0 : i32
      %dma_start3A_1039 = tpu.memref_slice %arg5[%dma_start3A_1038, %multiple_of3A_1013] : memref<32x1000000xf32, #tpu.memory_space<hbm>> -> memref<32x128xf32, #tpu.memory_space<hbm>>
      tpu.enqueue_dma source(%dma_start3A_1039 : memref<32x128xf32, #tpu.memory_space<hbm>>) target(%dma_start3A_1037 : memref<32x128xf32, #tpu.memory_space<vmem>>) target_semaphore(%arg16 : memref<!tpu.dma_semaphore, #tpu.memory_space<semaphore_mem>>)
      tpu.wait_dma2 semaphore(%arg15 : memref<!tpu.dma_semaphore, #tpu.memory_space<semaphore_mem>>) src(%arg7 : memref<4x32x128xf32, #tpu.memory_space<hbm>>) dst(%arg10 : memref<4x32x128xf32, #tpu.memory_space<vmem>>)
      tpu.wait_dma2 semaphore(%arg15 : memref<!tpu.dma_semaphore, #tpu.memory_space<semaphore_mem>>) src(%arg7 : memref<4x32x128xf32, #tpu.memory_space<hbm>>) dst(%arg12 : memref<4x32x128xf32, #tpu.memory_space<vmem>>)
      %get3A_1040 = arith.index_cast %mul3A_175 : i32 to index
      %get3A_1041 = tpu.vector_load %arg8[%get3A_1040] {strides = array<i32>} : memref<512xi32, #tpu.memory_space<vmem>>, vector<16xi32>,
      %get3A_1042 = arith.index_cast %mul3A_175 : i32 to index
      %get3A_1043 = tpu.vector_load %arg9[%get3A_1042] {strides = array<i32>} : memref<512xi32, #tpu.memory_space<vmem>>, vector<16xi32>,
      %slice3A_1044 = vector.extract_strided_slice %get3A_1041 {offsets = [8], sizes = [1], strides = [1]} : vector<16xi32> to vector<1xi32>
      %squeeze3A_1045 = vector.extract %slice3A_1044[0] : i32 from vector<1xi32>
      %and3A_1046 = arith.constant 127 : i32
      %and3A_1047 = arith.andi %squeeze3A_1045, %and3A_1046 : i32
      %broadcast_in_dim3A_1048 = vector.broadcast %and3A_1047 : i32 to vector<16xi32>
      %slice3A_1049 = vector.extract_strided_slice %get3A_1043 {offsets = [8], sizes = [1], strides = [1]} : vector<16xi32> to vector<1xi32>
      %squeeze3A_1050 = vector.extract %slice3A_1049[0] : i32 from vector<1xi32>
      %and3A_1051 = arith.constant 127 : i32
      %and3A_1052 = arith.andi %squeeze3A_1050, %and3A_1051 : i32
      %broadcast_in_dim3A_1053 = vector.broadcast %and3A_1052 : i32 to vector<16xi32>
      %gather3A_1054 = arith.constant 0 : i32
      %gather3A_1055 = arith.constant 0 : i32
      %gather3A_1056 = arith.constant 0 : i32
      %gather3A_1057 = tpu.memref_slice %arg10[%gather3A_1054, %gather3A_1055, %gather3A_1056] : memref<4x32x128xf32, #tpu.memory_space<vmem>> -> memref<1x32x128xf32, #tpu.memory_space<vmem>>
      %gather3A_1058 = tpu.memref_squeeze %gather3A_1057 : memref<1x32x128xf32, #tpu.memory_space<vmem>> -> memref<32x128xf32, #tpu.memory_space<vmem>>
      %gather3A_1059 = tpu.vector_load_idx %gather3A_1058[%iota3A, %broadcast_in_dim3A_1048] : memref<32x128xf32, #tpu.memory_space<vmem>>[vector<16xi32>, vector<16xi32>], vector<16xf32>,
      %gather3A_1060 = arith.constant 0 : i32
      %gather3A_1061 = arith.constant 0 : i32
      %gather3A_1062 = arith.constant 0 : i32
      %gather3A_1063 = tpu.memref_slice %arg10[%gather3A_1060, %gather3A_1061, %gather3A_1062] : memref<4x32x128xf32, #tpu.memory_space<vmem>> -> memref<1x32x128xf32, #tpu.memory_space<vmem>>
      %gather3A_1064 = tpu.memref_squeeze %gather3A_1063 : memref<1x32x128xf32, #tpu.memory_space<vmem>> -> memref<32x128xf32, #tpu.memory_space<vmem>>
      %gather3A_1065 = tpu.vector_load_idx %gather3A_1064[%add3A_5, %broadcast_in_dim3A_1048] : memref<32x128xf32, #tpu.memory_space<vmem>>[vector<16xi32>, vector<16xi32>], vector<16xf32>,
      %gather3A_1066 = arith.constant 0 : i32
      %gather3A_1067 = arith.constant 0 : i32
      %gather3A_1068 = arith.constant 0 : i32
      %gather3A_1069 = tpu.memref_slice %arg12[%gather3A_1066, %gather3A_1067, %gather3A_1068] : memref<4x32x128xf32, #tpu.memory_space<vmem>> -> memref<1x32x128xf32, #tpu.memory_space<vmem>>
      %gather3A_1070 = tpu.memref_squeeze %gather3A_1069 : memref<1x32x128xf32, #tpu.memory_space<vmem>> -> memref<32x128xf32, #tpu.memory_space<vmem>>
      %gather3A_1071 = tpu.vector_load_idx %gather3A_1070[%iota3A, %broadcast_in_dim3A_1053] : memref<32x128xf32, #tpu.memory_space<vmem>>[vector<16xi32>, vector<16xi32>], vector<16xf32>,
      %gather3A_1072 = arith.constant 0 : i32
      %gather3A_1073 = arith.constant 0 : i32
      %gather3A_1074 = arith.constant 0 : i32
      %gather3A_1075 = tpu.memref_slice %arg12[%gather3A_1072, %gather3A_1073, %gather3A_1074] : memref<4x32x128xf32, #tpu.memory_space<vmem>> -> memref<1x32x128xf32, #tpu.memory_space<vmem>>
      %gather3A_1076 = tpu.memref_squeeze %gather3A_1075 : memref<1x32x128xf32, #tpu.memory_space<vmem>> -> memref<32x128xf32, #tpu.memory_space<vmem>>
      %gather3A_1077 = tpu.vector_load_idx %gather3A_1076[%add3A_5, %broadcast_in_dim3A_1053] : memref<32x128xf32, #tpu.memory_space<vmem>>[vector<16xi32>, vector<16xi32>], vector<16xf32>,
      %mul3A_1078 = arith.mulf %gather3A_1059, %gather3A_1071 : vector<16xf32>
      %mul3A_1079 = arith.mulf %gather3A_1065, %gather3A_1077 : vector<16xf32>
      %add3A_1080 = arith.addf %mul3A_1078, %mul3A_1079 : vector<16xf32>
      %reduce_sum3A_1081 = arith.constant true
      %reduce_sum3A_1082 = vector.broadcast %reduce_sum3A_1081 : i1 to vector<16xi1>
      %reduce_sum3A_1083 = tpu.scan <sum>, %add3A_1080 masked %reduce_sum3A_1082 : vector<16xf32>, vector<16xi1> -> vector<16xf32>
      %reduce_sum3A_1084 = vector.extract %reduce_sum3A_1083[15] : f32 from vector<16xf32>
      %eq3A_1085 = arith.constant 8 : i32
      %eq3A_1086 = vector.broadcast %eq3A_1085 : i32 to vector<16xi32>
      %eq3A_1087 = arith.cmpi eq, %iota3A_164, %eq3A_1086 : vector<16xi32>
      %broadcast_in_dim3A_1088 = vector.broadcast %reduce_sum3A_1084 : f32 to vector<16xf32>
      %select_n3A_1089 = arith.select %eq3A_1087, %broadcast_in_dim3A_1088, %select_n3A_875 : vector<16xi1>, vector<16xf32>
      %slice3A_1090 = vector.extract_strided_slice %get3A_1041 {offsets = [9], sizes = [1], strides = [1]} : vector<16xi32> to vector<1xi32>
      %squeeze3A_1091 = vector.extract %slice3A_1090[0] : i32 from vector<1xi32>
      %and3A_1092 = arith.constant 127 : i32
      %and3A_1093 = arith.andi %squeeze3A_1091, %and3A_1092 : i32
      %broadcast_in_dim3A_1094 = vector.broadcast %and3A_1093 : i32 to vector<16xi32>
      %slice3A_1095 = vector.extract_strided_slice %get3A_1043 {offsets = [9], sizes = [1], strides = [1]} : vector<16xi32> to vector<1xi32>
      %squeeze3A_1096 = vector.extract %slice3A_1095[0] : i32 from vector<1xi32>
      %and3A_1097 = arith.constant 127 : i32
      %and3A_1098 = arith.andi %squeeze3A_1096, %and3A_1097 : i32
      %broadcast_in_dim3A_1099 = vector.broadcast %and3A_1098 : i32 to vector<16xi32>
      %gather3A_1100 = arith.constant 1 : i32
      %gather3A_1101 = arith.constant 0 : i32
      %gather3A_1102 = arith.constant 0 : i32
      %gather3A_1103 = tpu.memref_slice %arg10[%gather3A_1100, %gather3A_1101, %gather3A_1102] : memref<4x32x128xf32, #tpu.memory_space<vmem>> -> memref<1x32x128xf32, #tpu.memory_space<vmem>>
      %gather3A_1104 = tpu.memref_squeeze %gather3A_1103 : memref<1x32x128xf32, #tpu.memory_space<vmem>> -> memref<32x128xf32, #tpu.memory_space<vmem>>
      %gather3A_1105 = tpu.vector_load_idx %gather3A_1104[%iota3A, %broadcast_in_dim3A_1094] : memref<32x128xf32, #tpu.memory_space<vmem>>[vector<16xi32>, vector<16xi32>], vector<16xf32>,
      %gather3A_1106 = arith.constant 1 : i32
      %gather3A_1107 = arith.constant 0 : i32
      %gather3A_1108 = arith.constant 0 : i32
      %gather3A_1109 = tpu.memref_slice %arg10[%gather3A_1106, %gather3A_1107, %gather3A_1108] : memref<4x32x128xf32, #tpu.memory_space<vmem>> -> memref<1x32x128xf32, #tpu.memory_space<vmem>>
      %gather3A_1110 = tpu.memref_squeeze %gather3A_1109 : memref<1x32x128xf32, #tpu.memory_space<vmem>> -> memref<32x128xf32, #tpu.memory_space<vmem>>
      %gather3A_1111 = tpu.vector_load_idx %gather3A_1110[%add3A_5, %broadcast_in_dim3A_1094] : memref<32x128xf32, #tpu.memory_space<vmem>>[vector<16xi32>, vector<16xi32>], vector<16xf32>,
      %gather3A_1112 = arith.constant 1 : i32
      %gather3A_1113 = arith.constant 0 : i32
      %gather3A_1114 = arith.constant 0 : i32
      %gather3A_1115 = tpu.memref_slice %arg12[%gather3A_1112, %gather3A_1113, %gather3A_1114] : memref<4x32x128xf32, #tpu.memory_space<vmem>> -> memref<1x32x128xf32, #tpu.memory_space<vmem>>
      %gather3A_1116 = tpu.memref_squeeze %gather3A_1115 : memref<1x32x128xf32, #tpu.memory_space<vmem>> -> memref<32x128xf32, #tpu.memory_space<vmem>>
      %gather3A_1117 = tpu.vector_load_idx %gather3A_1116[%iota3A, %broadcast_in_dim3A_1099] : memref<32x128xf32, #tpu.memory_space<vmem>>[vector<16xi32>, vector<16xi32>], vector<16xf32>,
      %gather3A_1118 = arith.constant 1 : i32
      %gather3A_1119 = arith.constant 0 : i32
      %gather3A_1120 = arith.constant 0 : i32
      %gather3A_1121 = tpu.memref_slice %arg12[%gather3A_1118, %gather3A_1119, %gather3A_1120] : memref<4x32x128xf32, #tpu.memory_space<vmem>> -> memref<1x32x128xf32, #tpu.memory_space<vmem>>
      %gather3A_1122 = tpu.memref_squeeze %gather3A_1121 : memref<1x32x128xf32, #tpu.memory_space<vmem>> -> memref<32x128xf32, #tpu.memory_space<vmem>>
      %gather3A_1123 = tpu.vector_load_idx %gather3A_1122[%add3A_5, %broadcast_in_dim3A_1099] : memref<32x128xf32, #tpu.memory_space<vmem>>[vector<16xi32>, vector<16xi32>], vector<16xf32>,
      %mul3A_1124 = arith.mulf %gather3A_1105, %gather3A_1117 : vector<16xf32>
      %mul3A_1125 = arith.mulf %gather3A_1111, %gather3A_1123 : vector<16xf32>
      %add3A_1126 = arith.addf %mul3A_1124, %mul3A_1125 : vector<16xf32>
      %reduce_sum3A_1127 = arith.constant true
      %reduce_sum3A_1128 = vector.broadcast %reduce_sum3A_1127 : i1 to vector<16xi1>
      %reduce_sum3A_1129 = tpu.scan <sum>, %add3A_1126 masked %reduce_sum3A_1128 : vector<16xf32>, vector<16xi1> -> vector<16xf32>
      %reduce_sum3A_1130 = vector.extract %reduce_sum3A_1129[15] : f32 from vector<16xf32>
      %eq3A_1131 = arith.constant 9 : i32
      %eq3A_1132 = vector.broadcast %eq3A_1131 : i32 to vector<16xi32>
      %eq3A_1133 = arith.cmpi eq, %iota3A_164, %eq3A_1132 : vector<16xi32>
      %broadcast_in_dim3A_1134 = vector.broadcast %reduce_sum3A_1130 : f32 to vector<16xf32>
      %select_n3A_1135 = arith.select %eq3A_1133, %broadcast_in_dim3A_1134, %select_n3A_1089 : vector<16xi1>, vector<16xf32>
      %slice3A_1136 = vector.extract_strided_slice %get3A_1041 {offsets = [10], sizes = [1], strides = [1]} : vector<16xi32> to vector<1xi32>
      %squeeze3A_1137 = vector.extract %slice3A_1136[0] : i32 from vector<1xi32>
      %and3A_1138 = arith.constant 127 : i32
      %and3A_1139 = arith.andi %squeeze3A_1137, %and3A_1138 : i32
      %broadcast_in_dim3A_1140 = vector.broadcast %and3A_1139 : i32 to vector<16xi32>
      %slice3A_1141 = vector.extract_strided_slice %get3A_1043 {offsets = [10], sizes = [1], strides = [1]} : vector<16xi32> to vector<1xi32>
      %squeeze3A_1142 = vector.extract %slice3A_1141[0] : i32 from vector<1xi32>
      %and3A_1143 = arith.constant 127 : i32
      %and3A_1144 = arith.andi %squeeze3A_1142, %and3A_1143 : i32
      %broadcast_in_dim3A_1145 = vector.broadcast %and3A_1144 : i32 to vector<16xi32>
      %gather3A_1146 = arith.constant 2 : i32
      %gather3A_1147 = arith.constant 0 : i32
      %gather3A_1148 = arith.constant 0 : i32
      %gather3A_1149 = tpu.memref_slice %arg10[%gather3A_1146, %gather3A_1147, %gather3A_1148] : memref<4x32x128xf32, #tpu.memory_space<vmem>> -> memref<1x32x128xf32, #tpu.memory_space<vmem>>
      %gather3A_1150 = tpu.memref_squeeze %gather3A_1149 : memref<1x32x128xf32, #tpu.memory_space<vmem>> -> memref<32x128xf32, #tpu.memory_space<vmem>>
      %gather3A_1151 = tpu.vector_load_idx %gather3A_1150[%iota3A, %broadcast_in_dim3A_1140] : memref<32x128xf32, #tpu.memory_space<vmem>>[vector<16xi32>, vector<16xi32>], vector<16xf32>,
      %gather3A_1152 = arith.constant 2 : i32
      %gather3A_1153 = arith.constant 0 : i32
      %gather3A_1154 = arith.constant 0 : i32
      %gather3A_1155 = tpu.memref_slice %arg10[%gather3A_1152, %gather3A_1153, %gather3A_1154] : memref<4x32x128xf32, #tpu.memory_space<vmem>> -> memref<1x32x128xf32, #tpu.memory_space<vmem>>
      %gather3A_1156 = tpu.memref_squeeze %gather3A_1155 : memref<1x32x128xf32, #tpu.memory_space<vmem>> -> memref<32x128xf32, #tpu.memory_space<vmem>>
      %gather3A_1157 = tpu.vector_load_idx %gather3A_1156[%add3A_5, %broadcast_in_dim3A_1140] : memref<32x128xf32, #tpu.memory_space<vmem>>[vector<16xi32>, vector<16xi32>], vector<16xf32>,
      %gather3A_1158 = arith.constant 2 : i32
      %gather3A_1159 = arith.constant 0 : i32
      %gather3A_1160 = arith.constant 0 : i32
      %gather3A_1161 = tpu.memref_slice %arg12[%gather3A_1158, %gather3A_1159, %gather3A_1160] : memref<4x32x128xf32, #tpu.memory_space<vmem>> -> memref<1x32x128xf32, #tpu.memory_space<vmem>>
      %gather3A_1162 = tpu.memref_squeeze %gather3A_1161 : memref<1x32x128xf32, #tpu.memory_space<vmem>> -> memref<32x128xf32, #tpu.memory_space<vmem>>
      %gather3A_1163 = tpu.vector_load_idx %gather3A_1162[%iota3A, %broadcast_in_dim3A_1145] : memref<32x128xf32, #tpu.memory_space<vmem>>[vector<16xi32>, vector<16xi32>], vector<16xf32>,
      %gather3A_1164 = arith.constant 2 : i32
      %gather3A_1165 = arith.constant 0 : i32
      %gather3A_1166 = arith.constant 0 : i32
      %gather3A_1167 = tpu.memref_slice %arg12[%gather3A_1164, %gather3A_1165, %gather3A_1166] : memref<4x32x128xf32, #tpu.memory_space<vmem>> -> memref<1x32x128xf32, #tpu.memory_space<vmem>>
      %gather3A_1168 = tpu.memref_squeeze %gather3A_1167 : memref<1x32x128xf32, #tpu.memory_space<vmem>> -> memref<32x128xf32, #tpu.memory_space<vmem>>
      %gather3A_1169 = tpu.vector_load_idx %gather3A_1168[%add3A_5, %broadcast_in_dim3A_1145] : memref<32x128xf32, #tpu.memory_space<vmem>>[vector<16xi32>, vector<16xi32>], vector<16xf32>,
      %mul3A_1170 = arith.mulf %gather3A_1151, %gather3A_1163 : vector<16xf32>
      %mul3A_1171 = arith.mulf %gather3A_1157, %gather3A_1169 : vector<16xf32>
      %add3A_1172 = arith.addf %mul3A_1170, %mul3A_1171 : vector<16xf32>
      %reduce_sum3A_1173 = arith.constant true
      %reduce_sum3A_1174 = vector.broadcast %reduce_sum3A_1173 : i1 to vector<16xi1>
      %reduce_sum3A_1175 = tpu.scan <sum>, %add3A_1172 masked %reduce_sum3A_1174 : vector<16xf32>, vector<16xi1> -> vector<16xf32>
      %reduce_sum3A_1176 = vector.extract %reduce_sum3A_1175[15] : f32 from vector<16xf32>
      %eq3A_1177 = arith.constant 10 : i32
      %eq3A_1178 = vector.broadcast %eq3A_1177 : i32 to vector<16xi32>
      %eq3A_1179 = arith.cmpi eq, %iota3A_164, %eq3A_1178 : vector<16xi32>
      %broadcast_in_dim3A_1180 = vector.broadcast %reduce_sum3A_1176 : f32 to vector<16xf32>
      %select_n3A_1181 = arith.select %eq3A_1179, %broadcast_in_dim3A_1180, %select_n3A_1135 : vector<16xi1>, vector<16xf32>
      %slice3A_1182 = vector.extract_strided_slice %get3A_1041 {offsets = [11], sizes = [1], strides = [1]} : vector<16xi32> to vector<1xi32>
      %squeeze3A_1183 = vector.extract %slice3A_1182[0] : i32 from vector<1xi32>
      %and3A_1184 = arith.constant 127 : i32
      %and3A_1185 = arith.andi %squeeze3A_1183, %and3A_1184 : i32
      %broadcast_in_dim3A_1186 = vector.broadcast %and3A_1185 : i32 to vector<16xi32>
      %slice3A_1187 = vector.extract_strided_slice %get3A_1043 {offsets = [11], sizes = [1], strides = [1]} : vector<16xi32> to vector<1xi32>
      %squeeze3A_1188 = vector.extract %slice3A_1187[0] : i32 from vector<1xi32>
      %and3A_1189 = arith.constant 127 : i32
      %and3A_1190 = arith.andi %squeeze3A_1188, %and3A_1189 : i32
      %broadcast_in_dim3A_1191 = vector.broadcast %and3A_1190 : i32 to vector<16xi32>
      %gather3A_1192 = arith.constant 3 : i32
      %gather3A_1193 = arith.constant 0 : i32
      %gather3A_1194 = arith.constant 0 : i32
      %gather3A_1195 = tpu.memref_slice %arg10[%gather3A_1192, %gather3A_1193, %gather3A_1194] : memref<4x32x128xf32, #tpu.memory_space<vmem>> -> memref<1x32x128xf32, #tpu.memory_space<vmem>>
      %gather3A_1196 = tpu.memref_squeeze %gather3A_1195 : memref<1x32x128xf32, #tpu.memory_space<vmem>> -> memref<32x128xf32, #tpu.memory_space<vmem>>
      %gather3A_1197 = tpu.vector_load_idx %gather3A_1196[%iota3A, %broadcast_in_dim3A_1186] : memref<32x128xf32, #tpu.memory_space<vmem>>[vector<16xi32>, vector<16xi32>], vector<16xf32>,
      %gather3A_1198 = arith.constant 3 : i32
      %gather3A_1199 = arith.constant 0 : i32
      %gather3A_1200 = arith.constant 0 : i32
      %gather3A_1201 = tpu.memref_slice %arg10[%gather3A_1198, %gather3A_1199, %gather3A_1200] : memref<4x32x128xf32, #tpu.memory_space<vmem>> -> memref<1x32x128xf32, #tpu.memory_space<vmem>>
      %gather3A_1202 = tpu.memref_squeeze %gather3A_1201 : memref<1x32x128xf32, #tpu.memory_space<vmem>> -> memref<32x128xf32, #tpu.memory_space<vmem>>
      %gather3A_1203 = tpu.vector_load_idx %gather3A_1202[%add3A_5, %broadcast_in_dim3A_1186] : memref<32x128xf32, #tpu.memory_space<vmem>>[vector<16xi32>, vector<16xi32>], vector<16xf32>,
      %gather3A_1204 = arith.constant 3 : i32
      %gather3A_1205 = arith.constant 0 : i32
      %gather3A_1206 = arith.constant 0 : i32
      %gather3A_1207 = tpu.memref_slice %arg12[%gather3A_1204, %gather3A_1205, %gather3A_1206] : memref<4x32x128xf32, #tpu.memory_space<vmem>> -> memref<1x32x128xf32, #tpu.memory_space<vmem>>
      %gather3A_1208 = tpu.memref_squeeze %gather3A_1207 : memref<1x32x128xf32, #tpu.memory_space<vmem>> -> memref<32x128xf32, #tpu.memory_space<vmem>>
      %gather3A_1209 = tpu.vector_load_idx %gather3A_1208[%iota3A, %broadcast_in_dim3A_1191] : memref<32x128xf32, #tpu.memory_space<vmem>>[vector<16xi32>, vector<16xi32>], vector<16xf32>,
      %gather3A_1210 = arith.constant 3 : i32
      %gather3A_1211 = arith.constant 0 : i32
      %gather3A_1212 = arith.constant 0 : i32
      %gather3A_1213 = tpu.memref_slice %arg12[%gather3A_1210, %gather3A_1211, %gather3A_1212] : memref<4x32x128xf32, #tpu.memory_space<vmem>> -> memref<1x32x128xf32, #tpu.memory_space<vmem>>
      %gather3A_1214 = tpu.memref_squeeze %gather3A_1213 : memref<1x32x128xf32, #tpu.memory_space<vmem>> -> memref<32x128xf32, #tpu.memory_space<vmem>>
      %gather3A_1215 = tpu.vector_load_idx %gather3A_1214[%add3A_5, %broadcast_in_dim3A_1191] : memref<32x128xf32, #tpu.memory_space<vmem>>[vector<16xi32>, vector<16xi32>], vector<16xf32>,
      %mul3A_1216 = arith.mulf %gather3A_1197, %gather3A_1209 : vector<16xf32>
      %mul3A_1217 = arith.mulf %gather3A_1203, %gather3A_1215 : vector<16xf32>
      %add3A_1218 = arith.addf %mul3A_1216, %mul3A_1217 : vector<16xf32>
      %reduce_sum3A_1219 = arith.constant true
      %reduce_sum3A_1220 = vector.broadcast %reduce_sum3A_1219 : i1 to vector<16xi1>
      %reduce_sum3A_1221 = tpu.scan <sum>, %add3A_1218 masked %reduce_sum3A_1220 : vector<16xf32>, vector<16xi1> -> vector<16xf32>
      %reduce_sum3A_1222 = vector.extract %reduce_sum3A_1221[15] : f32 from vector<16xf32>
      %eq3A_1223 = arith.constant 11 : i32
      %eq3A_1224 = vector.broadcast %eq3A_1223 : i32 to vector<16xi32>
      %eq3A_1225 = arith.cmpi eq, %iota3A_164, %eq3A_1224 : vector<16xi32>
      %broadcast_in_dim3A_1226 = vector.broadcast %reduce_sum3A_1222 : f32 to vector<16xf32>
      %select_n3A_1227 = arith.select %eq3A_1225, %broadcast_in_dim3A_1226, %select_n3A_1181 : vector<16xi1>, vector<16xf32>
      %add3A_1228 = arith.constant 1 : i32
      %add3A_1229 = arith.addi %add3A_173, %add3A_1228 : i32
      %lt3A = arith.constant 32 : i32
      %lt3A_1230 = arith.cmpi slt, %add3A_1229, %lt3A : i32
      %convert_element_type3A = arith.extui %lt3A_1230 : i1 to i32
      %cond3A = arith.constant 0 : i32
      %cond3A_1231 = arith.cmpi ne, %convert_element_type3A, %cond3A : i32
      scf.if %cond3A_1231 {
        %add3A_1421 = arith.constant 16 : i32
        %add3A_1422 = arith.addi %mul3A_175, %add3A_1421 : i32
        %get3A_1423 = arith.index_cast %add3A_1422 : i32 to index
        %get3A_1424 = tpu.vector_load %arg8[%get3A_1423] {strides = array<i32>} : memref<512xi32, #tpu.memory_space<vmem>>, vector<16xi32>,
        %get3A_1425 = arith.index_cast %add3A_1422 : i32 to index
        %get3A_1426 = tpu.vector_load %arg9[%get3A_1425] {strides = array<i32>} : memref<512xi32, #tpu.memory_space<vmem>>, vector<16xi32>,
        %slice3A_1427 = vector.extract_strided_slice %get3A_1424 {offsets = [0], sizes = [1], strides = [1]} : vector<16xi32> to vector<1xi32>
        %squeeze3A_1428 = vector.extract %slice3A_1427[0] : i32 from vector<1xi32>
        %slice3A_1429 = vector.extract_strided_slice %get3A_1426 {offsets = [0], sizes = [1], strides = [1]} : vector<16xi32> to vector<1xi32>
        %squeeze3A_1430 = vector.extract %slice3A_1429[0] : i32 from vector<1xi32>
        %shift_right_arithmetic3A_1431 = arith.constant 7 : i32
        %shift_right_arithmetic3A_1432 = arith.shrsi %squeeze3A_1428, %shift_right_arithmetic3A_1431 : i32
        %mul3A_1433 = arith.constant 128 : i32
        %mul3A_1434 = arith.muli %shift_right_arithmetic3A_1432, %mul3A_1433 : i32
        %multiple_of3A_1435 = tpu.assume_multiple %mul3A_1434, 128 : i32
        %shift_right_arithmetic3A_1436 = arith.constant 7 : i32
        %shift_right_arithmetic3A_1437 = arith.shrsi %squeeze3A_1430, %shift_right_arithmetic3A_1436 : i32
        %mul3A_1438 = arith.constant 128 : i32
        %mul3A_1439 = arith.muli %shift_right_arithmetic3A_1437, %mul3A_1438 : i32
        %multiple_of3A_1440 = tpu.assume_multiple %mul3A_1439, 128 : i32
        %dma_start3A_1441 = arith.constant 0 : i32
        %dma_start3A_1442 = arith.constant 0 : i32
        %dma_start3A_1443 = arith.constant 0 : i32
        %dma_start3A_1444 = tpu.memref_slice %arg10[%dma_start3A_1441, %dma_start3A_1442, %dma_start3A_1443] : memref<4x32x128xf32, #tpu.memory_space<vmem>> -> memref<1x32x128xf32, #tpu.memory_space<vmem>>
        %dma_start3A_1445 = tpu.memref_squeeze %dma_start3A_1444 : memref<1x32x128xf32, #tpu.memory_space<vmem>> -> memref<32x128xf32, #tpu.memory_space<vmem>>
        %dma_start3A_1446 = arith.constant 0 : i32
        %dma_start3A_1447 = tpu.memref_slice %arg4[%dma_start3A_1446, %multiple_of3A_1435] : memref<32x1000000xf32, #tpu.memory_space<hbm>> -> memref<32x128xf32, #tpu.memory_space<hbm>>
        %dma_start3A_1448 = arith.constant 0 : i32
        %dma_start3A_1449 = arith.constant 0 : i32
        %dma_start3A_1450 = tpu.memref_slice %arg10[%dma_start3A_1441, %dma_start3A_1448, %dma_start3A_1449] : memref<4x32x128xf32, #tpu.memory_space<vmem>> -> memref<1x32x128xf32, #tpu.memory_space<vmem>>
        %dma_start3A_1451 = tpu.memref_squeeze %dma_start3A_1450 : memref<1x32x128xf32, #tpu.memory_space<vmem>> -> memref<32x128xf32, #tpu.memory_space<vmem>>
        %dma_start3A_1452 = arith.constant 0 : i32
        %dma_start3A_1453 = tpu.memref_slice %arg4[%dma_start3A_1452, %multiple_of3A_1435] : memref<32x1000000xf32, #tpu.memory_space<hbm>> -> memref<32x128xf32, #tpu.memory_space<hbm>>
        tpu.enqueue_dma source(%dma_start3A_1453 : memref<32x128xf32, #tpu.memory_space<hbm>>) target(%dma_start3A_1451 : memref<32x128xf32, #tpu.memory_space<vmem>>) target_semaphore(%arg15 : memref<!tpu.dma_semaphore, #tpu.memory_space<semaphore_mem>>)
        %dma_start3A_1454 = arith.constant 0 : i32
        %dma_start3A_1455 = arith.constant 0 : i32
        %dma_start3A_1456 = arith.constant 0 : i32
        %dma_start3A_1457 = tpu.memref_slice %arg12[%dma_start3A_1454, %dma_start3A_1455, %dma_start3A_1456] : memref<4x32x128xf32, #tpu.memory_space<vmem>> -> memref<1x32x128xf32, #tpu.memory_space<vmem>>
        %dma_start3A_1458 = tpu.memref_squeeze %dma_start3A_1457 : memref<1x32x128xf32, #tpu.memory_space<vmem>> -> memref<32x128xf32, #tpu.memory_space<vmem>>
        %dma_start3A_1459 = arith.constant 0 : i32
        %dma_start3A_1460 = tpu.memref_slice %arg5[%dma_start3A_1459, %multiple_of3A_1440] : memref<32x1000000xf32, #tpu.memory_space<hbm>> -> memref<32x128xf32, #tpu.memory_space<hbm>>
        %dma_start3A_1461 = arith.constant 0 : i32
        %dma_start3A_1462 = arith.constant 0 : i32
        %dma_start3A_1463 = tpu.memref_slice %arg12[%dma_start3A_1454, %dma_start3A_1461, %dma_start3A_1462] : memref<4x32x128xf32, #tpu.memory_space<vmem>> -> memref<1x32x128xf32, #tpu.memory_space<vmem>>
        %dma_start3A_1464 = tpu.memref_squeeze %dma_start3A_1463 : memref<1x32x128xf32, #tpu.memory_space<vmem>> -> memref<32x128xf32, #tpu.memory_space<vmem>>
        %dma_start3A_1465 = arith.constant 0 : i32
        %dma_start3A_1466 = tpu.memref_slice %arg5[%dma_start3A_1465, %multiple_of3A_1440] : memref<32x1000000xf32, #tpu.memory_space<hbm>> -> memref<32x128xf32, #tpu.memory_space<hbm>>
        tpu.enqueue_dma source(%dma_start3A_1466 : memref<32x128xf32, #tpu.memory_space<hbm>>) target(%dma_start3A_1464 : memref<32x128xf32, #tpu.memory_space<vmem>>) target_semaphore(%arg15 : memref<!tpu.dma_semaphore, #tpu.memory_space<semaphore_mem>>)
        %slice3A_1467 = vector.extract_strided_slice %get3A_1424 {offsets = [1], sizes = [1], strides = [1]} : vector<16xi32> to vector<1xi32>
        %squeeze3A_1468 = vector.extract %slice3A_1467[0] : i32 from vector<1xi32>
        %slice3A_1469 = vector.extract_strided_slice %get3A_1426 {offsets = [1], sizes = [1], strides = [1]} : vector<16xi32> to vector<1xi32>
        %squeeze3A_1470 = vector.extract %slice3A_1469[0] : i32 from vector<1xi32>
        %shift_right_arithmetic3A_1471 = arith.constant 7 : i32
        %shift_right_arithmetic3A_1472 = arith.shrsi %squeeze3A_1468, %shift_right_arithmetic3A_1471 : i32
        %mul3A_1473 = arith.constant 128 : i32
        %mul3A_1474 = arith.muli %shift_right_arithmetic3A_1472, %mul3A_1473 : i32
        %multiple_of3A_1475 = tpu.assume_multiple %mul3A_1474, 128 : i32
        %shift_right_arithmetic3A_1476 = arith.constant 7 : i32
        %shift_right_arithmetic3A_1477 = arith.shrsi %squeeze3A_1470, %shift_right_arithmetic3A_1476 : i32
        %mul3A_1478 = arith.constant 128 : i32
        %mul3A_1479 = arith.muli %shift_right_arithmetic3A_1477, %mul3A_1478 : i32
        %multiple_of3A_1480 = tpu.assume_multiple %mul3A_1479, 128 : i32
        %dma_start3A_1481 = arith.constant 1 : i32
        %dma_start3A_1482 = arith.constant 0 : i32
        %dma_start3A_1483 = arith.constant 0 : i32
        %dma_start3A_1484 = tpu.memref_slice %arg10[%dma_start3A_1481, %dma_start3A_1482, %dma_start3A_1483] : memref<4x32x128xf32, #tpu.memory_space<vmem>> -> memref<1x32x128xf32, #tpu.memory_space<vmem>>
        %dma_start3A_1485 = tpu.memref_squeeze %dma_start3A_1484 : memref<1x32x128xf32, #tpu.memory_space<vmem>> -> memref<32x128xf32, #tpu.memory_space<vmem>>
        %dma_start3A_1486 = arith.constant 0 : i32
        %dma_start3A_1487 = tpu.memref_slice %arg4[%dma_start3A_1486, %multiple_of3A_1475] : memref<32x1000000xf32, #tpu.memory_space<hbm>> -> memref<32x128xf32, #tpu.memory_space<hbm>>
        %dma_start3A_1488 = arith.constant 0 : i32
        %dma_start3A_1489 = arith.constant 0 : i32
        %dma_start3A_1490 = tpu.memref_slice %arg10[%dma_start3A_1481, %dma_start3A_1488, %dma_start3A_1489] : memref<4x32x128xf32, #tpu.memory_space<vmem>> -> memref<1x32x128xf32, #tpu.memory_space<vmem>>
        %dma_start3A_1491 = tpu.memref_squeeze %dma_start3A_1490 : memref<1x32x128xf32, #tpu.memory_space<vmem>> -> memref<32x128xf32, #tpu.memory_space<vmem>>
        %dma_start3A_1492 = arith.constant 0 : i32
        %dma_start3A_1493 = tpu.memref_slice %arg4[%dma_start3A_1492, %multiple_of3A_1475] : memref<32x1000000xf32, #tpu.memory_space<hbm>> -> memref<32x128xf32, #tpu.memory_space<hbm>>
        tpu.enqueue_dma source(%dma_start3A_1493 : memref<32x128xf32, #tpu.memory_space<hbm>>) target(%dma_start3A_1491 : memref<32x128xf32, #tpu.memory_space<vmem>>) target_semaphore(%arg15 : memref<!tpu.dma_semaphore, #tpu.memory_space<semaphore_mem>>)
        %dma_start3A_1494 = arith.constant 1 : i32
        %dma_start3A_1495 = arith.constant 0 : i32
        %dma_start3A_1496 = arith.constant 0 : i32
        %dma_start3A_1497 = tpu.memref_slice %arg12[%dma_start3A_1494, %dma_start3A_1495, %dma_start3A_1496] : memref<4x32x128xf32, #tpu.memory_space<vmem>> -> memref<1x32x128xf32, #tpu.memory_space<vmem>>
        %dma_start3A_1498 = tpu.memref_squeeze %dma_start3A_1497 : memref<1x32x128xf32, #tpu.memory_space<vmem>> -> memref<32x128xf32, #tpu.memory_space<vmem>>
        %dma_start3A_1499 = arith.constant 0 : i32
        %dma_start3A_1500 = tpu.memref_slice %arg5[%dma_start3A_1499, %multiple_of3A_1480] : memref<32x1000000xf32, #tpu.memory_space<hbm>> -> memref<32x128xf32, #tpu.memory_space<hbm>>
        %dma_start3A_1501 = arith.constant 0 : i32
        %dma_start3A_1502 = arith.constant 0 : i32
        %dma_start3A_1503 = tpu.memref_slice %arg12[%dma_start3A_1494, %dma_start3A_1501, %dma_start3A_1502] : memref<4x32x128xf32, #tpu.memory_space<vmem>> -> memref<1x32x128xf32, #tpu.memory_space<vmem>>
        %dma_start3A_1504 = tpu.memref_squeeze %dma_start3A_1503 : memref<1x32x128xf32, #tpu.memory_space<vmem>> -> memref<32x128xf32, #tpu.memory_space<vmem>>
        %dma_start3A_1505 = arith.constant 0 : i32
        %dma_start3A_1506 = tpu.memref_slice %arg5[%dma_start3A_1505, %multiple_of3A_1480] : memref<32x1000000xf32, #tpu.memory_space<hbm>> -> memref<32x128xf32, #tpu.memory_space<hbm>>
        tpu.enqueue_dma source(%dma_start3A_1506 : memref<32x128xf32, #tpu.memory_space<hbm>>) target(%dma_start3A_1504 : memref<32x128xf32, #tpu.memory_space<vmem>>) target_semaphore(%arg15 : memref<!tpu.dma_semaphore, #tpu.memory_space<semaphore_mem>>)
        %slice3A_1507 = vector.extract_strided_slice %get3A_1424 {offsets = [2], sizes = [1], strides = [1]} : vector<16xi32> to vector<1xi32>
        %squeeze3A_1508 = vector.extract %slice3A_1507[0] : i32 from vector<1xi32>
        %slice3A_1509 = vector.extract_strided_slice %get3A_1426 {offsets = [2], sizes = [1], strides = [1]} : vector<16xi32> to vector<1xi32>
        %squeeze3A_1510 = vector.extract %slice3A_1509[0] : i32 from vector<1xi32>
        %shift_right_arithmetic3A_1511 = arith.constant 7 : i32
        %shift_right_arithmetic3A_1512 = arith.shrsi %squeeze3A_1508, %shift_right_arithmetic3A_1511 : i32
        %mul3A_1513 = arith.constant 128 : i32
        %mul3A_1514 = arith.muli %shift_right_arithmetic3A_1512, %mul3A_1513 : i32
        %multiple_of3A_1515 = tpu.assume_multiple %mul3A_1514, 128 : i32
        %shift_right_arithmetic3A_1516 = arith.constant 7 : i32
        %shift_right_arithmetic3A_1517 = arith.shrsi %squeeze3A_1510, %shift_right_arithmetic3A_1516 : i32
        %mul3A_1518 = arith.constant 128 : i32
        %mul3A_1519 = arith.muli %shift_right_arithmetic3A_1517, %mul3A_1518 : i32
        %multiple_of3A_1520 = tpu.assume_multiple %mul3A_1519, 128 : i32
        %dma_start3A_1521 = arith.constant 2 : i32
        %dma_start3A_1522 = arith.constant 0 : i32
        %dma_start3A_1523 = arith.constant 0 : i32
        %dma_start3A_1524 = tpu.memref_slice %arg10[%dma_start3A_1521, %dma_start3A_1522, %dma_start3A_1523] : memref<4x32x128xf32, #tpu.memory_space<vmem>> -> memref<1x32x128xf32, #tpu.memory_space<vmem>>
        %dma_start3A_1525 = tpu.memref_squeeze %dma_start3A_1524 : memref<1x32x128xf32, #tpu.memory_space<vmem>> -> memref<32x128xf32, #tpu.memory_space<vmem>>
        %dma_start3A_1526 = arith.constant 0 : i32
        %dma_start3A_1527 = tpu.memref_slice %arg4[%dma_start3A_1526, %multiple_of3A_1515] : memref<32x1000000xf32, #tpu.memory_space<hbm>> -> memref<32x128xf32, #tpu.memory_space<hbm>>
        %dma_start3A_1528 = arith.constant 0 : i32
        %dma_start3A_1529 = arith.constant 0 : i32
        %dma_start3A_1530 = tpu.memref_slice %arg10[%dma_start3A_1521, %dma_start3A_1528, %dma_start3A_1529] : memref<4x32x128xf32, #tpu.memory_space<vmem>> -> memref<1x32x128xf32, #tpu.memory_space<vmem>>
        %dma_start3A_1531 = tpu.memref_squeeze %dma_start3A_1530 : memref<1x32x128xf32, #tpu.memory_space<vmem>> -> memref<32x128xf32, #tpu.memory_space<vmem>>
        %dma_start3A_1532 = arith.constant 0 : i32
        %dma_start3A_1533 = tpu.memref_slice %arg4[%dma_start3A_1532, %multiple_of3A_1515] : memref<32x1000000xf32, #tpu.memory_space<hbm>> -> memref<32x128xf32, #tpu.memory_space<hbm>>
        tpu.enqueue_dma source(%dma_start3A_1533 : memref<32x128xf32, #tpu.memory_space<hbm>>) target(%dma_start3A_1531 : memref<32x128xf32, #tpu.memory_space<vmem>>) target_semaphore(%arg15 : memref<!tpu.dma_semaphore, #tpu.memory_space<semaphore_mem>>)
        %dma_start3A_1534 = arith.constant 2 : i32
        %dma_start3A_1535 = arith.constant 0 : i32
        %dma_start3A_1536 = arith.constant 0 : i32
        %dma_start3A_1537 = tpu.memref_slice %arg12[%dma_start3A_1534, %dma_start3A_1535, %dma_start3A_1536] : memref<4x32x128xf32, #tpu.memory_space<vmem>> -> memref<1x32x128xf32, #tpu.memory_space<vmem>>
        %dma_start3A_1538 = tpu.memref_squeeze %dma_start3A_1537 : memref<1x32x128xf32, #tpu.memory_space<vmem>> -> memref<32x128xf32, #tpu.memory_space<vmem>>
        %dma_start3A_1539 = arith.constant 0 : i32
        %dma_start3A_1540 = tpu.memref_slice %arg5[%dma_start3A_1539, %multiple_of3A_1520] : memref<32x1000000xf32, #tpu.memory_space<hbm>> -> memref<32x128xf32, #tpu.memory_space<hbm>>
        %dma_start3A_1541 = arith.constant 0 : i32
        %dma_start3A_1542 = arith.constant 0 : i32
        %dma_start3A_1543 = tpu.memref_slice %arg12[%dma_start3A_1534, %dma_start3A_1541, %dma_start3A_1542] : memref<4x32x128xf32, #tpu.memory_space<vmem>> -> memref<1x32x128xf32, #tpu.memory_space<vmem>>
        %dma_start3A_1544 = tpu.memref_squeeze %dma_start3A_1543 : memref<1x32x128xf32, #tpu.memory_space<vmem>> -> memref<32x128xf32, #tpu.memory_space<vmem>>
        %dma_start3A_1545 = arith.constant 0 : i32
        %dma_start3A_1546 = tpu.memref_slice %arg5[%dma_start3A_1545, %multiple_of3A_1520] : memref<32x1000000xf32, #tpu.memory_space<hbm>> -> memref<32x128xf32, #tpu.memory_space<hbm>>
        tpu.enqueue_dma source(%dma_start3A_1546 : memref<32x128xf32, #tpu.memory_space<hbm>>) target(%dma_start3A_1544 : memref<32x128xf32, #tpu.memory_space<vmem>>) target_semaphore(%arg15 : memref<!tpu.dma_semaphore, #tpu.memory_space<semaphore_mem>>)
        %slice3A_1547 = vector.extract_strided_slice %get3A_1424 {offsets = [3], sizes = [1], strides = [1]} : vector<16xi32> to vector<1xi32>
        %squeeze3A_1548 = vector.extract %slice3A_1547[0] : i32 from vector<1xi32>
        %slice3A_1549 = vector.extract_strided_slice %get3A_1426 {offsets = [3], sizes = [1], strides = [1]} : vector<16xi32> to vector<1xi32>
        %squeeze3A_1550 = vector.extract %slice3A_1549[0] : i32 from vector<1xi32>
        %shift_right_arithmetic3A_1551 = arith.constant 7 : i32
        %shift_right_arithmetic3A_1552 = arith.shrsi %squeeze3A_1548, %shift_right_arithmetic3A_1551 : i32
        %mul3A_1553 = arith.constant 128 : i32
        %mul3A_1554 = arith.muli %shift_right_arithmetic3A_1552, %mul3A_1553 : i32
        %multiple_of3A_1555 = tpu.assume_multiple %mul3A_1554, 128 : i32
        %shift_right_arithmetic3A_1556 = arith.constant 7 : i32
        %shift_right_arithmetic3A_1557 = arith.shrsi %squeeze3A_1550, %shift_right_arithmetic3A_1556 : i32
        %mul3A_1558 = arith.constant 128 : i32
        %mul3A_1559 = arith.muli %shift_right_arithmetic3A_1557, %mul3A_1558 : i32
        %multiple_of3A_1560 = tpu.assume_multiple %mul3A_1559, 128 : i32
        %dma_start3A_1561 = arith.constant 3 : i32
        %dma_start3A_1562 = arith.constant 0 : i32
        %dma_start3A_1563 = arith.constant 0 : i32
        %dma_start3A_1564 = tpu.memref_slice %arg10[%dma_start3A_1561, %dma_start3A_1562, %dma_start3A_1563] : memref<4x32x128xf32, #tpu.memory_space<vmem>> -> memref<1x32x128xf32, #tpu.memory_space<vmem>>
        %dma_start3A_1565 = tpu.memref_squeeze %dma_start3A_1564 : memref<1x32x128xf32, #tpu.memory_space<vmem>> -> memref<32x128xf32, #tpu.memory_space<vmem>>
        %dma_start3A_1566 = arith.constant 0 : i32
        %dma_start3A_1567 = tpu.memref_slice %arg4[%dma_start3A_1566, %multiple_of3A_1555] : memref<32x1000000xf32, #tpu.memory_space<hbm>> -> memref<32x128xf32, #tpu.memory_space<hbm>>
        %dma_start3A_1568 = arith.constant 0 : i32
        %dma_start3A_1569 = arith.constant 0 : i32
        %dma_start3A_1570 = tpu.memref_slice %arg10[%dma_start3A_1561, %dma_start3A_1568, %dma_start3A_1569] : memref<4x32x128xf32, #tpu.memory_space<vmem>> -> memref<1x32x128xf32, #tpu.memory_space<vmem>>
        %dma_start3A_1571 = tpu.memref_squeeze %dma_start3A_1570 : memref<1x32x128xf32, #tpu.memory_space<vmem>> -> memref<32x128xf32, #tpu.memory_space<vmem>>
        %dma_start3A_1572 = arith.constant 0 : i32
        %dma_start3A_1573 = tpu.memref_slice %arg4[%dma_start3A_1572, %multiple_of3A_1555] : memref<32x1000000xf32, #tpu.memory_space<hbm>> -> memref<32x128xf32, #tpu.memory_space<hbm>>
        tpu.enqueue_dma source(%dma_start3A_1573 : memref<32x128xf32, #tpu.memory_space<hbm>>) target(%dma_start3A_1571 : memref<32x128xf32, #tpu.memory_space<vmem>>) target_semaphore(%arg15 : memref<!tpu.dma_semaphore, #tpu.memory_space<semaphore_mem>>)
        %dma_start3A_1574 = arith.constant 3 : i32
        %dma_start3A_1575 = arith.constant 0 : i32
        %dma_start3A_1576 = arith.constant 0 : i32
        %dma_start3A_1577 = tpu.memref_slice %arg12[%dma_start3A_1574, %dma_start3A_1575, %dma_start3A_1576] : memref<4x32x128xf32, #tpu.memory_space<vmem>> -> memref<1x32x128xf32, #tpu.memory_space<vmem>>
        %dma_start3A_1578 = tpu.memref_squeeze %dma_start3A_1577 : memref<1x32x128xf32, #tpu.memory_space<vmem>> -> memref<32x128xf32, #tpu.memory_space<vmem>>
        %dma_start3A_1579 = arith.constant 0 : i32
        %dma_start3A_1580 = tpu.memref_slice %arg5[%dma_start3A_1579, %multiple_of3A_1560] : memref<32x1000000xf32, #tpu.memory_space<hbm>> -> memref<32x128xf32, #tpu.memory_space<hbm>>
        %dma_start3A_1581 = arith.constant 0 : i32
        %dma_start3A_1582 = arith.constant 0 : i32
        %dma_start3A_1583 = tpu.memref_slice %arg12[%dma_start3A_1574, %dma_start3A_1581, %dma_start3A_1582] : memref<4x32x128xf32, #tpu.memory_space<vmem>> -> memref<1x32x128xf32, #tpu.memory_space<vmem>>
        %dma_start3A_1584 = tpu.memref_squeeze %dma_start3A_1583 : memref<1x32x128xf32, #tpu.memory_space<vmem>> -> memref<32x128xf32, #tpu.memory_space<vmem>>
        %dma_start3A_1585 = arith.constant 0 : i32
        %dma_start3A_1586 = tpu.memref_slice %arg5[%dma_start3A_1585, %multiple_of3A_1560] : memref<32x1000000xf32, #tpu.memory_space<hbm>> -> memref<32x128xf32, #tpu.memory_space<hbm>>
        tpu.enqueue_dma source(%dma_start3A_1586 : memref<32x128xf32, #tpu.memory_space<hbm>>) target(%dma_start3A_1584 : memref<32x128xf32, #tpu.memory_space<vmem>>) target_semaphore(%arg15 : memref<!tpu.dma_semaphore, #tpu.memory_space<semaphore_mem>>)
      } else {
      }
      tpu.wait_dma2 semaphore(%arg16 : memref<!tpu.dma_semaphore, #tpu.memory_space<semaphore_mem>>) src(%arg7 : memref<4x32x128xf32, #tpu.memory_space<hbm>>) dst(%arg11 : memref<4x32x128xf32, #tpu.memory_space<vmem>>)
      tpu.wait_dma2 semaphore(%arg16 : memref<!tpu.dma_semaphore, #tpu.memory_space<semaphore_mem>>) src(%arg7 : memref<4x32x128xf32, #tpu.memory_space<hbm>>) dst(%arg13 : memref<4x32x128xf32, #tpu.memory_space<vmem>>)
      %get3A_1232 = arith.index_cast %mul3A_175 : i32 to index
      %get3A_1233 = tpu.vector_load %arg8[%get3A_1232] {strides = array<i32>} : memref<512xi32, #tpu.memory_space<vmem>>, vector<16xi32>,
      %get3A_1234 = arith.index_cast %mul3A_175 : i32 to index
      %get3A_1235 = tpu.vector_load %arg9[%get3A_1234] {strides = array<i32>} : memref<512xi32, #tpu.memory_space<vmem>>, vector<16xi32>,
      %slice3A_1236 = vector.extract_strided_slice %get3A_1233 {offsets = [12], sizes = [1], strides = [1]} : vector<16xi32> to vector<1xi32>
      %squeeze3A_1237 = vector.extract %slice3A_1236[0] : i32 from vector<1xi32>
      %and3A_1238 = arith.constant 127 : i32
      %and3A_1239 = arith.andi %squeeze3A_1237, %and3A_1238 : i32
      %broadcast_in_dim3A_1240 = vector.broadcast %and3A_1239 : i32 to vector<16xi32>
      %slice3A_1241 = vector.extract_strided_slice %get3A_1235 {offsets = [12], sizes = [1], strides = [1]} : vector<16xi32> to vector<1xi32>
      %squeeze3A_1242 = vector.extract %slice3A_1241[0] : i32 from vector<1xi32>
      %and3A_1243 = arith.constant 127 : i32
      %and3A_1244 = arith.andi %squeeze3A_1242, %and3A_1243 : i32
      %broadcast_in_dim3A_1245 = vector.broadcast %and3A_1244 : i32 to vector<16xi32>
      %gather3A_1246 = arith.constant 0 : i32
      %gather3A_1247 = arith.constant 0 : i32
      %gather3A_1248 = arith.constant 0 : i32
      %gather3A_1249 = tpu.memref_slice %arg11[%gather3A_1246, %gather3A_1247, %gather3A_1248] : memref<4x32x128xf32, #tpu.memory_space<vmem>> -> memref<1x32x128xf32, #tpu.memory_space<vmem>>
      %gather3A_1250 = tpu.memref_squeeze %gather3A_1249 : memref<1x32x128xf32, #tpu.memory_space<vmem>> -> memref<32x128xf32, #tpu.memory_space<vmem>>
      %gather3A_1251 = tpu.vector_load_idx %gather3A_1250[%iota3A, %broadcast_in_dim3A_1240] : memref<32x128xf32, #tpu.memory_space<vmem>>[vector<16xi32>, vector<16xi32>], vector<16xf32>,
      %gather3A_1252 = arith.constant 0 : i32
      %gather3A_1253 = arith.constant 0 : i32
      %gather3A_1254 = arith.constant 0 : i32
      %gather3A_1255 = tpu.memref_slice %arg11[%gather3A_1252, %gather3A_1253, %gather3A_1254] : memref<4x32x128xf32, #tpu.memory_space<vmem>> -> memref<1x32x128xf32, #tpu.memory_space<vmem>>
      %gather3A_1256 = tpu.memref_squeeze %gather3A_1255 : memref<1x32x128xf32, #tpu.memory_space<vmem>> -> memref<32x128xf32, #tpu.memory_space<vmem>>
      %gather3A_1257 = tpu.vector_load_idx %gather3A_1256[%add3A_5, %broadcast_in_dim3A_1240] : memref<32x128xf32, #tpu.memory_space<vmem>>[vector<16xi32>, vector<16xi32>], vector<16xf32>,
      %gather3A_1258 = arith.constant 0 : i32
      %gather3A_1259 = arith.constant 0 : i32
      %gather3A_1260 = arith.constant 0 : i32
      %gather3A_1261 = tpu.memref_slice %arg13[%gather3A_1258, %gather3A_1259, %gather3A_1260] : memref<4x32x128xf32, #tpu.memory_space<vmem>> -> memref<1x32x128xf32, #tpu.memory_space<vmem>>
      %gather3A_1262 = tpu.memref_squeeze %gather3A_1261 : memref<1x32x128xf32, #tpu.memory_space<vmem>> -> memref<32x128xf32, #tpu.memory_space<vmem>>
      %gather3A_1263 = tpu.vector_load_idx %gather3A_1262[%iota3A, %broadcast_in_dim3A_1245] : memref<32x128xf32, #tpu.memory_space<vmem>>[vector<16xi32>, vector<16xi32>], vector<16xf32>,
      %gather3A_1264 = arith.constant 0 : i32
      %gather3A_1265 = arith.constant 0 : i32
      %gather3A_1266 = arith.constant 0 : i32
      %gather3A_1267 = tpu.memref_slice %arg13[%gather3A_1264, %gather3A_1265, %gather3A_1266] : memref<4x32x128xf32, #tpu.memory_space<vmem>> -> memref<1x32x128xf32, #tpu.memory_space<vmem>>
      %gather3A_1268 = tpu.memref_squeeze %gather3A_1267 : memref<1x32x128xf32, #tpu.memory_space<vmem>> -> memref<32x128xf32, #tpu.memory_space<vmem>>
      %gather3A_1269 = tpu.vector_load_idx %gather3A_1268[%add3A_5, %broadcast_in_dim3A_1245] : memref<32x128xf32, #tpu.memory_space<vmem>>[vector<16xi32>, vector<16xi32>], vector<16xf32>,
      %mul3A_1270 = arith.mulf %gather3A_1251, %gather3A_1263 : vector<16xf32>
      %mul3A_1271 = arith.mulf %gather3A_1257, %gather3A_1269 : vector<16xf32>
      %add3A_1272 = arith.addf %mul3A_1270, %mul3A_1271 : vector<16xf32>
      %reduce_sum3A_1273 = arith.constant true
      %reduce_sum3A_1274 = vector.broadcast %reduce_sum3A_1273 : i1 to vector<16xi1>
      %reduce_sum3A_1275 = tpu.scan <sum>, %add3A_1272 masked %reduce_sum3A_1274 : vector<16xf32>, vector<16xi1> -> vector<16xf32>
      %reduce_sum3A_1276 = vector.extract %reduce_sum3A_1275[15] : f32 from vector<16xf32>
      %eq3A_1277 = arith.constant 12 : i32
      %eq3A_1278 = vector.broadcast %eq3A_1277 : i32 to vector<16xi32>
      %eq3A_1279 = arith.cmpi eq, %iota3A_164, %eq3A_1278 : vector<16xi32>
      %broadcast_in_dim3A_1280 = vector.broadcast %reduce_sum3A_1276 : f32 to vector<16xf32>
      %select_n3A_1281 = arith.select %eq3A_1279, %broadcast_in_dim3A_1280, %select_n3A_1227 : vector<16xi1>, vector<16xf32>
      %slice3A_1282 = vector.extract_strided_slice %get3A_1233 {offsets = [13], sizes = [1], strides = [1]} : vector<16xi32> to vector<1xi32>
      %squeeze3A_1283 = vector.extract %slice3A_1282[0] : i32 from vector<1xi32>
      %and3A_1284 = arith.constant 127 : i32
      %and3A_1285 = arith.andi %squeeze3A_1283, %and3A_1284 : i32
      %broadcast_in_dim3A_1286 = vector.broadcast %and3A_1285 : i32 to vector<16xi32>
      %slice3A_1287 = vector.extract_strided_slice %get3A_1235 {offsets = [13], sizes = [1], strides = [1]} : vector<16xi32> to vector<1xi32>
      %squeeze3A_1288 = vector.extract %slice3A_1287[0] : i32 from vector<1xi32>
      %and3A_1289 = arith.constant 127 : i32
      %and3A_1290 = arith.andi %squeeze3A_1288, %and3A_1289 : i32
      %broadcast_in_dim3A_1291 = vector.broadcast %and3A_1290 : i32 to vector<16xi32>
      %gather3A_1292 = arith.constant 1 : i32
      %gather3A_1293 = arith.constant 0 : i32
      %gather3A_1294 = arith.constant 0 : i32
      %gather3A_1295 = tpu.memref_slice %arg11[%gather3A_1292, %gather3A_1293, %gather3A_1294] : memref<4x32x128xf32, #tpu.memory_space<vmem>> -> memref<1x32x128xf32, #tpu.memory_space<vmem>>
      %gather3A_1296 = tpu.memref_squeeze %gather3A_1295 : memref<1x32x128xf32, #tpu.memory_space<vmem>> -> memref<32x128xf32, #tpu.memory_space<vmem>>
      %gather3A_1297 = tpu.vector_load_idx %gather3A_1296[%iota3A, %broadcast_in_dim3A_1286] : memref<32x128xf32, #tpu.memory_space<vmem>>[vector<16xi32>, vector<16xi32>], vector<16xf32>,
      %gather3A_1298 = arith.constant 1 : i32
      %gather3A_1299 = arith.constant 0 : i32
      %gather3A_1300 = arith.constant 0 : i32
      %gather3A_1301 = tpu.memref_slice %arg11[%gather3A_1298, %gather3A_1299, %gather3A_1300] : memref<4x32x128xf32, #tpu.memory_space<vmem>> -> memref<1x32x128xf32, #tpu.memory_space<vmem>>
      %gather3A_1302 = tpu.memref_squeeze %gather3A_1301 : memref<1x32x128xf32, #tpu.memory_space<vmem>> -> memref<32x128xf32, #tpu.memory_space<vmem>>
      %gather3A_1303 = tpu.vector_load_idx %gather3A_1302[%add3A_5, %broadcast_in_dim3A_1286] : memref<32x128xf32, #tpu.memory_space<vmem>>[vector<16xi32>, vector<16xi32>], vector<16xf32>,
      %gather3A_1304 = arith.constant 1 : i32
      %gather3A_1305 = arith.constant 0 : i32
      %gather3A_1306 = arith.constant 0 : i32
      %gather3A_1307 = tpu.memref_slice %arg13[%gather3A_1304, %gather3A_1305, %gather3A_1306] : memref<4x32x128xf32, #tpu.memory_space<vmem>> -> memref<1x32x128xf32, #tpu.memory_space<vmem>>
      %gather3A_1308 = tpu.memref_squeeze %gather3A_1307 : memref<1x32x128xf32, #tpu.memory_space<vmem>> -> memref<32x128xf32, #tpu.memory_space<vmem>>
      %gather3A_1309 = tpu.vector_load_idx %gather3A_1308[%iota3A, %broadcast_in_dim3A_1291] : memref<32x128xf32, #tpu.memory_space<vmem>>[vector<16xi32>, vector<16xi32>], vector<16xf32>,
      %gather3A_1310 = arith.constant 1 : i32
      %gather3A_1311 = arith.constant 0 : i32
      %gather3A_1312 = arith.constant 0 : i32
      %gather3A_1313 = tpu.memref_slice %arg13[%gather3A_1310, %gather3A_1311, %gather3A_1312] : memref<4x32x128xf32, #tpu.memory_space<vmem>> -> memref<1x32x128xf32, #tpu.memory_space<vmem>>
      %gather3A_1314 = tpu.memref_squeeze %gather3A_1313 : memref<1x32x128xf32, #tpu.memory_space<vmem>> -> memref<32x128xf32, #tpu.memory_space<vmem>>
      %gather3A_1315 = tpu.vector_load_idx %gather3A_1314[%add3A_5, %broadcast_in_dim3A_1291] : memref<32x128xf32, #tpu.memory_space<vmem>>[vector<16xi32>, vector<16xi32>], vector<16xf32>,
      %mul3A_1316 = arith.mulf %gather3A_1297, %gather3A_1309 : vector<16xf32>
      %mul3A_1317 = arith.mulf %gather3A_1303, %gather3A_1315 : vector<16xf32>
      %add3A_1318 = arith.addf %mul3A_1316, %mul3A_1317 : vector<16xf32>
      %reduce_sum3A_1319 = arith.constant true
      %reduce_sum3A_1320 = vector.broadcast %reduce_sum3A_1319 : i1 to vector<16xi1>
      %reduce_sum3A_1321 = tpu.scan <sum>, %add3A_1318 masked %reduce_sum3A_1320 : vector<16xf32>, vector<16xi1> -> vector<16xf32>
      %reduce_sum3A_1322 = vector.extract %reduce_sum3A_1321[15] : f32 from vector<16xf32>
      %eq3A_1323 = arith.constant 13 : i32
      %eq3A_1324 = vector.broadcast %eq3A_1323 : i32 to vector<16xi32>
      %eq3A_1325 = arith.cmpi eq, %iota3A_164, %eq3A_1324 : vector<16xi32>
      %broadcast_in_dim3A_1326 = vector.broadcast %reduce_sum3A_1322 : f32 to vector<16xf32>
      %select_n3A_1327 = arith.select %eq3A_1325, %broadcast_in_dim3A_1326, %select_n3A_1281 : vector<16xi1>, vector<16xf32>
      %slice3A_1328 = vector.extract_strided_slice %get3A_1233 {offsets = [14], sizes = [1], strides = [1]} : vector<16xi32> to vector<1xi32>
      %squeeze3A_1329 = vector.extract %slice3A_1328[0] : i32 from vector<1xi32>
      %and3A_1330 = arith.constant 127 : i32
      %and3A_1331 = arith.andi %squeeze3A_1329, %and3A_1330 : i32
      %broadcast_in_dim3A_1332 = vector.broadcast %and3A_1331 : i32 to vector<16xi32>
      %slice3A_1333 = vector.extract_strided_slice %get3A_1235 {offsets = [14], sizes = [1], strides = [1]} : vector<16xi32> to vector<1xi32>
      %squeeze3A_1334 = vector.extract %slice3A_1333[0] : i32 from vector<1xi32>
      %and3A_1335 = arith.constant 127 : i32
      %and3A_1336 = arith.andi %squeeze3A_1334, %and3A_1335 : i32
      %broadcast_in_dim3A_1337 = vector.broadcast %and3A_1336 : i32 to vector<16xi32>
      %gather3A_1338 = arith.constant 2 : i32
      %gather3A_1339 = arith.constant 0 : i32
      %gather3A_1340 = arith.constant 0 : i32
      %gather3A_1341 = tpu.memref_slice %arg11[%gather3A_1338, %gather3A_1339, %gather3A_1340] : memref<4x32x128xf32, #tpu.memory_space<vmem>> -> memref<1x32x128xf32, #tpu.memory_space<vmem>>
      %gather3A_1342 = tpu.memref_squeeze %gather3A_1341 : memref<1x32x128xf32, #tpu.memory_space<vmem>> -> memref<32x128xf32, #tpu.memory_space<vmem>>
      %gather3A_1343 = tpu.vector_load_idx %gather3A_1342[%iota3A, %broadcast_in_dim3A_1332] : memref<32x128xf32, #tpu.memory_space<vmem>>[vector<16xi32>, vector<16xi32>], vector<16xf32>,
      %gather3A_1344 = arith.constant 2 : i32
      %gather3A_1345 = arith.constant 0 : i32
      %gather3A_1346 = arith.constant 0 : i32
      %gather3A_1347 = tpu.memref_slice %arg11[%gather3A_1344, %gather3A_1345, %gather3A_1346] : memref<4x32x128xf32, #tpu.memory_space<vmem>> -> memref<1x32x128xf32, #tpu.memory_space<vmem>>
      %gather3A_1348 = tpu.memref_squeeze %gather3A_1347 : memref<1x32x128xf32, #tpu.memory_space<vmem>> -> memref<32x128xf32, #tpu.memory_space<vmem>>
      %gather3A_1349 = tpu.vector_load_idx %gather3A_1348[%add3A_5, %broadcast_in_dim3A_1332] : memref<32x128xf32, #tpu.memory_space<vmem>>[vector<16xi32>, vector<16xi32>], vector<16xf32>,
      %gather3A_1350 = arith.constant 2 : i32
      %gather3A_1351 = arith.constant 0 : i32
      %gather3A_1352 = arith.constant 0 : i32
      %gather3A_1353 = tpu.memref_slice %arg13[%gather3A_1350, %gather3A_1351, %gather3A_1352] : memref<4x32x128xf32, #tpu.memory_space<vmem>> -> memref<1x32x128xf32, #tpu.memory_space<vmem>>
      %gather3A_1354 = tpu.memref_squeeze %gather3A_1353 : memref<1x32x128xf32, #tpu.memory_space<vmem>> -> memref<32x128xf32, #tpu.memory_space<vmem>>
      %gather3A_1355 = tpu.vector_load_idx %gather3A_1354[%iota3A, %broadcast_in_dim3A_1337] : memref<32x128xf32, #tpu.memory_space<vmem>>[vector<16xi32>, vector<16xi32>], vector<16xf32>,
      %gather3A_1356 = arith.constant 2 : i32
      %gather3A_1357 = arith.constant 0 : i32
      %gather3A_1358 = arith.constant 0 : i32
      %gather3A_1359 = tpu.memref_slice %arg13[%gather3A_1356, %gather3A_1357, %gather3A_1358] : memref<4x32x128xf32, #tpu.memory_space<vmem>> -> memref<1x32x128xf32, #tpu.memory_space<vmem>>
      %gather3A_1360 = tpu.memref_squeeze %gather3A_1359 : memref<1x32x128xf32, #tpu.memory_space<vmem>> -> memref<32x128xf32, #tpu.memory_space<vmem>>
      %gather3A_1361 = tpu.vector_load_idx %gather3A_1360[%add3A_5, %broadcast_in_dim3A_1337] : memref<32x128xf32, #tpu.memory_space<vmem>>[vector<16xi32>, vector<16xi32>], vector<16xf32>,
      %mul3A_1362 = arith.mulf %gather3A_1343, %gather3A_1355 : vector<16xf32>
      %mul3A_1363 = arith.mulf %gather3A_1349, %gather3A_1361 : vector<16xf32>
      %add3A_1364 = arith.addf %mul3A_1362, %mul3A_1363 : vector<16xf32>
      %reduce_sum3A_1365 = arith.constant true
      %reduce_sum3A_1366 = vector.broadcast %reduce_sum3A_1365 : i1 to vector<16xi1>
      %reduce_sum3A_1367 = tpu.scan <sum>, %add3A_1364 masked %reduce_sum3A_1366 : vector<16xf32>, vector<16xi1> -> vector<16xf32>
      %reduce_sum3A_1368 = vector.extract %reduce_sum3A_1367[15] : f32 from vector<16xf32>
      %eq3A_1369 = arith.constant 14 : i32
      %eq3A_1370 = vector.broadcast %eq3A_1369 : i32 to vector<16xi32>
      %eq3A_1371 = arith.cmpi eq, %iota3A_164, %eq3A_1370 : vector<16xi32>
      %broadcast_in_dim3A_1372 = vector.broadcast %reduce_sum3A_1368 : f32 to vector<16xf32>
      %select_n3A_1373 = arith.select %eq3A_1371, %broadcast_in_dim3A_1372, %select_n3A_1327 : vector<16xi1>, vector<16xf32>
      %slice3A_1374 = vector.extract_strided_slice %get3A_1233 {offsets = [15], sizes = [1], strides = [1]} : vector<16xi32> to vector<1xi32>
      %squeeze3A_1375 = vector.extract %slice3A_1374[0] : i32 from vector<1xi32>
      %and3A_1376 = arith.constant 127 : i32
      %and3A_1377 = arith.andi %squeeze3A_1375, %and3A_1376 : i32
      %broadcast_in_dim3A_1378 = vector.broadcast %and3A_1377 : i32 to vector<16xi32>
      %slice3A_1379 = vector.extract_strided_slice %get3A_1235 {offsets = [15], sizes = [1], strides = [1]} : vector<16xi32> to vector<1xi32>
      %squeeze3A_1380 = vector.extract %slice3A_1379[0] : i32 from vector<1xi32>
      %and3A_1381 = arith.constant 127 : i32
      %and3A_1382 = arith.andi %squeeze3A_1380, %and3A_1381 : i32
      %broadcast_in_dim3A_1383 = vector.broadcast %and3A_1382 : i32 to vector<16xi32>
      %gather3A_1384 = arith.constant 3 : i32
      %gather3A_1385 = arith.constant 0 : i32
      %gather3A_1386 = arith.constant 0 : i32
      %gather3A_1387 = tpu.memref_slice %arg11[%gather3A_1384, %gather3A_1385, %gather3A_1386] : memref<4x32x128xf32, #tpu.memory_space<vmem>> -> memref<1x32x128xf32, #tpu.memory_space<vmem>>
      %gather3A_1388 = tpu.memref_squeeze %gather3A_1387 : memref<1x32x128xf32, #tpu.memory_space<vmem>> -> memref<32x128xf32, #tpu.memory_space<vmem>>
      %gather3A_1389 = tpu.vector_load_idx %gather3A_1388[%iota3A, %broadcast_in_dim3A_1378] : memref<32x128xf32, #tpu.memory_space<vmem>>[vector<16xi32>, vector<16xi32>], vector<16xf32>,
      %gather3A_1390 = arith.constant 3 : i32
      %gather3A_1391 = arith.constant 0 : i32
      %gather3A_1392 = arith.constant 0 : i32
      %gather3A_1393 = tpu.memref_slice %arg11[%gather3A_1390, %gather3A_1391, %gather3A_1392] : memref<4x32x128xf32, #tpu.memory_space<vmem>> -> memref<1x32x128xf32, #tpu.memory_space<vmem>>
      %gather3A_1394 = tpu.memref_squeeze %gather3A_1393 : memref<1x32x128xf32, #tpu.memory_space<vmem>> -> memref<32x128xf32, #tpu.memory_space<vmem>>
      %gather3A_1395 = tpu.vector_load_idx %gather3A_1394[%add3A_5, %broadcast_in_dim3A_1378] : memref<32x128xf32, #tpu.memory_space<vmem>>[vector<16xi32>, vector<16xi32>], vector<16xf32>,
      %gather3A_1396 = arith.constant 3 : i32
      %gather3A_1397 = arith.constant 0 : i32
      %gather3A_1398 = arith.constant 0 : i32
      %gather3A_1399 = tpu.memref_slice %arg13[%gather3A_1396, %gather3A_1397, %gather3A_1398] : memref<4x32x128xf32, #tpu.memory_space<vmem>> -> memref<1x32x128xf32, #tpu.memory_space<vmem>>
      %gather3A_1400 = tpu.memref_squeeze %gather3A_1399 : memref<1x32x128xf32, #tpu.memory_space<vmem>> -> memref<32x128xf32, #tpu.memory_space<vmem>>
      %gather3A_1401 = tpu.vector_load_idx %gather3A_1400[%iota3A, %broadcast_in_dim3A_1383] : memref<32x128xf32, #tpu.memory_space<vmem>>[vector<16xi32>, vector<16xi32>], vector<16xf32>,
      %gather3A_1402 = arith.constant 3 : i32
      %gather3A_1403 = arith.constant 0 : i32
      %gather3A_1404 = arith.constant 0 : i32
      %gather3A_1405 = tpu.memref_slice %arg13[%gather3A_1402, %gather3A_1403, %gather3A_1404] : memref<4x32x128xf32, #tpu.memory_space<vmem>> -> memref<1x32x128xf32, #tpu.memory_space<vmem>>
      %gather3A_1406 = tpu.memref_squeeze %gather3A_1405 : memref<1x32x128xf32, #tpu.memory_space<vmem>> -> memref<32x128xf32, #tpu.memory_space<vmem>>
      %gather3A_1407 = tpu.vector_load_idx %gather3A_1406[%add3A_5, %broadcast_in_dim3A_1383] : memref<32x128xf32, #tpu.memory_space<vmem>>[vector<16xi32>, vector<16xi32>], vector<16xf32>,
      %mul3A_1408 = arith.mulf %gather3A_1389, %gather3A_1401 : vector<16xf32>
      %mul3A_1409 = arith.mulf %gather3A_1395, %gather3A_1407 : vector<16xf32>
      %add3A_1410 = arith.addf %mul3A_1408, %mul3A_1409 : vector<16xf32>
      %reduce_sum3A_1411 = arith.constant true
      %reduce_sum3A_1412 = vector.broadcast %reduce_sum3A_1411 : i1 to vector<16xi1>
      %reduce_sum3A_1413 = tpu.scan <sum>, %add3A_1410 masked %reduce_sum3A_1412 : vector<16xf32>, vector<16xi1> -> vector<16xf32>
      %reduce_sum3A_1414 = vector.extract %reduce_sum3A_1413[15] : f32 from vector<16xf32>
      %eq3A_1415 = arith.constant 15 : i32
      %eq3A_1416 = vector.broadcast %eq3A_1415 : i32 to vector<16xi32>
      %eq3A_1417 = arith.cmpi eq, %iota3A_164, %eq3A_1416 : vector<16xi32>
      %broadcast_in_dim3A_1418 = vector.broadcast %reduce_sum3A_1414 : f32 to vector<16xf32>
      %select_n3A_1419 = arith.select %eq3A_1417, %broadcast_in_dim3A_1418, %select_n3A_1373 : vector<16xi1>, vector<16xf32>
      %swap3A = arith.index_cast %mul3A_175 : i32 to index
      %swap3A_1420 = tpu.vector_load %arg14[%swap3A] {strides = array<i32>} : memref<512xf32, #tpu.memory_space<vmem>>, vector<16xf32>,
      tpu.vector_store %arg14[%swap3A], %select_n3A_1419 {strides = array<i32>} : memref<512xf32, #tpu.memory_space<vmem>>, vector<16xf32>,
    }
    %scan3A_168 = arith.constant 32 : i32
    "tpu.region"() ({
      %run_scoped3A = tpu.sem_alloc : memref<!tpu.dma_semaphore, #tpu.memory_space<semaphore_mem>>
      %dma_start3A_169 = tpu.memref_slice %arg6[%mul3A_2] : memref<16384xf32, #tpu.memory_space<hbm>> -> memref<512xf32, #tpu.memory_space<hbm>>
      %dma_start3A_170 = tpu.memref_slice %arg6[%mul3A_2] : memref<16384xf32, #tpu.memory_space<hbm>> -> memref<512xf32, #tpu.memory_space<hbm>>
      tpu.enqueue_dma source(%arg14 : memref<512xf32, #tpu.memory_space<vmem>>) target(%dma_start3A_170 : memref<512xf32, #tpu.memory_space<hbm>>) target_semaphore(%run_scoped3A : memref<!tpu.dma_semaphore, #tpu.memory_space<semaphore_mem>>)
      %dma_wait3A = tpu.memref_slice %arg6[%mul3A_2] : memref<16384xf32, #tpu.memory_space<hbm>> -> memref<512xf32, #tpu.memory_space<hbm>>
      %dma_wait3A_171 = tpu.memref_slice %arg6[%mul3A_2] : memref<16384xf32, #tpu.memory_space<hbm>> -> memref<512xf32, #tpu.memory_space<hbm>>
      tpu.wait_dma2 semaphore(%run_scoped3A : memref<!tpu.dma_semaphore, #tpu.memory_space<semaphore_mem>>) src(%arg14 : memref<512xf32, #tpu.memory_space<vmem>>) dst(%dma_wait3A_171 : memref<512xf32, #tpu.memory_space<hbm>>)
      tpu.yield
    }) : () -> ()
    return
  }
}

#map = affine_map<(d0, d1) -> (0, 0)>
#map1 = affine_map<(d0, d1) -> (0)>
module attributes {stable_mosaic.version = 14 : i64} {
  func.func @k(%arg0: i32, %arg1: i32, %arg2: memref<128x128xi32, #tpu.memory_space<hbm>>, %arg3: memref<128x128xi32, #tpu.memory_space<hbm>>, %arg4: memref<16384xf32, #tpu.memory_space<hbm>>, %arg5: memref<1000000xf32, #tpu.memory_space<hbm>>, %arg6: memref<1000000xf32, #tpu.memory_space<hbm>>, %arg7: memref<16xf32, #tpu.memory_space<hbm>>, %arg8: memref<16384xf32, #tpu.memory_space<hbm>>, %arg9: memref<4x128xi32, #tpu.memory_space<vmem>>, %arg10: memref<4x128xi32, #tpu.memory_space<vmem>>, %arg11: memref<512xf32, #tpu.memory_space<vmem>>, %arg12: memref<512xf32, #tpu.memory_space<vmem>>, %arg13: memref<512xf32, #tpu.memory_space<vmem>>, %arg14: memref<512xf32, #tpu.memory_space<vmem>>, %arg15: memref<16xf32, #tpu.memory_space<vmem>>, %arg16: memref<!tpu.dma_semaphore, #tpu.memory_space<semaphore_mem>>) attributes {dimension_semantics = [#tpu.dimension_semantics<core_parallel>, #tpu.dimension_semantics<subcore_parallel>], iteration_bounds = array<i64: 2, 16>, scalar_prefetch = 0 : i64, scratch_operands = 8 : i64, tpu.core_type = #tpu.core_type<sc_vector_subcore>, window_params = [{transform_indices = #map}, {transform_indices = #map}, {transform_indices = #map1}, {transform_indices = #map1}, {transform_indices = #map1}, {transform_indices = #map1}, {transform_indices = #map1}]} {
    %mul3A = arith.constant 2 : i32
    %mul3A_0 = arith.muli %arg1, %mul3A : i32
    %add3A = arith.addi %mul3A_0, %arg0 : i32
    %mul3A_1 = arith.constant 512 : i32
    %mul3A_2 = arith.muli %add3A, %mul3A_1 : i32
    %mul3A_3 = arith.constant 4 : i32
    %mul3A_4 = arith.muli %add3A, %mul3A_3 : i32
    "tpu.region"() ({
      %run_scoped3A = tpu.sem_alloc : memref<!tpu.dma_semaphore, #tpu.memory_space<semaphore_mem>>
      %dma_start3A_139 = arith.constant 0 : i32
      %dma_start3A_140 = tpu.memref_slice %arg2[%mul3A_4, %dma_start3A_139] : memref<128x128xi32, #tpu.memory_space<hbm>> -> memref<4x128xi32, #tpu.memory_space<hbm>>
      %dma_start3A_141 = arith.constant 0 : i32
      %dma_start3A_142 = tpu.memref_slice %arg2[%mul3A_4, %dma_start3A_141] : memref<128x128xi32, #tpu.memory_space<hbm>> -> memref<4x128xi32, #tpu.memory_space<hbm>>
      tpu.enqueue_dma source(%dma_start3A_142 : memref<4x128xi32, #tpu.memory_space<hbm>>) target(%arg9 : memref<4x128xi32, #tpu.memory_space<vmem>>) target_semaphore(%run_scoped3A : memref<!tpu.dma_semaphore, #tpu.memory_space<semaphore_mem>>)
      %dma_wait3A_143 = arith.constant 0 : i32
      %dma_wait3A_144 = tpu.memref_slice %arg2[%mul3A_4, %dma_wait3A_143] : memref<128x128xi32, #tpu.memory_space<hbm>> -> memref<4x128xi32, #tpu.memory_space<hbm>>
      %dma_wait3A_145 = arith.constant 0 : i32
      %dma_wait3A_146 = tpu.memref_slice %arg2[%mul3A_4, %dma_wait3A_145] : memref<128x128xi32, #tpu.memory_space<hbm>> -> memref<4x128xi32, #tpu.memory_space<hbm>>
      tpu.wait_dma2 semaphore(%run_scoped3A : memref<!tpu.dma_semaphore, #tpu.memory_space<semaphore_mem>>) src(%dma_wait3A_146 : memref<4x128xi32, #tpu.memory_space<hbm>>) dst(%arg9 : memref<4x128xi32, #tpu.memory_space<vmem>>)
      tpu.yield
    }) : () -> ()
    "tpu.region"() ({
      %run_scoped3A = tpu.sem_alloc : memref<!tpu.dma_semaphore, #tpu.memory_space<semaphore_mem>>
      %dma_start3A_139 = arith.constant 0 : i32
      %dma_start3A_140 = tpu.memref_slice %arg3[%mul3A_4, %dma_start3A_139] : memref<128x128xi32, #tpu.memory_space<hbm>> -> memref<4x128xi32, #tpu.memory_space<hbm>>
      %dma_start3A_141 = arith.constant 0 : i32
      %dma_start3A_142 = tpu.memref_slice %arg3[%mul3A_4, %dma_start3A_141] : memref<128x128xi32, #tpu.memory_space<hbm>> -> memref<4x128xi32, #tpu.memory_space<hbm>>
      tpu.enqueue_dma source(%dma_start3A_142 : memref<4x128xi32, #tpu.memory_space<hbm>>) target(%arg10 : memref<4x128xi32, #tpu.memory_space<vmem>>) target_semaphore(%run_scoped3A : memref<!tpu.dma_semaphore, #tpu.memory_space<semaphore_mem>>)
      %dma_wait3A_143 = arith.constant 0 : i32
      %dma_wait3A_144 = tpu.memref_slice %arg3[%mul3A_4, %dma_wait3A_143] : memref<128x128xi32, #tpu.memory_space<hbm>> -> memref<4x128xi32, #tpu.memory_space<hbm>>
      %dma_wait3A_145 = arith.constant 0 : i32
      %dma_wait3A_146 = tpu.memref_slice %arg3[%mul3A_4, %dma_wait3A_145] : memref<128x128xi32, #tpu.memory_space<hbm>> -> memref<4x128xi32, #tpu.memory_space<hbm>>
      tpu.wait_dma2 semaphore(%run_scoped3A : memref<!tpu.dma_semaphore, #tpu.memory_space<semaphore_mem>>) src(%dma_wait3A_146 : memref<4x128xi32, #tpu.memory_space<hbm>>) dst(%arg10 : memref<4x128xi32, #tpu.memory_space<vmem>>)
      tpu.yield
    }) : () -> ()
    %dma_start3A = tpu.memref_slice %arg4[%mul3A_2] : memref<16384xf32, #tpu.memory_space<hbm>> -> memref<512xf32, #tpu.memory_space<hbm>>
    %dma_start3A_5 = tpu.memref_slice %arg4[%mul3A_2] : memref<16384xf32, #tpu.memory_space<hbm>> -> memref<512xf32, #tpu.memory_space<hbm>>
    tpu.enqueue_dma source(%dma_start3A_5 : memref<512xf32, #tpu.memory_space<hbm>>) target(%arg13 : memref<512xf32, #tpu.memory_space<vmem>>) target_semaphore(%arg16 : memref<!tpu.dma_semaphore, #tpu.memory_space<semaphore_mem>>)
    %dma_start3A_6 = arith.constant 0 : i32
    %dma_start3A_7 = arith.constant 0 : i32
    %dma_start3A_8 = tpu.memref_slice %arg11[%dma_start3A_7] : memref<512xf32, #tpu.memory_space<vmem>> -> memref<128xf32, #tpu.memory_space<vmem>>
    %dma_start3A_9 = arith.constant 0 : i32
    %dma_start3A_10 = tpu.memref_slice %arg9[%dma_start3A_6, %dma_start3A_9] : memref<4x128xi32, #tpu.memory_space<vmem>> -> memref<1x128xi32, #tpu.memory_space<vmem>>
    %dma_start3A_11 = tpu.memref_squeeze %dma_start3A_10 : memref<1x128xi32, #tpu.memory_space<vmem>> -> memref<128xi32, #tpu.memory_space<vmem>>
    %dma_start3A_12 = arith.constant 0 : i32
    %dma_start3A_13 = tpu.memref_slice %arg5[%dma_start3A_12] : memref<1000000xf32, #tpu.memory_space<hbm>> -> memref<1000000xf32, #tpu.memory_space<hbm>>
    tpu.enqueue_indirect_dma source(%dma_start3A_13 : memref<1000000xf32, #tpu.memory_space<hbm>>) target(%dma_start3A_8 : memref<128xf32, #tpu.memory_space<vmem>>) offsets(%dma_start3A_11 : memref<128xi32, #tpu.memory_space<vmem>>) semaphore(%arg16 : memref<!tpu.dma_semaphore, #tpu.memory_space<semaphore_mem>>)
    %dma_start3A_14 = arith.constant 0 : i32
    %dma_start3A_15 = arith.constant 0 : i32
    %dma_start3A_16 = tpu.memref_slice %arg12[%dma_start3A_15] : memref<512xf32, #tpu.memory_space<vmem>> -> memref<128xf32, #tpu.memory_space<vmem>>
    %dma_start3A_17 = arith.constant 0 : i32
    %dma_start3A_18 = tpu.memref_slice %arg10[%dma_start3A_14, %dma_start3A_17] : memref<4x128xi32, #tpu.memory_space<vmem>> -> memref<1x128xi32, #tpu.memory_space<vmem>>
    %dma_start3A_19 = tpu.memref_squeeze %dma_start3A_18 : memref<1x128xi32, #tpu.memory_space<vmem>> -> memref<128xi32, #tpu.memory_space<vmem>>
    %dma_start3A_20 = arith.constant 0 : i32
    %dma_start3A_21 = tpu.memref_slice %arg6[%dma_start3A_20] : memref<1000000xf32, #tpu.memory_space<hbm>> -> memref<1000000xf32, #tpu.memory_space<hbm>>
    tpu.enqueue_indirect_dma source(%dma_start3A_21 : memref<1000000xf32, #tpu.memory_space<hbm>>) target(%dma_start3A_16 : memref<128xf32, #tpu.memory_space<vmem>>) offsets(%dma_start3A_19 : memref<128xi32, #tpu.memory_space<vmem>>) semaphore(%arg16 : memref<!tpu.dma_semaphore, #tpu.memory_space<semaphore_mem>>)
    %dma_start3A_22 = arith.constant 1 : i32
    %dma_start3A_23 = arith.constant 128 : i32
    %dma_start3A_24 = tpu.memref_slice %arg11[%dma_start3A_23] : memref<512xf32, #tpu.memory_space<vmem>> -> memref<128xf32, #tpu.memory_space<vmem>>
    %dma_start3A_25 = arith.constant 0 : i32
    %dma_start3A_26 = tpu.memref_slice %arg9[%dma_start3A_22, %dma_start3A_25] : memref<4x128xi32, #tpu.memory_space<vmem>> -> memref<1x128xi32, #tpu.memory_space<vmem>>
    %dma_start3A_27 = tpu.memref_squeeze %dma_start3A_26 : memref<1x128xi32, #tpu.memory_space<vmem>> -> memref<128xi32, #tpu.memory_space<vmem>>
    %dma_start3A_28 = arith.constant 0 : i32
    %dma_start3A_29 = tpu.memref_slice %arg5[%dma_start3A_28] : memref<1000000xf32, #tpu.memory_space<hbm>> -> memref<1000000xf32, #tpu.memory_space<hbm>>
    tpu.enqueue_indirect_dma source(%dma_start3A_29 : memref<1000000xf32, #tpu.memory_space<hbm>>) target(%dma_start3A_24 : memref<128xf32, #tpu.memory_space<vmem>>) offsets(%dma_start3A_27 : memref<128xi32, #tpu.memory_space<vmem>>) semaphore(%arg16 : memref<!tpu.dma_semaphore, #tpu.memory_space<semaphore_mem>>)
    %dma_start3A_30 = arith.constant 1 : i32
    %dma_start3A_31 = arith.constant 128 : i32
    %dma_start3A_32 = tpu.memref_slice %arg12[%dma_start3A_31] : memref<512xf32, #tpu.memory_space<vmem>> -> memref<128xf32, #tpu.memory_space<vmem>>
    %dma_start3A_33 = arith.constant 0 : i32
    %dma_start3A_34 = tpu.memref_slice %arg10[%dma_start3A_30, %dma_start3A_33] : memref<4x128xi32, #tpu.memory_space<vmem>> -> memref<1x128xi32, #tpu.memory_space<vmem>>
    %dma_start3A_35 = tpu.memref_squeeze %dma_start3A_34 : memref<1x128xi32, #tpu.memory_space<vmem>> -> memref<128xi32, #tpu.memory_space<vmem>>
    %dma_start3A_36 = arith.constant 0 : i32
    %dma_start3A_37 = tpu.memref_slice %arg6[%dma_start3A_36] : memref<1000000xf32, #tpu.memory_space<hbm>> -> memref<1000000xf32, #tpu.memory_space<hbm>>
    tpu.enqueue_indirect_dma source(%dma_start3A_37 : memref<1000000xf32, #tpu.memory_space<hbm>>) target(%dma_start3A_32 : memref<128xf32, #tpu.memory_space<vmem>>) offsets(%dma_start3A_35 : memref<128xi32, #tpu.memory_space<vmem>>) semaphore(%arg16 : memref<!tpu.dma_semaphore, #tpu.memory_space<semaphore_mem>>)
    %dma_start3A_38 = arith.constant 2 : i32
    %dma_start3A_39 = arith.constant 256 : i32
    %dma_start3A_40 = tpu.memref_slice %arg11[%dma_start3A_39] : memref<512xf32, #tpu.memory_space<vmem>> -> memref<128xf32, #tpu.memory_space<vmem>>
    %dma_start3A_41 = arith.constant 0 : i32
    %dma_start3A_42 = tpu.memref_slice %arg9[%dma_start3A_38, %dma_start3A_41] : memref<4x128xi32, #tpu.memory_space<vmem>> -> memref<1x128xi32, #tpu.memory_space<vmem>>
    %dma_start3A_43 = tpu.memref_squeeze %dma_start3A_42 : memref<1x128xi32, #tpu.memory_space<vmem>> -> memref<128xi32, #tpu.memory_space<vmem>>
    %dma_start3A_44 = arith.constant 0 : i32
    %dma_start3A_45 = tpu.memref_slice %arg5[%dma_start3A_44] : memref<1000000xf32, #tpu.memory_space<hbm>> -> memref<1000000xf32, #tpu.memory_space<hbm>>
    tpu.enqueue_indirect_dma source(%dma_start3A_45 : memref<1000000xf32, #tpu.memory_space<hbm>>) target(%dma_start3A_40 : memref<128xf32, #tpu.memory_space<vmem>>) offsets(%dma_start3A_43 : memref<128xi32, #tpu.memory_space<vmem>>) semaphore(%arg16 : memref<!tpu.dma_semaphore, #tpu.memory_space<semaphore_mem>>)
    %dma_start3A_46 = arith.constant 2 : i32
    %dma_start3A_47 = arith.constant 256 : i32
    %dma_start3A_48 = tpu.memref_slice %arg12[%dma_start3A_47] : memref<512xf32, #tpu.memory_space<vmem>> -> memref<128xf32, #tpu.memory_space<vmem>>
    %dma_start3A_49 = arith.constant 0 : i32
    %dma_start3A_50 = tpu.memref_slice %arg10[%dma_start3A_46, %dma_start3A_49] : memref<4x128xi32, #tpu.memory_space<vmem>> -> memref<1x128xi32, #tpu.memory_space<vmem>>
    %dma_start3A_51 = tpu.memref_squeeze %dma_start3A_50 : memref<1x128xi32, #tpu.memory_space<vmem>> -> memref<128xi32, #tpu.memory_space<vmem>>
    %dma_start3A_52 = arith.constant 0 : i32
    %dma_start3A_53 = tpu.memref_slice %arg6[%dma_start3A_52] : memref<1000000xf32, #tpu.memory_space<hbm>> -> memref<1000000xf32, #tpu.memory_space<hbm>>
    tpu.enqueue_indirect_dma source(%dma_start3A_53 : memref<1000000xf32, #tpu.memory_space<hbm>>) target(%dma_start3A_48 : memref<128xf32, #tpu.memory_space<vmem>>) offsets(%dma_start3A_51 : memref<128xi32, #tpu.memory_space<vmem>>) semaphore(%arg16 : memref<!tpu.dma_semaphore, #tpu.memory_space<semaphore_mem>>)
    %dma_start3A_54 = arith.constant 3 : i32
    %dma_start3A_55 = arith.constant 384 : i32
    %dma_start3A_56 = tpu.memref_slice %arg11[%dma_start3A_55] : memref<512xf32, #tpu.memory_space<vmem>> -> memref<128xf32, #tpu.memory_space<vmem>>
    %dma_start3A_57 = arith.constant 0 : i32
    %dma_start3A_58 = tpu.memref_slice %arg9[%dma_start3A_54, %dma_start3A_57] : memref<4x128xi32, #tpu.memory_space<vmem>> -> memref<1x128xi32, #tpu.memory_space<vmem>>
    %dma_start3A_59 = tpu.memref_squeeze %dma_start3A_58 : memref<1x128xi32, #tpu.memory_space<vmem>> -> memref<128xi32, #tpu.memory_space<vmem>>
    %dma_start3A_60 = arith.constant 0 : i32
    %dma_start3A_61 = tpu.memref_slice %arg5[%dma_start3A_60] : memref<1000000xf32, #tpu.memory_space<hbm>> -> memref<1000000xf32, #tpu.memory_space<hbm>>
    tpu.enqueue_indirect_dma source(%dma_start3A_61 : memref<1000000xf32, #tpu.memory_space<hbm>>) target(%dma_start3A_56 : memref<128xf32, #tpu.memory_space<vmem>>) offsets(%dma_start3A_59 : memref<128xi32, #tpu.memory_space<vmem>>) semaphore(%arg16 : memref<!tpu.dma_semaphore, #tpu.memory_space<semaphore_mem>>)
    %dma_start3A_62 = arith.constant 3 : i32
    %dma_start3A_63 = arith.constant 384 : i32
    %dma_start3A_64 = tpu.memref_slice %arg12[%dma_start3A_63] : memref<512xf32, #tpu.memory_space<vmem>> -> memref<128xf32, #tpu.memory_space<vmem>>
    %dma_start3A_65 = arith.constant 0 : i32
    %dma_start3A_66 = tpu.memref_slice %arg10[%dma_start3A_62, %dma_start3A_65] : memref<4x128xi32, #tpu.memory_space<vmem>> -> memref<1x128xi32, #tpu.memory_space<vmem>>
    %dma_start3A_67 = tpu.memref_squeeze %dma_start3A_66 : memref<1x128xi32, #tpu.memory_space<vmem>> -> memref<128xi32, #tpu.memory_space<vmem>>
    %dma_start3A_68 = arith.constant 0 : i32
    %dma_start3A_69 = tpu.memref_slice %arg6[%dma_start3A_68] : memref<1000000xf32, #tpu.memory_space<hbm>> -> memref<1000000xf32, #tpu.memory_space<hbm>>
    tpu.enqueue_indirect_dma source(%dma_start3A_69 : memref<1000000xf32, #tpu.memory_space<hbm>>) target(%dma_start3A_64 : memref<128xf32, #tpu.memory_space<vmem>>) offsets(%dma_start3A_67 : memref<128xi32, #tpu.memory_space<vmem>>) semaphore(%arg16 : memref<!tpu.dma_semaphore, #tpu.memory_space<semaphore_mem>>)
    "tpu.region"() ({
      %run_scoped3A = tpu.sem_alloc : memref<!tpu.dma_semaphore, #tpu.memory_space<semaphore_mem>>
      tpu.enqueue_dma source(%arg7 : memref<16xf32, #tpu.memory_space<hbm>>) target(%arg15 : memref<16xf32, #tpu.memory_space<vmem>>) target_semaphore(%run_scoped3A : memref<!tpu.dma_semaphore, #tpu.memory_space<semaphore_mem>>)
      tpu.wait_dma2 semaphore(%run_scoped3A : memref<!tpu.dma_semaphore, #tpu.memory_space<semaphore_mem>>) src(%arg7 : memref<16xf32, #tpu.memory_space<hbm>>) dst(%arg15 : memref<16xf32, #tpu.memory_space<vmem>>)
      tpu.yield
    }) : () -> ()
    %dma_wait3A = tpu.memref_slice %arg4[%mul3A_2] : memref<16384xf32, #tpu.memory_space<hbm>> -> memref<512xf32, #tpu.memory_space<hbm>>
    %dma_wait3A_70 = tpu.memref_slice %arg4[%mul3A_2] : memref<16384xf32, #tpu.memory_space<hbm>> -> memref<512xf32, #tpu.memory_space<hbm>>
    tpu.wait_dma2 semaphore(%arg16 : memref<!tpu.dma_semaphore, #tpu.memory_space<semaphore_mem>>) src(%dma_wait3A_70 : memref<512xf32, #tpu.memory_space<hbm>>) dst(%arg13 : memref<512xf32, #tpu.memory_space<vmem>>)
    %dma_wait3A_71 = arith.constant 0 : i32
    %dma_wait3A_72 = arith.constant 0 : i32
    %dma_wait3A_73 = tpu.memref_slice %arg11[%dma_wait3A_72] : memref<512xf32, #tpu.memory_space<vmem>> -> memref<128xf32, #tpu.memory_space<vmem>>
    %dma_wait3A_74 = arith.constant 0 : i32
    %dma_wait3A_75 = tpu.memref_slice %arg9[%dma_wait3A_71, %dma_wait3A_74] : memref<4x128xi32, #tpu.memory_space<vmem>> -> memref<1x128xi32, #tpu.memory_space<vmem>>
    %dma_wait3A_76 = tpu.memref_squeeze %dma_wait3A_75 : memref<1x128xi32, #tpu.memory_space<vmem>> -> memref<128xi32, #tpu.memory_space<vmem>>
    %dma_wait3A_77 = arith.constant 0 : i32
    %dma_wait3A_78 = tpu.memref_slice %arg5[%dma_wait3A_77] : memref<1000000xf32, #tpu.memory_space<hbm>> -> memref<1000000xf32, #tpu.memory_space<hbm>>
    tpu.wait_indirect_dma semaphore(%arg16 : memref<!tpu.dma_semaphore, #tpu.memory_space<semaphore_mem>>) src(%dma_wait3A_78 : memref<1000000xf32, #tpu.memory_space<hbm>>) dst(%dma_wait3A_73 : memref<128xf32, #tpu.memory_space<vmem>>)
    %dma_wait3A_79 = arith.constant 0 : i32
    %dma_wait3A_80 = arith.constant 0 : i32
    %dma_wait3A_81 = tpu.memref_slice %arg12[%dma_wait3A_80] : memref<512xf32, #tpu.memory_space<vmem>> -> memref<128xf32, #tpu.memory_space<vmem>>
    %dma_wait3A_82 = arith.constant 0 : i32
    %dma_wait3A_83 = tpu.memref_slice %arg10[%dma_wait3A_79, %dma_wait3A_82] : memref<4x128xi32, #tpu.memory_space<vmem>> -> memref<1x128xi32, #tpu.memory_space<vmem>>
    %dma_wait3A_84 = tpu.memref_squeeze %dma_wait3A_83 : memref<1x128xi32, #tpu.memory_space<vmem>> -> memref<128xi32, #tpu.memory_space<vmem>>
    %dma_wait3A_85 = arith.constant 0 : i32
    %dma_wait3A_86 = tpu.memref_slice %arg6[%dma_wait3A_85] : memref<1000000xf32, #tpu.memory_space<hbm>> -> memref<1000000xf32, #tpu.memory_space<hbm>>
    tpu.wait_indirect_dma semaphore(%arg16 : memref<!tpu.dma_semaphore, #tpu.memory_space<semaphore_mem>>) src(%dma_wait3A_86 : memref<1000000xf32, #tpu.memory_space<hbm>>) dst(%dma_wait3A_81 : memref<128xf32, #tpu.memory_space<vmem>>)
    %dma_wait3A_87 = arith.constant 1 : i32
    %dma_wait3A_88 = arith.constant 128 : i32
    %dma_wait3A_89 = tpu.memref_slice %arg11[%dma_wait3A_88] : memref<512xf32, #tpu.memory_space<vmem>> -> memref<128xf32, #tpu.memory_space<vmem>>
    %dma_wait3A_90 = arith.constant 0 : i32
    %dma_wait3A_91 = tpu.memref_slice %arg9[%dma_wait3A_87, %dma_wait3A_90] : memref<4x128xi32, #tpu.memory_space<vmem>> -> memref<1x128xi32, #tpu.memory_space<vmem>>
    %dma_wait3A_92 = tpu.memref_squeeze %dma_wait3A_91 : memref<1x128xi32, #tpu.memory_space<vmem>> -> memref<128xi32, #tpu.memory_space<vmem>>
    %dma_wait3A_93 = arith.constant 0 : i32
    %dma_wait3A_94 = tpu.memref_slice %arg5[%dma_wait3A_93] : memref<1000000xf32, #tpu.memory_space<hbm>> -> memref<1000000xf32, #tpu.memory_space<hbm>>
    tpu.wait_indirect_dma semaphore(%arg16 : memref<!tpu.dma_semaphore, #tpu.memory_space<semaphore_mem>>) src(%dma_wait3A_94 : memref<1000000xf32, #tpu.memory_space<hbm>>) dst(%dma_wait3A_89 : memref<128xf32, #tpu.memory_space<vmem>>)
    %dma_wait3A_95 = arith.constant 1 : i32
    %dma_wait3A_96 = arith.constant 128 : i32
    %dma_wait3A_97 = tpu.memref_slice %arg12[%dma_wait3A_96] : memref<512xf32, #tpu.memory_space<vmem>> -> memref<128xf32, #tpu.memory_space<vmem>>
    %dma_wait3A_98 = arith.constant 0 : i32
    %dma_wait3A_99 = tpu.memref_slice %arg10[%dma_wait3A_95, %dma_wait3A_98] : memref<4x128xi32, #tpu.memory_space<vmem>> -> memref<1x128xi32, #tpu.memory_space<vmem>>
    %dma_wait3A_100 = tpu.memref_squeeze %dma_wait3A_99 : memref<1x128xi32, #tpu.memory_space<vmem>> -> memref<128xi32, #tpu.memory_space<vmem>>
    %dma_wait3A_101 = arith.constant 0 : i32
    %dma_wait3A_102 = tpu.memref_slice %arg6[%dma_wait3A_101] : memref<1000000xf32, #tpu.memory_space<hbm>> -> memref<1000000xf32, #tpu.memory_space<hbm>>
    tpu.wait_indirect_dma semaphore(%arg16 : memref<!tpu.dma_semaphore, #tpu.memory_space<semaphore_mem>>) src(%dma_wait3A_102 : memref<1000000xf32, #tpu.memory_space<hbm>>) dst(%dma_wait3A_97 : memref<128xf32, #tpu.memory_space<vmem>>)
    %dma_wait3A_103 = arith.constant 2 : i32
    %dma_wait3A_104 = arith.constant 256 : i32
    %dma_wait3A_105 = tpu.memref_slice %arg11[%dma_wait3A_104] : memref<512xf32, #tpu.memory_space<vmem>> -> memref<128xf32, #tpu.memory_space<vmem>>
    %dma_wait3A_106 = arith.constant 0 : i32
    %dma_wait3A_107 = tpu.memref_slice %arg9[%dma_wait3A_103, %dma_wait3A_106] : memref<4x128xi32, #tpu.memory_space<vmem>> -> memref<1x128xi32, #tpu.memory_space<vmem>>
    %dma_wait3A_108 = tpu.memref_squeeze %dma_wait3A_107 : memref<1x128xi32, #tpu.memory_space<vmem>> -> memref<128xi32, #tpu.memory_space<vmem>>
    %dma_wait3A_109 = arith.constant 0 : i32
    %dma_wait3A_110 = tpu.memref_slice %arg5[%dma_wait3A_109] : memref<1000000xf32, #tpu.memory_space<hbm>> -> memref<1000000xf32, #tpu.memory_space<hbm>>
    tpu.wait_indirect_dma semaphore(%arg16 : memref<!tpu.dma_semaphore, #tpu.memory_space<semaphore_mem>>) src(%dma_wait3A_110 : memref<1000000xf32, #tpu.memory_space<hbm>>) dst(%dma_wait3A_105 : memref<128xf32, #tpu.memory_space<vmem>>)
    %dma_wait3A_111 = arith.constant 2 : i32
    %dma_wait3A_112 = arith.constant 256 : i32
    %dma_wait3A_113 = tpu.memref_slice %arg12[%dma_wait3A_112] : memref<512xf32, #tpu.memory_space<vmem>> -> memref<128xf32, #tpu.memory_space<vmem>>
    %dma_wait3A_114 = arith.constant 0 : i32
    %dma_wait3A_115 = tpu.memref_slice %arg10[%dma_wait3A_111, %dma_wait3A_114] : memref<4x128xi32, #tpu.memory_space<vmem>> -> memref<1x128xi32, #tpu.memory_space<vmem>>
    %dma_wait3A_116 = tpu.memref_squeeze %dma_wait3A_115 : memref<1x128xi32, #tpu.memory_space<vmem>> -> memref<128xi32, #tpu.memory_space<vmem>>
    %dma_wait3A_117 = arith.constant 0 : i32
    %dma_wait3A_118 = tpu.memref_slice %arg6[%dma_wait3A_117] : memref<1000000xf32, #tpu.memory_space<hbm>> -> memref<1000000xf32, #tpu.memory_space<hbm>>
    tpu.wait_indirect_dma semaphore(%arg16 : memref<!tpu.dma_semaphore, #tpu.memory_space<semaphore_mem>>) src(%dma_wait3A_118 : memref<1000000xf32, #tpu.memory_space<hbm>>) dst(%dma_wait3A_113 : memref<128xf32, #tpu.memory_space<vmem>>)
    %dma_wait3A_119 = arith.constant 3 : i32
    %dma_wait3A_120 = arith.constant 384 : i32
    %dma_wait3A_121 = tpu.memref_slice %arg11[%dma_wait3A_120] : memref<512xf32, #tpu.memory_space<vmem>> -> memref<128xf32, #tpu.memory_space<vmem>>
    %dma_wait3A_122 = arith.constant 0 : i32
    %dma_wait3A_123 = tpu.memref_slice %arg9[%dma_wait3A_119, %dma_wait3A_122] : memref<4x128xi32, #tpu.memory_space<vmem>> -> memref<1x128xi32, #tpu.memory_space<vmem>>
    %dma_wait3A_124 = tpu.memref_squeeze %dma_wait3A_123 : memref<1x128xi32, #tpu.memory_space<vmem>> -> memref<128xi32, #tpu.memory_space<vmem>>
    %dma_wait3A_125 = arith.constant 0 : i32
    %dma_wait3A_126 = tpu.memref_slice %arg5[%dma_wait3A_125] : memref<1000000xf32, #tpu.memory_space<hbm>> -> memref<1000000xf32, #tpu.memory_space<hbm>>
    tpu.wait_indirect_dma semaphore(%arg16 : memref<!tpu.dma_semaphore, #tpu.memory_space<semaphore_mem>>) src(%dma_wait3A_126 : memref<1000000xf32, #tpu.memory_space<hbm>>) dst(%dma_wait3A_121 : memref<128xf32, #tpu.memory_space<vmem>>)
    %dma_wait3A_127 = arith.constant 3 : i32
    %dma_wait3A_128 = arith.constant 384 : i32
    %dma_wait3A_129 = tpu.memref_slice %arg12[%dma_wait3A_128] : memref<512xf32, #tpu.memory_space<vmem>> -> memref<128xf32, #tpu.memory_space<vmem>>
    %dma_wait3A_130 = arith.constant 0 : i32
    %dma_wait3A_131 = tpu.memref_slice %arg10[%dma_wait3A_127, %dma_wait3A_130] : memref<4x128xi32, #tpu.memory_space<vmem>> -> memref<1x128xi32, #tpu.memory_space<vmem>>
    %dma_wait3A_132 = tpu.memref_squeeze %dma_wait3A_131 : memref<1x128xi32, #tpu.memory_space<vmem>> -> memref<128xi32, #tpu.memory_space<vmem>>
    %dma_wait3A_133 = arith.constant 0 : i32
    %dma_wait3A_134 = tpu.memref_slice %arg6[%dma_wait3A_133] : memref<1000000xf32, #tpu.memory_space<hbm>> -> memref<1000000xf32, #tpu.memory_space<hbm>>
    tpu.wait_indirect_dma semaphore(%arg16 : memref<!tpu.dma_semaphore, #tpu.memory_space<semaphore_mem>>) src(%dma_wait3A_134 : memref<1000000xf32, #tpu.memory_space<hbm>>) dst(%dma_wait3A_129 : memref<128xf32, #tpu.memory_space<vmem>>)
    %scan3A = arith.constant 0 : i32
    %scan3A_135 = arith.constant 32 : i32
    %scan3A_136 = arith.addi %scan3A, %scan3A_135 : i32
    %scan3A_137 = arith.constant 1 : i32
    scf.for %scan3A_139 = %scan3A to %scan3A_136 step %scan3A_137  : i32 {
      %mul3A_140 = arith.constant 16 : i32
      %mul3A_141 = arith.muli %scan3A_139, %mul3A_140 : i32
      %add3A_142 = arith.constant 0 : i32
      %add3A_143 = arith.addi %add3A_142, %mul3A_141 : i32
      %get3A = arith.index_cast %add3A_143 : i32 to index
      %get3A_144 = tpu.vector_load %arg13[%get3A] {strides = array<i32>} : memref<512xf32, #tpu.memory_space<vmem>>, vector<16xf32>,
      %get3A_145 = vector.shape_cast %get3A_144 : vector<16xf32> to vector<16xf32>
      %get3A_146 = arith.index_cast %add3A_143 : i32 to index
      %get3A_147 = tpu.vector_load %arg11[%get3A_146] {strides = array<i32>} : memref<512xf32, #tpu.memory_space<vmem>>, vector<16xf32>,
      %get3A_148 = vector.shape_cast %get3A_147 : vector<16xf32> to vector<16xf32>
      %add3A_149 = arith.addf %get3A_145, %get3A_148 : vector<16xf32>
      %get3A_150 = arith.index_cast %add3A_143 : i32 to index
      %get3A_151 = tpu.vector_load %arg12[%get3A_150] {strides = array<i32>} : memref<512xf32, #tpu.memory_space<vmem>>, vector<16xf32>,
      %get3A_152 = vector.shape_cast %get3A_151 : vector<16xf32> to vector<16xf32>
      %add3A_153 = arith.addf %add3A_149, %get3A_152 : vector<16xf32>
      %get3A_154 = arith.constant 0 : index
      %get3A_155 = tpu.vector_load %arg15[%get3A_154] {strides = array<i32>} : memref<16xf32, #tpu.memory_space<vmem>>, vector<16xf32>,
      %get3A_156 = vector.shape_cast %get3A_155 : vector<16xf32> to vector<16xf32>
      %add3A_157 = arith.addf %add3A_153, %get3A_156 : vector<16xf32>
      %swap3A = arith.index_cast %add3A_143 : i32 to index
      %swap3A_158 = tpu.vector_load %arg14[%swap3A] {strides = array<i32>} : memref<512xf32, #tpu.memory_space<vmem>>, vector<16xf32>,
      tpu.vector_store %arg14[%swap3A], %add3A_157 {strides = array<i32>} : memref<512xf32, #tpu.memory_space<vmem>>, vector<16xf32>,
    }
    %scan3A_138 = arith.constant 32 : i32
    "tpu.region"() ({
      %run_scoped3A = tpu.sem_alloc : memref<!tpu.dma_semaphore, #tpu.memory_space<semaphore_mem>>
      %dma_start3A_139 = tpu.memref_slice %arg8[%mul3A_2] : memref<16384xf32, #tpu.memory_space<hbm>> -> memref<512xf32, #tpu.memory_space<hbm>>
      %dma_start3A_140 = tpu.memref_slice %arg8[%mul3A_2] : memref<16384xf32, #tpu.memory_space<hbm>> -> memref<512xf32, #tpu.memory_space<hbm>>
      tpu.enqueue_dma source(%arg14 : memref<512xf32, #tpu.memory_space<vmem>>) target(%dma_start3A_140 : memref<512xf32, #tpu.memory_space<hbm>>) target_semaphore(%run_scoped3A : memref<!tpu.dma_semaphore, #tpu.memory_space<semaphore_mem>>)
      %dma_wait3A_141 = tpu.memref_slice %arg8[%mul3A_2] : memref<16384xf32, #tpu.memory_space<hbm>> -> memref<512xf32, #tpu.memory_space<hbm>>
      %dma_wait3A_142 = tpu.memref_slice %arg8[%mul3A_2] : memref<16384xf32, #tpu.memory_space<hbm>> -> memref<512xf32, #tpu.memory_space<hbm>>
      tpu.wait_dma2 semaphore(%run_scoped3A : memref<!tpu.dma_semaphore, #tpu.memory_space<semaphore_mem>>) src(%arg14 : memref<512xf32, #tpu.memory_space<vmem>>) dst(%dma_wait3A_142 : memref<512xf32, #tpu.memory_space<hbm>>)
      tpu.yield
    }) : () -> ()
    return
  }
}

</mosaic_0001>

<sc_bundles>
// kernel: kernel.4.cloned.1.call-start
scs
__scs_entry_jumppad:
0x0: {  	(pc) =	sbr.rel $0x88, $3  }
0x1: {  	(tag) =	ssettag $0x0;
	lr =	simm.s32 $0x1  }
0x2: {  	[smem:$0x3F9A] =	sst lr;
	_ =	strace $0xD0000000  }
0x3: {  	_ = 	snop  }
0x4: {  	_ = 	snop  }
0x5: {  	_ = 	snop  }
0x6: {  	_ = 	snop  }
0x7: {  	_ = 	snop  }
__scs_overlays_trampoline_lowered:
0x8: {  	[smem:$0x3FA9] =	sst s0  }
0x9: {  	[smem:$0x3FAA] =	sst s1  }
0xa: {  	[smem:$0x3FAB] =	sst s2  }
0xb: {  	[smem:$0x3FAC] =	sst s3  }
0xc: {  	[smem:$0x3FAD] =	sst s4  }
0xd: {  	[smem:$0x3FAE] =	sst s5  }
0xe: {  	[smem:$0x3FAF] =	sst s6  }
0xf: {  	[smem:$0x3FB0] =	sst s7  }
0x10: {  	[smem:$0x3FB1] =	sst s8  }
0x11: {  	[smem:$0x3FB2] =	sst s9;
	s0 =	simm.s32 @!p0 $0x0  }
0x12: {  	s1 =	sld [smem:$0x3F98];
	s0 =	simm.s32 @p0 $0x1  }
0x13: {  	[smem:$0x3FB3] =	sst s0;
	s0 =	simm.s32 @!p1 $0x0  }
0x14: {  	s2 =	sld [smem:$0x3F97];
	s0 =	simm.s32 @p1 $0x1  }
0x15: {  	[smem:$0x3FB4] =	sst s0;
	s0 =	simm.s32 @!p2 $0x0  }
0x16: {  	s3 =	sld [smem:$0x3FDB];
	s0 =	simm.s32 @p2 $0x1  }
0x17: {  	s4 =	simm.s32 $0x1BF5;
	[smem:$0x3FB6] =	sst s0  }
0x18: {  	s0 =	sld [smem:$0x3F99];
	_ =	swait.ge [sflag:s4], $0x0  }
0x19: {  	s7 =	sld [smem:$0x3F9A]  }
0x1a: {  	s8 =	sadd.s32 $0xFFFFE003, lr  }
0x1b: {  	s9 =	sadd.s32 $0xFFFFFEF7, lr;
	s5 =	simm.s32 $0xFFFFFFFF;
	p2 =	slt.u32 s8, $0xFFFFF086  }
0x1c: {  	p1 =	slt.u32 s9, $0xF7A;
	s5 =	simm.s32 @!p2 $0x0  }
0x1d: {  	s5 =	simm.s32 @p1 $0x1;
	p0 =	seq.s32 s7, s2  }
0x1e: {  	s7 =	smul.u32 @!p0 $0xF7A, s2;
	p2 =	seq.s32 @!p0 s5, $0x0  }
0x1f: {  	s9 =	smul.u32 $0xF7A, s1;
	s8 =	simm.s32 @!p0 $0x1BF5;
	p2 =	por !p2, p0  }
0x20: {  	[sflag:s8] =	ssyncset.s32 @!p0 $0xFFFFF086;
	s6 =	sadd.s32 @!p0 s3, s7;
	s7 =	simm.s32 @!p0 $0x108  }
0x21: {  	s3 =	sadd.s32 s3, s9;
	s6 =	sadd.s32 @!p0 $0x88, s6;
	s7 =	simm.s32 @p2 $0x1082  }
0x22: {  	[simem:s7], [sflag:s8] =	dma.local @!p0 [hbm:s6], $0xF7A  }
0x23: {  	s9 =	sor.u32 $0xD0000000, s2;
	s6 =	simm.s32 $0x108;
	_ =	swait.ge @!p0 [sflag:s8], $0x0  }
0x24: {  	s3 =	sadd.s32 $0x88, s3;
	s6 =	simm.s32 @!p1 $0x1082;
	[sflag:s4] =	ssyncset.s32 $0xFFFFF086  }
0x25: {  	[simem:s6], [sflag:s4] =	dma.local [hbm:s3], $0xF7A  }
0x26: {  	[smem:$0x3F9A] =	sst s1;
	(tag) =	ssettag s2;
	_ =	strace s9  }
0x27: {  	s1 =	sld [smem:$0x3FAA]  }
0x28: {  	s2 =	sld [smem:$0x3FAB]  }
0x29: {  	s4 =	sld [smem:$0x3FAD]  }
0x2a: {  	p0 =	seq.s32 s5, $0x0;
	s5 =	sld [smem:$0x3FAE]  }
0x2b: {  	s6 =	sld [smem:$0x3FAF]  }
0x2c: {  	s7 =	sld [smem:$0x3FB0]  }
0x2d: {  	s3 =	simm.s32 $0x108;
	s8 =	sld [smem:$0x3FB1]  }
0x2e: {  	s3 =	simm.s32 @!p0 $0x1082;
	s9 =	sld [smem:$0x3FB2]  }
0x2f: {  	lr =	sadd.s32 s0, s3;
	s0 =	sld [smem:$0x3FA9]  }
0x30: {  	s3 =	sld [smem:$0x3FAC]  }
0x31: {  	[smem:$0x3FB5] =	sst s10  }
0x32: {  	s10 =	sld [smem:$0x3FB3];
	_ =	sdelay $0x3  }
0x33: {  	p0 =	seq.s32 s10, $0x1;
	s10 =	sld [smem:$0x3FB5];
	_ =	sdelay $0x3  }
0x34: {  	[smem:$0x3FB5] =	sst s10  }
0x35: {  	s10 =	sld [smem:$0x3FB4];
	_ =	sdelay $0x3  }
0x36: {  	p1 =	seq.s32 s10, $0x1;
	s10 =	sld [smem:$0x3FB5];
	_ =	sdelay $0x3  }
0x37: {  	[smem:$0x3FB5] =	sst s10  }
0x38: {  	s10 =	sld [smem:$0x3FB6]  }
0x39: {  	_ = 	snop;
	(pc) =	sbr.ind lr, $3  }
0x3a: {  	_ = 	snop  }
0x3b: {  	_ = 	snop  }
0x3c: {  	p2 =	seq.s32 s10, $0x1;
	s10 =	sld [smem:$0x3FB5]  }
0x3d: {  	_ =	shalt  }
0x3e: {  	_ =	shalt  }
0x3f: {  	_ =	shalt  }
0x40: {  	_ =	shalt  }
0x41: {  	_ =	shalt  }
0x42: {  	_ =	shalt  }
0x43: {  	_ =	shalt  }
0x44: {  	_ =	shalt  }
0x45: {  	_ =	shalt  }
0x46: {  	_ =	shalt  }
0x47: {  	_ =	shalt  }
0x48: {  	_ =	shalt  }
0x49: {  	_ =	shalt  }
0x4a: {  	_ =	shalt  }
0x4b: {  	_ =	shalt  }
0x4c: {  	_ =	shalt  }
0x4d: {  	_ =	shalt  }
0x4e: {  	_ =	shalt  }
0x4f: {  	_ =	shalt  }
0x50: {  	_ =	shalt  }
0x51: {  	_ =	shalt  }
0x52: {  	_ =	shalt  }
0x53: {  	_ =	shalt  }
0x54: {  	_ =	shalt  }
0x55: {  	_ =	shalt  }
0x56: {  	_ =	shalt  }
0x57: {  	_ =	shalt  }
0x58: {  	_ =	shalt  }
0x59: {  	_ =	shalt  }
0x5a: {  	_ =	shalt  }
0x5b: {  	_ =	shalt  }
0x5c: {  	_ =	shalt  }
0x5d: {  	_ =	shalt  }
0x5e: {  	_ =	shalt  }
0x5f: {  	_ =	shalt  }
0x60: {  	_ =	shalt  }
0x61: {  	_ =	shalt  }
0x62: {  	_ =	shalt  }
0x63: {  	_ =	shalt  }
0x64: {  	_ =	shalt  }
0x65: {  	_ =	shalt  }
0x66: {  	_ =	shalt  }
0x67: {  	_ =	shalt  }
0x68: {  	_ =	shalt  }
0x69: {  	_ =	shalt  }
0x6a: {  	_ =	shalt  }
0x6b: {  	_ =	shalt  }
0x6c: {  	_ =	shalt  }
0x6d: {  	_ =	shalt  }
0x6e: {  	_ =	shalt  }
0x6f: {  	_ =	shalt  }
0x70: {  	_ =	shalt  }
0x71: {  	_ =	shalt  }
0x72: {  	_ =	shalt  }
0x73: {  	_ =	shalt  }
0x74: {  	_ =	shalt  }
0x75: {  	_ =	shalt  }
0x76: {  	_ =	shalt  }
0x77: {  	_ =	shalt  }
0x78: {  	_ =	shalt  }
0x79: {  	_ =	shalt  }
0x7a: {  	_ =	shalt  }
0x7b: {  	_ =	shalt  }
0x7c: {  	_ =	shalt  }
0x7d: {  	_ =	shalt  }
0x7e: {  	_ =	shalt  }
0x7f: {  	_ =	shalt  }
0x80: {  	_ =	shalt  }
0x81: {  	_ =	shalt  }
0x82: {  	_ =	shalt  }
0x83: {  	_ =	shalt  }
0x84: {  	_ =	shalt  }
0x85: {  	_ =	shalt  }
0x86: {  	_ =	shalt  }
0x87: {  	_ =	shalt  }
.Lfunc_end0:
.L_simem_size_0:
called_computation_lowered:
.L_overlay_start_0:
0x88: {  	s2 =	sld [smem:$0x3FD9]  }
0x89: {  	s3 =	sld [smem:$0x3FFE];
	_ =	sdelay $0x1  }
0x8a: {  	s1 =	srdreg.scid  }
0x8b: {  	s0 =	sand.u32 $0x1, s1  }
0x8c: {  	s17 =	sshll.u32 s0, $0xA;
	s2 =	sadd.s32 s3, s2  }
0x8d: {  	s2 =	sadd.s32 s2, s17  }
0x8e: {  	[smem:$0x3FC1] =	sst s2  }
0x8f: {  	_ = 	snop  }
0x90: {  	s2 =	sld [smem:$0x3FC9]  }
0x91: {  	s18 =	sld [smem:$0x3FC8]  }
0x92: {  	s4 =	sld [smem:$0x3FC7]  }
0x93: {  	s5 =	sld [smem:$0x3FC6];
	(tm) =	ssettm $0x1  }
0x94: {  	s6 =	sld [smem:$0x3FFB];
	_ =	sdelay $0x3  }
0x95: {  	_ =	strace s6  }
0x96: {  	s6 =	sld [smem:$0x3FFC];
	_ =	sdelay $0x3  }
0x97: {  	_ =	strace s6  }
0x98: {  	s6 =	sld [smem:$0x3FFD];
	_ =	sdelay $0x3  }
0x99: {  	_ =	strace s6  }
0x9a: {  	_ =	strace $0x8FFFFFFF  }
0x9b: {  	s19 =	sld [smem:$0x3FDB];
	_ =	sdelay $0x1  }
0x9c: {  	s7 =	simm.s32 $_scs_section_size  }
0x9d: {  	s8 =	simm.s32 $_size__tile_overlayer_lowered;
	s9 =	simm.s32 $_tile_overlayer_lowered  }
0x9e: {  	s22 =	simm.s32 $0x1BFF;
	s21 =	sshll.u32 s9, $0x1;
	s6 =	sadd.s32 s7, s19  }
0x9f: {  	s10 =	simm.s32 $0x0;
	s20 =	sshll.u32 s8, $0x1;
	s8 =	sadd.s32 s21, s6  }
0xa0: {  	[timem:s10], [sflag:s22] =	dma.local [hbm:s8], s20  }
0xa1: {  	_ =	swait.ge [sflag:s22], s20  }
0xa2: {  	s7 =	ssub.s32 $0x0, s20;
	[sflag:s22] =	ssyncset.done $0x0  }
0xa3: {  	[sflag:s22] =	ssyncadd.s32 s7;
	_ =	sdelay $0x1  }
0xa4: {  	s23 =	simm.s32 $0x1B8B  }
0xa5: {  	_ =	swait.ge [sflag:s23], $0x1  }
0xa6: {  	[sflag:s23] =	ssyncset.done $0x0  }
0xa7: {  	s25 =	simm.s32 $0x1B8E;
	s24 =	sld [smem:$0x3FFE];
	[sflag:s23] =	ssyncadd.s32 $0xFFFFFFFF  }
0xa8: {  	s26 =	simm.s32 $execute0_lowered;
	[smem:$0x3FD2] =	sst s25  }
0xa9: {  	s8 =	sshll.u32 s26, $0x1;
	_ =	strace $0x80000046;
	[dreg:$0x1] =	wrdreg $0xFFFFFFFF  }
0xaa: {  	s28 =	simm.s32 $_size_execute0_lowered;
	s6 =	sadd.s32 s6, s8;
	[dreg:$0x0] =	wrdreg $0x0  }
0xab: {  	s8 =	sshll.u32 s28, $0x1;
	[dreg:$0x2] =	wrdreg s6  }
0xac: {  	[dreg:$0x3] =	wrdreg s8  }
0xad: {  	[dreg:$0x4] =	wrdreg $0xC0  }
0xae: {  	_ =	task [dreg:s10], $0x5FFFF  }
0xaf: {  	[dreg:$0x1] =	wrdreg $0xFFFFFFFF  }
0xb0: {  	[dreg:$0x0] =	wrdreg $0x60  }
0xb1: {  	[dreg:$0x2] =	wrdreg s2  }
0xb2: {  	[dreg:$0x3] =	wrdreg s18  }
0xb3: {  	[dreg:$0x4] =	wrdreg s4  }
0xb4: {  	[dreg:$0x5] =	wrdreg s5  }
0xb5: {  	[dreg:$0x6] =	wrdreg s24  }
0xb6: {  	[dreg:$0x7] =	wrdreg $0x9  }
0xb7: {  	_ =	task.clear_ibuf [dreg:s10], $0x8FFFF;
	_ =	strace $0x90000046  }
0xb8: {  	s29 =	simm.s32 $0x9;
	_ =	strace $0x80000048  }
0xb9: {  	_ =	swait.ge [sflag:s29], $0x1  }
0xba: {  	[sflag:s29] =	ssyncadd.s32 $0xFFFFFFFF  }
0xbb: {  	_ =	strace $0x90000048  }
0xbc: {  	_ =	sfence  }
0xbd: {  	s30 =	sld [smem:$0x0];
	_ =	sdelay $0x2  }
0xbe: {  	s31 =	sshll.u32 s1, $0xD;
	s1 =	sshrl.u32 s1, $0x2  }
0xbf: {  	s3 =	sand.u32 $0x4000, s31;
	s1 =	sadd.s32 s1, s30  }
0xc0: {  	s0 =	sor.u32 s3, s0;
	s1 =	sshll.u32 s1, $0x11  }
0xc1: {  	s0 =	sor.u32 s1, s0  }
0xc2: {  	s0 =	sadd.s32 $0x8F2B, s0  }
0xc3: {  	[sflag:s0] =	ssyncadd.remote.s32 $0x1  }
0xc4: {  	_ =	sfence.sel $0xFFFF  }
0xc5: {  	[dreg:$0x0] =	wrdreg $0xFFFFFFFF;
	(pc) =	sbr.abs _section_cstart, $3  }
0xc6: {  	[dreg:$0x1] =	wrdreg $0xFFFFFFFF  }
0xc7: {  	_ =	task.clear_ibuf [dreg:s10], $0x2FFFF;
	_ =	strace $0x9FFFFFFF  }
0xc8: {  	(tm) =	ssettm $0x7FFFFFFF  }
0xc9: {  	_ =	shalt  }
tec
execute0_lowered:
.L_overlay_start_1:
0x0: {  	(tag) =	ssettag $0x1  }
0x1: {  	s0 =	rddreg [dreg:$0x0]  }
0x2: {  	s3 =	rddreg [dreg:$0x1]  }
0x3: {  	s1 =	rddreg [dreg:$0x2]  }
0x4: {  	s2 =	rddreg [dreg:$0x3]  }
0x5: {  	s5 =	rddreg [dreg:$0x4];
	s6 =	srdreg.scid;
	s4 =	simm.s32 $0x0  }
0x6: {  	s7 =	stileid.u32;
	s11 =	simm.s32 $0x7A1400;
	s12 =	simm.s32 $0x400  }
0x7: {  	s13 =	simm.s32 $0x8400;
	s14 =	simm.s32 $0x1400;
	s15 =	simm.s32 $0x9400  }
0x8: {  	s16 =	simm.s32 $0x2400;
	s17 =	simm.s32 $0xA400;
	s18 =	simm.s32 $0x3400  }
0x9: {  	s19 =	simm.s32 $0xB400;
	s20 =	simm.s32 $0x4400;
	s21 =	simm.s32 $0xC400  }
0xa: {  	s22 =	simm.s32 $0x5400;
	s23 =	simm.s32 $0xD400;
	s24 =	simm.s32 $0x6400  }
0xb: {  	s28 =	simm.s32 $0xF400;
	s29 =	simm.s32 $0x1;
	s6 =	sand.u32 $0x1, s6  }
0xc: {  	s30 =	simm.s32 $0x2;
	s7 =	sshll.u32 s7, $0x7;
	s8 =	sshll.u32 s6, $0x6  }
0xd: {  	v0 =	vlaneseq.u32;
	vm0 =	vmmov $0x1;
	vm1 =	vmmov $0x3;
	[smem:$0x7FF] =	sst s4;
	s6 =	ssub.s32 $0x2, s6;
	s7 =	sor.u32 s8, s7  }
0xe: {  	vm2 =	vmmov $0x7;
	vm3 =	vmmov $0xf;
	vm4 =	vmmov $0x1f;
	_ =	strace $0x80000047;
	s25 =	sshrl.u32 s6, $0x1;
	s0 =	sadd.s32 s0, s7  }
0xf: {  	vm5 =	vmmov $0x3f;
	vm6 =	vmmov $0x7f;
	vm7 =	vmmov $0xff;
	s9 =	sadd.s32 s7, s5;
	s26 =	sadd.s32 s3, s7;
	[dreg:$0x6] =	wrdreg s0  }
0x10: {  	vm8 =	vmmov $0x1ff;
	vm9 =	vmmov $0x3ff;
	v0 =	vmul.u32 $0x80, v0;
	s8 =	ssub.s32 s6, s25;
	s25 =	simm.s32 $0xE400;
	[dreg:$0x7] =	wrdreg s26  }
0x11: {  	vm10 =	vmmov $0x7ff;
	vm11 =	vcmask $0x3330;
	vm12 =	vmmov $0x1fff;
	s31 =	sadd.s32 $0xC00, s9;
	s8 =	smax.u32 s8, $0x1;
	s9 =	simm.s32 $0x3  }
0x12: {  	vm13 =	vmmov $0x3fff;
	vm14 =	vmmov $0x7fff;
	v1 =	vor.u32 $0x800, v0;
	s26 =	simm.s32 $0x7400;
	s0 =	simm.s32 $0x0;
	[dreg:$0x8] =	wrdreg s31  }
.LBB2_1:
0x13: {  	s3 =	rddreg [dreg:$0x6]  }
0x14: {  	[tilespmem:s4], [sflag:$0x3] =	stream.linear.gather [hbm4b:s3+s4], $0x200, $0x38;
	[tilespmem:$0x10600] =	vst v63  }
0x15: {  	_ =	swait.ge [sflag:s9], $0x200  }
0x16: {  	[sflag:s9] =	ssyncset.done $0x0  }
0x17: {  	s5 =	simm.s32 $0x200;
	s6 =	rddreg [dreg:$0x7];
	[sflag:s9] =	ssyncadd.s32 $0xFFFFFE00  }
0x18: {  	[tilespmem:s5], [sflag:$0x3] =	stream.linear.gather [hbm4b:s6+s4], $0x200, $0x38;
	[tilespmem:$0x10600] =	vst v63  }
0x19: {  	_ =	swait.ge [sflag:s9], $0x200  }
0x1a: {  	[sflag:s9] =	ssyncset.done $0x0  }
0x1b: {  	[sflag:s9] =	ssyncadd.s32 $0xFFFFFE00  }
0x1c: {  	v2 =	vld [tilespmem:$0x0];
	_ =	sdelay $0x1  }
0x1d: {  	v3 =	vld [tilespmem:$0x200];
	_ =	sdelay $0x2  }
0x1e: {  	(v2sf) =	vpush v2, $0x0;
	_ =	sdelay $0x1  }
0x1f: {  	(v2sf) =	vpush v3, $0x0;
	_ =	sdelay $0x1  }
0x20: {  	(v2sf) =	vpush v2, $0x1;
	_ =	sdelay $0x2  }
0x21: {  	(v2sf) =	vpush v3, $0x1;
	_ =	sdelay $0x7  }
0x22: {  	s7 =	spop (v2sf);
	(v2sf) =	vpush v2, $0x2;
	_ =	sdelay $0x1  }
0x23: {  	s10 =	spop (v2sf);
	(v2sf) =	vpush v3, $0x2  }
0x24: {  	s3 =	sand.u32 $0xFFFFF80, s7  }
0x25: {  	s3 =	sadd.s32 s1, s3;
	s31 =	spop (v2sf)  }
0x26: {  	(v2sf) =	vpush v2, $0x3;
	[tilespmem:s12], [sflag:$0x1] =	stream.strided.gather [hbm4b:s3+s12], $0x1000, s11, s12, $0x38;
	[tilespmem:$0x10600] =	vst v63  }
0x27: {  	s3 =	sand.u32 $0xFFFFF80, s10  }
0x28: {  	s5 =	spop (v2sf);
	s3 =	sadd.s32 s2, s3  }
0x29: {  	(v2sf) =	vpush v3, $0x3;
	[tilespmem:s13], [sflag:$0x1] =	stream.strided.gather [hbm4b:s3+s12], $0x1000, s11, s12, $0x38;
	[tilespmem:$0x10600] =	vst v63  }
0x2a: {  	s3 =	sand.u32 $0xFFFFF80, s31  }
0x2b: {  	s3 =	sadd.s32 s1, s3  }
0x2c: {  	[tilespmem:s14], [sflag:$0x1] =	stream.strided.gather [hbm4b:s3+s12], $0x1000, s11, s12, $0x38;
	[tilespmem:$0x10600] =	vst v63  }
0x2d: {  	s3 =	sand.u32 $0xFFFFF80, s5  }
0x2e: {  	s3 =	sadd.s32 s2, s3  }
0x2f: {  	[tilespmem:s15], [sflag:$0x1] =	stream.strided.gather [hbm4b:s3+s12], $0x1000, s11, s12, $0x38;
	[tilespmem:$0x10600] =	vst v63  }
0x30: {  	s6 =	spop (v2sf)  }
0x31: {  	s3 =	sand.u32 $0xFFFFF80, s6  }
0x32: {  	s7 =	spop (v2sf);
	s3 =	sadd.s32 s1, s3  }
0x33: {  	[tilespmem:s16], [sflag:$0x1] =	stream.strided.gather [hbm4b:s3+s12], $0x1000, s11, s12, $0x38;
	[tilespmem:$0x10600] =	vst v63  }
0x34: {  	s3 =	sand.u32 $0xFFFFF80, s7  }
0x35: {  	s10 =	spop (v2sf);
	s3 =	sadd.s32 s2, s3  }
0x36: {  	[tilespmem:s17], [sflag:$0x1] =	stream.strided.gather [hbm4b:s3+s12], $0x1000, s11, s12, $0x38;
	[tilespmem:$0x10600] =	vst v63  }
0x37: {  	s3 =	sand.u32 $0xFFFFF80, s10  }
0x38: {  	s31 =	spop (v2sf);
	s3 =	sadd.s32 s1, s3  }
0x39: {  	[tilespmem:s18], [sflag:$0x1] =	stream.strided.gather [hbm4b:s3+s12], $0x1000, s11, s12, $0x38;
	[tilespmem:$0x10600] =	vst v63  }
0x3a: {  	s3 =	sand.u32 $0xFFFFF80, s31  }
0x3b: {  	s3 =	sadd.s32 s2, s3  }
0x3c: {  	[tilespmem:s19], [sflag:$0x1] =	stream.strided.gather [hbm4b:s3+s12], $0x1000, s11, s12, $0x38;
	[tilespmem:$0x10600] =	vst v63  }
0x3d: {  	s3 =	simm.s32 $0x0  }
.LBB2_2:
0x3e: {  	s10 =	sshra.s32 s3, $0x2  }
0x3f: {  	v2 =	vld [tilespmem:s10+$0x0];
	_ =	sdelay $0x1  }
0x40: {  	v3 =	vld [tilespmem:s10+$0x200];
	_ =	sdelay $0x2  }
0x41: {  	(v2sf) =	vpush v2, $0x4;
	_ =	sdelay $0x1  }
0x42: {  	(v2sf) =	vpush v3, $0x4;
	_ =	sdelay $0x2  }
0x43: {  	(v2sf) =	vpush v2, $0x5;
	_ =	sdelay $0x2  }
0x44: {  	(v2sf) =	vpush v3, $0x5;
	_ =	sdelay $0x2  }
0x45: {  	(v2sf) =	vpush v2, $0x6;
	_ =	sdelay $0x2  }
0x46: {  	(v2sf) =	vpush v3, $0x6  }
0x47: {  	s31 =	spop (v2sf)  }
0x48: {  	s31 =	sand.u32 $0xFFFFF80, s31  }
0x49: {  	(v2sf) =	vpush v2, $0x7;
	s5 =	spop (v2sf);
	s31 =	sadd.s32 s1, s31  }
0x4a: {  	[tilespmem:s20], [sflag:$0x2] =	stream.strided.gather [hbm4b:s31+s12], $0x1000, s11, s12, $0x38;
	[tilespmem:$0x10600] =	vst v63  }
0x4b: {  	s31 =	sand.u32 $0xFFFFF80, s5  }
0x4c: {  	(v2sf) =	vpush v3, $0x7;
	s6 =	spop (v2sf);
	s31 =	sadd.s32 s2, s31  }
0x4d: {  	[tilespmem:s21], [sflag:$0x2] =	stream.strided.gather [hbm4b:s31+s12], $0x1000, s11, s12, $0x38;
	[tilespmem:$0x10600] =	vst v63  }
0x4e: {  	s31 =	sand.u32 $0xFFFFF80, s6  }
0x4f: {  	s7 =	spop (v2sf);
	s31 =	sadd.s32 s1, s31  }
0x50: {  	[tilespmem:s22], [sflag:$0x2] =	stream.strided.gather [hbm4b:s31+s12], $0x1000, s11, s12, $0x38;
	[tilespmem:$0x10600] =	vst v63  }
0x51: {  	s31 =	sand.u32 $0xFFFFF80, s7  }
0x52: {  	s5 =	spop (v2sf);
	s31 =	sadd.s32 s2, s31  }
0x53: {  	[tilespmem:s23], [sflag:$0x2] =	stream.strided.gather [hbm4b:s31+s12], $0x1000, s11, s12, $0x38;
	[tilespmem:$0x10600] =	vst v63  }
0x54: {  	s31 =	sand.u32 $0xFFFFF80, s5  }
0x55: {  	s6 =	spop (v2sf);
	s31 =	sadd.s32 s1, s31  }
0x56: {  	[tilespmem:s24], [sflag:$0x2] =	stream.strided.gather [hbm4b:s31+s12], $0x1000, s11, s12, $0x38;
	[tilespmem:$0x10600] =	vst v63  }
0x57: {  	s31 =	sand.u32 $0xFFFFF80, s6  }
0x58: {  	s7 =	spop (v2sf);
	s31 =	sadd.s32 s2, s31  }
0x59: {  	[tilespmem:s25], [sflag:$0x2] =	stream.strided.gather [hbm4b:s31+s12], $0x1000, s11, s12, $0x38;
	[tilespmem:$0x10600] =	vst v63  }
0x5a: {  	s31 =	sand.u32 $0xFFFFF80, s7  }
0x5b: {  	s5 =	spop (v2sf);
	s31 =	sadd.s32 s1, s31  }
0x5c: {  	[tilespmem:s26], [sflag:$0x2] =	stream.strided.gather [hbm4b:s31+s12], $0x1000, s11, s12, $0x38;
	[tilespmem:$0x10600] =	vst v63  }
0x5d: {  	s31 =	sand.u32 $0xFFFFF80, s5  }
0x5e: {  	s31 =	sadd.s32 s2, s31  }
0x5f: {  	[tilespmem:s28], [sflag:$0x2] =	stream.strided.gather [hbm4b:s31+s12], $0x1000, s11, s12, $0x38;
	[tilespmem:$0x10600] =	vst v63  }
0x60: {  	_ =	swait.ge [sflag:s29], $0x4000  }
0x61: {  	[sflag:s29] =	ssyncset.done $0x0  }
0x62: {  	[sflag:s29] =	ssyncadd.s32 $0xFFFFC000  }
0x63: {  	_ =	swait.ge [sflag:s29], $0x4000  }
0x64: {  	[sflag:s29] =	ssyncset.done $0x0  }
0x65: {  	[sflag:s29] =	ssyncadd.s32 $0xFFFFC000  }
0x66: {  	v2 =	vld [tilespmem:s10+$0x0];
	_ =	sdelay $0x1  }
0x67: {  	v3 =	vld [tilespmem:s10+$0x200];
	_ =	sdelay $0x2  }
0x68: {  	(v2sf) =	vpush v2, $0x0;
	_ =	sdelay $0x1  }
0x69: {  	(v2sf) =	vpush v3, $0x0;
	_ =	sdelay $0x1  }
0x6a: {  	(v2sf) =	vpush v2, $0x1;
	_ =	sdelay $0x1  }
0x6b: {  	(v2sf) =	vpush v3, $0x1  }
0x6c: {  	(v2sf) =	vpush v2, $0x2  }
0x6d: {  	(v2sf) =	vpush v3, $0x2  }
0x6e: {  	(v2sf) =	vpush v2, $0x3;
	_ =	sdelay $0x2  }
0x6f: {  	(v2sf) =	vpush v3, $0x3;
	_ =	sdelay $0x2  }
0x70: {  	s6 =	spop (v2sf)  }
0x71: {  	s31 =	sand.u32 $0x7F, s6  }
0x72: {  	s5 =	spop (v2sf);
	v4 =	vor.u32 s31, v0  }
0x73: {  	s5 =	sand.u32 $0x7F, s5;
	v5 =	vor.u32 s31, v1  }
0x74: {  	s7 =	spop (v2sf);
	(v2sf) =	vpush v2, $0x8;
	v6 =	vor.u32 s5, v0  }
0x75: {  	v7 =	vor.u32 s5, v1;
	s6 =	sand.u32 $0x7F, s7  }
0x76: {  	s7 =	spop (v2sf);
	(v2sf) =	vpush v3, $0x8;
	v8 =	vor.u32 s6, v0  }
0x77: {  	s31 =	sand.u32 $0x7F, s7;
	v9 =	vor.u32 s6, v1;
	s6 =	spop (v2sf);
	v4 =	vld.idx.msk [tilespmem:v4+s12+$0x0], $0xffff  }
0x78: {  	v10 =	vor.u32 s31, v0;
	s7 =	spop (v2sf);
	v5 =	vld.idx.msk [tilespmem:v5+s12+$0x0], $0xffff  }
0x79: {  	v11 =	vor.u32 s31, v1;
	s5 =	sand.u32 $0x7F, s6;
	s6 =	spop (v2sf);
	(v2sf) =	vpush v2, $0x9;
	v6 =	vld.idx.msk [tilespmem:v6+s13+$0x0], $0xffff  }
0x7a: {  	v12 =	vor.u32 s5, v0;
	v7 =	vld.idx.msk [tilespmem:v7+s13+$0x0], $0xffff  }
0x7b: {  	s31 =	sand.u32 $0x7F, s7;
	v13 =	vor.u32 s5, v1;
	v8 =	vld.idx.msk [tilespmem:v8+s14+$0x0], $0xffff  }
0x7c: {  	v14 =	vor.u32 s31, v0;
	s7 =	spop (v2sf);
	(v2sf) =	vpush v3, $0x9;
	v9 =	vld.idx.msk [tilespmem:v9+s14+$0x0], $0xffff  }
0x7d: {  	v15 =	vor.u32 s31, v1;
	s5 =	sand.u32 $0x7F, s6;
	v10 =	vld.idx.msk [tilespmem:v10+s15+$0x0], $0xffff  }
0x7e: {  	v16 =	vor.u32 s5, v0;
	v11 =	vld.idx.msk [tilespmem:v11+s15+$0x0], $0xffff  }
0x7f: {  	s31 =	sand.u32 $0x7F, s7;
	v17 =	vor.u32 s5, v1;
	(v2sf) =	vpush v2, $0xA;
	v12 =	vld.idx.msk [tilespmem:v12+s16+$0x0], $0xffff  }
0x80: {  	v18 =	vor.u32 s31, v0;
	v13 =	vld.idx.msk [tilespmem:v13+s16+$0x0], $0xffff  }
0x81: {  	v19 =	vor.u32 s31, v1;
	v14 =	vld.idx.msk [tilespmem:v14+s17+$0x0], $0xffff  }
0x82: {  	v15 =	vld.idx.msk [tilespmem:v15+s17+$0x0], $0xffff  }
0x83: {  	v16 =	vld.idx.msk [tilespmem:v16+s18+$0x0], $0xffff;
	s6 =	spop (v2sf)  }
0x84: {  	v17 =	vld.idx.msk [tilespmem:v17+s18+$0x0], $0xffff;
	s5 =	sand.u32 $0xFFFFF80, s6  }
0x85: {  	(v2sf) =	vpush v3, $0xA;
	v18 =	vld.idx.msk [tilespmem:v18+s19+$0x0], $0xffff;
	s7 =	spop (v2sf);
	s5 =	sadd.s32 s1, s5  }
0x86: {  	v19 =	vld.idx.msk [tilespmem:v19+s19+$0x0], $0xffff;
	[tilespmem:s12], [sflag:$0x1] =	stream.strided.gather [hbm4b:s5+s12], $0x1000, s11, s12, $0x38  }
0x87: {  	s5 =	sand.u32 $0xFFFFF80, s7  }
0x88: {  	s5 =	sadd.s32 s2, s5;
	s31 =	spop (v2sf)  }
0x89: {  	(v2sf) =	vpush v2, $0xB;
	[tilespmem:s13], [sflag:$0x1] =	stream.strided.gather [hbm4b:s5+s12], $0x1000, s11, s12, $0x38;
	[tilespmem:$0x10600] =	vst v63  }
0x8a: {  	s5 =	sand.u32 $0xFFFFF80, s31  }
0x8b: {  	s6 =	spop (v2sf);
	(v2sf) =	vpush v3, $0xB;
	s5 =	sadd.s32 s1, s5  }
0x8c: {  	v48 =	vmul.f32 v7, v5;
	v2 =	vmul.f32 v6, v4;
	[tilespmem:s14], [sflag:$0x1] =	stream.strided.gather [hbm4b:s5+s12], $0x1000, s11, s12, $0x38;
	[tilespmem:$0x10600] =	vst v63  }
0x8d: {  	v49 =	vmul.f32 v11, v9;
	v3 =	vmul.f32 v10, v8;
	s5 =	sand.u32 $0xFFFFF80, s6  }
0x8e: {  	v2 =	vadd.f32 v48, v2;
	s7 =	spop (v2sf);
	s5 =	sadd.s32 s2, s5  }
0x8f: {  	v50 =	vmul.f32 v14, v12;
	v51 =	vmul.f32 v15, v13;
	v3 =	vadd.f32 v49, v3;
	[tilespmem:s15], [sflag:$0x1] =	stream.strided.gather [hbm4b:s5+s12], $0x1000, s11, s12, $0x38;
	[tilespmem:$0x10600] =	vst v63  }
0x90: {  	v52 =	vmul.f32 v19, v17;
	(xrf2) =	vadd.scan.msk.f32 $0xffff, v2;
	v2 =	vmul.f32 v18, v16;
	s5 =	sand.u32 $0xFFFFF80, s7  }
0x91: {  	(xrf2) =	vadd.scan.msk.f32 $0xffff, v3;
	v3 =	vadd.f32 v51, v50;
	s5 =	sadd.s32 s1, s5  }
0x92: {  	v2 =	vadd.f32 v52, v2;
	[tilespmem:s16], [sflag:$0x1] =	stream.strided.gather [hbm4b:s5+s12], $0x1000, s11, s12, $0x38;
	[tilespmem:$0x10600] =	vst v63  }
0x93: {  	(xrf2) =	vadd.scan.msk.f32 $0xffff, v3  }
0x94: {  	s31 =	spop (v2sf);
	(xrf2) =	vadd.scan.msk.f32 $0xffff, v2  }
0x95: {  	s5 =	sand.u32 $0xFFFFF80, s31  }
0x96: {  	s5 =	sadd.s32 s2, s5  }
0x97: {  	[tilespmem:s17], [sflag:$0x1] =	stream.strided.gather [hbm4b:s5+s12], $0x1000, s11, s12, $0x38;
	[tilespmem:$0x10600] =	vst v63  }
0x98: {  	s6 =	spop (v2sf)  }
0x99: {  	s5 =	sand.u32 $0xFFFFF80, s6  }
0x9a: {  	s7 =	spop (v2sf);
	s5 =	sadd.s32 s1, s5  }
0x9b: {  	v3, _, _ =	vpop (xrf2);
	[tilespmem:s18], [sflag:$0x1] =	stream.strided.gather [hbm4b:s5+s12], $0x1000, s11, s12, $0x38;
	[tilespmem:$0x10600] =	vst v63  }
0x9c: {  	v5, _, _ =	vpop (xrf2);
	s5 =	sand.u32 $0xFFFFF80, s7  }
0x9d: {  	v4, _, _ =	vpop (xrf2);
	s5 =	sadd.s32 s2, s5  }
0x9e: {  	v2, _, _ =	vpop (xrf2);
	[tilespmem:s19], [sflag:$0x1] =	stream.strided.gather [hbm4b:s5+s12], $0x1000, s11, s12, $0x38;
	[tilespmem:$0x10600] =	vst v63  }
0x9f: {  	_ =	swait.ge [sflag:s30], $0x4000  }
0xa0: {  	[sflag:s30] =	ssyncset.done $0x0  }
0xa1: {  	[sflag:s30] =	ssyncadd.s32 $0xFFFFC000  }
0xa2: {  	_ =	swait.ge [sflag:s30], $0x4000  }
0xa3: {  	[sflag:s30] =	ssyncset.done $0x0  }
0xa4: {  	[sflag:s30] =	ssyncadd.s32 $0xFFFFC000  }
0xa5: {  	v53 =	vld [tilespmem:s10+$0x0];
	_ =	sdelay $0x1  }
0xa6: {  	v54 =	vld [tilespmem:s10+$0x200];
	_ =	sdelay $0x2  }
0xa7: {  	(v2sf) =	vpush v53, $0x4;
	_ =	sdelay $0x1  }
0xa8: {  	(v2sf) =	vpush v54, $0x4;
	_ =	sdelay $0x1  }
0xa9: {  	(v2sf) =	vpush v53, $0x5;
	_ =	sdelay $0x1  }
0xaa: {  	(v2sf) =	vpush v54, $0x5  }
0xab: {  	(v2sf) =	vpush v53, $0x6  }
0xac: {  	(v2sf) =	vpush v54, $0x6  }
0xad: {  	(v2sf) =	vpush v53, $0x7;
	_ =	sdelay $0x1  }
0xae: {  	(v2sf) =	vpush v54, $0x7;
	_ =	sdelay $0x3  }
0xaf: {  	s31 =	spop (v2sf)  }
0xb0: {  	s5 =	sand.u32 $0x7F, s31  }
0xb1: {  	s6 =	spop (v2sf);
	v55 =	vor.u32 s5, v0  }
0xb2: {  	s31 =	sand.u32 $0x7F, s6;
	v56 =	vor.u32 s5, v1  }
0xb3: {  	s7 =	spop (v2sf);
	(v2sf) =	vpush v53, $0xC;
	v57 =	vor.u32 s31, v0  }
0xb4: {  	v58 =	vor.u32 s31, v1;
	s5 =	sand.u32 $0x7F, s7  }
0xb5: {  	s6 =	spop (v2sf);
	(v2sf) =	vpush v54, $0xC;
	v59 =	vor.u32 s5, v0  }
0xb6: {  	s31 =	sand.u32 $0x7F, s6;
	v60 =	vor.u32 s5, v1;
	s7 =	spop (v2sf);
	v8 =	vld.idx.msk [tilespmem:v55+s20+$0x0], $0xffff  }
0xb7: {  	v61 =	vor.u32 s31, v0;
	s6 =	spop (v2sf);
	v9 =	vld.idx.msk [tilespmem:v56+s20+$0x0], $0xffff  }
0xb8: {  	v62 =	vor.u32 s31, v1;
	s5 =	sand.u32 $0x7F, s7;
	s7 =	spop (v2sf);
	(v2sf) =	vpush v53, $0xD;
	v10 =	vld.idx.msk [tilespmem:v57+s21+$0x0], $0xffff  }
0xb9: {  	v63 =	vor.u32 s5, v0;
	v11 =	vld.idx.msk [tilespmem:v58+s21+$0x0], $0xffff  }
0xba: {  	s31 =	sand.u32 $0x7F, s6;
	v24 =	vor.u32 s5, v1;
	s6 =	spop (v2sf);
	(v2sf) =	vpush v54, $0xD;
	v12 =	vld.idx.msk [tilespmem:v59+s22+$0x0], $0xffff  }
0xbb: {  	v25 =	vor.u32 s31, v0;
	v13 =	vld.idx.msk [tilespmem:v60+s22+$0x0], $0xffff  }
0xbc: {  	v26 =	vor.u32 s31, v1;
	s5 =	sand.u32 $0x7F, s7;
	v14 =	vld.idx.msk [tilespmem:v61+s23+$0x0], $0xffff  }
0xbd: {  	v20 =	vor.u32 s5, v0;
	v15 =	vld.idx.msk [tilespmem:v62+s23+$0x0], $0xffff  }
0xbe: {  	s31 =	sand.u32 $0x7F, s6;
	v21 =	vor.u32 s5, v1;
	v16 =	vld.idx.msk [tilespmem:v63+s24+$0x0], $0xffff  }
0xbf: {  	(v2sf) =	vpush v53, $0xE;
	v22 =	vor.u32 s31, v0;
	v17 =	vld.idx.msk [tilespmem:v24+s24+$0x0], $0xffff  }
0xc0: {  	v23 =	vor.u32 s31, v1;
	v18 =	vld.idx.msk [tilespmem:v25+s25+$0x0], $0xffff  }
0xc1: {  	v19 =	vld.idx.msk [tilespmem:v26+s25+$0x0], $0xffff  }
0xc2: {  	(v2sf) =	vpush v54, $0xE;
	v20 =	vld.idx.msk [tilespmem:v20+s26+$0x0], $0xffff;
	s7 =	spop (v2sf)  }
0xc3: {  	v21 =	vld.idx.msk [tilespmem:v21+s26+$0x0], $0xffff;
	s5 =	sand.u32 $0xFFFFF80, s7  }
0xc4: {  	v22 =	vld.idx.msk [tilespmem:v22+s28+$0x0], $0xffff;
	s31 =	spop (v2sf);
	s5 =	sadd.s32 s1, s5  }
0xc5: {  	v23 =	vld.idx.msk [tilespmem:v23+s28+$0x0], $0xffff;
	[tilespmem:s20], [sflag:$0x2] =	stream.strided.gather [hbm4b:s5+s12], $0x1000, s11, s12, $0x38  }
0xc6: {  	s5 =	sand.u32 $0xFFFFF80, s31  }
0xc7: {  	s5 =	sadd.s32 s2, s5;
	s6 =	spop (v2sf);
	(v2sf) =	vpush v53, $0xF  }
0xc8: {  	[tilespmem:s21], [sflag:$0x2] =	stream.strided.gather [hbm4b:s5+s12], $0x1000, s11, s12, $0x38;
	[tilespmem:$0x10600] =	vst v63  }
0xc9: {  	v27 =	vmul.f32 v10, v8;
	v28 =	vmul.f32 v11, v9;
	s7 =	spop (v2sf);
	(v2sf) =	vpush v54, $0xF  }
0xca: {  	v29 =	vmul.f32 v14, v12;
	v30 =	vmul.f32 v15, v13;
	s5 =	sand.u32 $0xFFFFF80, s6  }
0xcb: {  	v6 =	vadd.f32 v28, v27;
	s5 =	sadd.s32 s1, s5  }
0xcc: {  	v7 =	vadd.f32 v30, v29;
	v31 =	vmul.f32 v18, v16;
	v32 =	vmul.f32 v19, v17;
	[tilespmem:s22], [sflag:$0x2] =	stream.strided.gather [hbm4b:s5+s12], $0x1000, s11, s12, $0x38;
	[tilespmem:$0x10600] =	vst v63  }
0xcd: {  	(xrf2) =	vadd.scan.msk.f32 $0xffff, v6;
	v33 =	vmul.f32 v22, v20;
	v34 =	vmul.f32 v23, v21;
	s5 =	sand.u32 $0xFFFFF80, s7  }
0xce: {  	(xrf2) =	vadd.scan.msk.f32 $0xffff, v7;
	v35 =	vadd.f32 v32, v31;
	s31 =	spop (v2sf);
	s5 =	sadd.s32 s2, s5  }
0xcf: {  	v6 =	vadd.f32 v34, v33;
	[tilespmem:s23], [sflag:$0x2] =	stream.strided.gather [hbm4b:s5+s12], $0x1000, s11, s12, $0x38;
	[tilespmem:$0x10600] =	vst v63  }
0xd0: {  	(xrf2) =	vadd.scan.msk.f32 $0xffff, v35;
	s5 =	sand.u32 $0xFFFFF80, s31  }
0xd1: {  	(xrf2) =	vadd.scan.msk.f32 $0xffff, v6;
	s6 =	spop (v2sf);
	s5 =	sadd.s32 s1, s5  }
0xd2: {  	[tilespmem:s24], [sflag:$0x2] =	stream.strided.gather [hbm4b:s5+s12], $0x1000, s11, s12, $0x38;
	[tilespmem:$0x10600] =	vst v63  }
0xd3: {  	s5 =	sand.u32 $0xFFFFF80, s6  }
0xd4: {  	s5 =	sadd.s32 s2, s5  }
0xd5: {  	[tilespmem:s25], [sflag:$0x2] =	stream.strided.gather [hbm4b:s5+s12], $0x1000, s11, s12, $0x38;
	[tilespmem:$0x10600] =	vst v63  }
0xd6: {  	s7 =	spop (v2sf)  }
0xd7: {  	s5 =	sand.u32 $0xFFFFF80, s7  }
0xd8: {  	s31 =	spop (v2sf);
	s5 =	sadd.s32 s1, s5  }
0xd9: {  	v8, _, _ =	vpop (xrf2);
	[tilespmem:s26], [sflag:$0x2] =	stream.strided.gather [hbm4b:s5+s12], $0x1000, s11, s12, $0x38;
	[tilespmem:$0x10600] =	vst v63  }
0xda: {  	v9, _, _ =	vpop (xrf2);
	s5 =	sand.u32 $0xFFFFF80, s31  }
0xdb: {  	v6, _, _ =	vpop (xrf2);
	s5 =	sadd.s32 s2, s5  }
0xdc: {  	v7, _, _ =	vpop (xrf2);
	[tilespmem:s28], [sflag:$0x2] =	stream.strided.gather [hbm4b:s5+s12], $0x1000, s11, s12, $0x38;
	[tilespmem:$0x10600] =	vst v63  }
0xdd: {  	_ =	swait.ge [sflag:s29], $0x4000  }
0xde: {  	[sflag:s29] =	ssyncset.done $0x0  }
0xdf: {  	[sflag:s29] =	ssyncadd.s32 $0xFFFFC000  }
0xe0: {  	_ =	swait.ge [sflag:s29], $0x4000  }
0xe1: {  	[sflag:s29] =	ssyncset.done $0x0  }
0xe2: {  	[sflag:s29] =	ssyncadd.s32 $0xFFFFC000  }
0xe3: {  	v36 =	vld [tilespmem:s10+$0x0];
	_ =	sdelay $0x1  }
0xe4: {  	v37 =	vld [tilespmem:s10+$0x200];
	_ =	sdelay $0x2  }
0xe5: {  	(v2sf) =	vpush v36, $0x8;
	_ =	sdelay $0x1  }
0xe6: {  	(v2sf) =	vpush v37, $0x8;
	_ =	sdelay $0x1  }
0xe7: {  	(v2sf) =	vpush v36, $0x9;
	_ =	sdelay $0x1  }
0xe8: {  	(v2sf) =	vpush v37, $0x9;
	_ =	sdelay $0x1  }
0xe9: {  	(v2sf) =	vpush v36, $0xA;
	_ =	sdelay $0x1  }
0xea: {  	(v2sf) =	vpush v37, $0xA;
	_ =	sdelay $0x1  }
0xeb: {  	p0 =	seq.s32 s3, $0x7C0;
	(v2sf) =	vpush v36, $0xB  }
0xec: {  	s5 =	sshra.s32 @!p0 s3, $0x2  }
0xed: {  	v10 =	vld @!p0 [tilespmem:s5+$0x10];
	(v2sf) =	vpush v37, $0xB  }
0xee: {  	s6 =	spop (v2sf)  }
0xef: {  	s31 =	sand.u32 $0x7F, s6  }
0xf0: {  	s6 =	spop (v2sf);
	v38 =	vor.u32 s31, v0  }
0xf1: {  	v14 =	vld @!p0 [tilespmem:s5+$0x210];
	s6 =	sand.u32 $0x7F, s6;
	v39 =	vor.u32 s31, v1  }
0xf2: {  	(v2sf) =	vpush @!p0 v10, $0x0;
	s7 =	spop (v2sf);
	v40 =	vor.u32 s6, v0  }
0xf3: {  	v41 =	vor.u32 s6, v1;
	s7 =	sand.u32 $0x7F, s7  }
0xf4: {  	s31 =	spop (v2sf);
	v42 =	vor.u32 s7, v0  }
0xf5: {  	s6 =	sand.u32 $0x7F, s31;
	v43 =	vor.u32 s7, v1;
	v11 =	vld.idx.msk [tilespmem:v38+s12+$0x0], $0xffff  }
0xf6: {  	(v2sf) =	vpush @!p0 v14, $0x0;
	s7 =	spop (v2sf);
	v44 =	vor.u32 s6, v0;
	v12 =	vld.idx.msk [tilespmem:v39+s12+$0x0], $0xffff  }
0xf7: {  	v45 =	vor.u32 s6, v1;
	s5 =	sand.u32 $0x7F, s7;
	v13 =	vld.idx.msk [tilespmem:v40+s13+$0x0], $0xffff  }
0xf8: {  	s31 =	spop (v2sf);
	v46 =	vor.u32 s5, v0;
	v15 =	vld.idx.msk [tilespmem:v41+s13+$0x0], $0xffff  }
0xf9: {  	s6 =	sand.u32 $0x7F, s31;
	v47 =	vor.u32 s5, v1;
	v16 =	vld.idx.msk [tilespmem:v42+s14+$0x0], $0xffff  }
0xfa: {  	(v2sf) =	vpush @!p0 v10, $0x1;
	s7 =	spop (v2sf);
	v48 =	vor.u32 s6, v0;
	v17 =	vld.idx.msk [tilespmem:v43+s14+$0x0], $0xffff  }
0xfb: {  	v49 =	vor.u32 s6, v1;
	s5 =	sand.u32 $0x7F, s7;
	v18 =	vld.idx.msk [tilespmem:v44+s15+$0x0], $0xffff  }
0xfc: {  	s31 =	spop (v2sf);
	v24 =	vor.u32 s5, v0;
	v19 =	vld.idx.msk [tilespmem:v45+s15+$0x0], $0xffff  }
0xfd: {  	s6 =	sand.u32 $0x7F, s31;
	v25 =	vor.u32 s5, v1;
	v20 =	vld.idx.msk [tilespmem:v46+s16+$0x0], $0xffff  }
0xfe: {  	(v2sf) =	vpush @!p0 v14, $0x1;
	v26 =	vor.u32 s6, v0;
	v21 =	vld.idx.msk [tilespmem:v47+s16+$0x0], $0xffff  }
0xff: {  	v27 =	vor.u32 s6, v1;
	v22 =	vld.idx.msk [tilespmem:v48+s17+$0x0], $0xffff  }
0x100: {  	v23 =	vld.idx.msk [tilespmem:v49+s17+$0x0], $0xffff  }
0x101: {  	v24 =	vld.idx.msk [tilespmem:v24+s18+$0x0], $0xffff;
	s5 =	spop @!p0 (v2sf)  }
0x102: {  	v25 =	vld.idx.msk [tilespmem:v25+s18+$0x0], $0xffff;
	(v2sf) =	vpush @!p0 v10, $0x2;
	s5 =	sand.u32 @!p0 $0xFFFFF80, s5  }
0x103: {  	s31 =	simm.s32 @!p0 $0x400;
	s6 =	simm.s32 @!p0 $0x7A1400;
	v26 =	vld.idx.msk [tilespmem:v26+s19+$0x0], $0xffff;
	s5 =	sadd.s32 @!p0 s1, s5  }
0x104: {  	v27 =	vld.idx.msk [tilespmem:v27+s19+$0x0], $0xffff;
	[tilespmem:s31], [sflag:$0x1] =	stream.strided.gather @!p0 [hbm4b:s5+s31], $0x1000, s6, s31, $0x38  }
0x105: {  	s5 =	spop @!p0 (v2sf)  }
0x106: {  	(v2sf) =	vpush @!p0 v14, $0x2;
	s5 =	sand.u32 @!p0 $0xFFFFF80, s5  }
0x107: {  	s7 =	simm.s32 @!p0 $0x8400;
	s5 =	sadd.s32 @!p0 s2, s5  }
0x108: {  	[tilespmem:s7], [sflag:$0x1] =	stream.strided.gather @!p0 [hbm4b:s5+s31], $0x1000, s6, s31, $0x38;
	[tilespmem:$0x10600] =	vst v63  }
0x109: {  	s5 =	spop @!p0 (v2sf)  }
0x10a: {  	(v2sf) =	vpush @!p0 v10, $0x3;
	s5 =	sand.u32 @!p0 $0xFFFFF80, s5  }
0x10b: {  	s7 =	simm.s32 @!p0 $0x1400;
	s5 =	sadd.s32 @!p0 s1, s5  }
0x10c: {  	[tilespmem:s7], [sflag:$0x1] =	stream.strided.gather @!p0 [hbm4b:s5+s31], $0x1000, s6, s31, $0x38;
	[tilespmem:$0x10600] =	vst v63  }
0x10d: {  	s5 =	spop @!p0 (v2sf)  }
0x10e: {  	v50 =	vmul.f32 v13, v11;
	v51 =	vmul.f32 v15, v12;
	(v2sf) =	vpush @!p0 v14, $0x3;
	s5 =	sand.u32 @!p0 $0xFFFFF80, s5  }
0x10f: {  	v52 =	vmul.f32 v18, v16;
	v53 =	vmul.f32 v19, v17;
	s7 =	simm.s32 @!p0 $0x9400;
	s5 =	sadd.s32 @!p0 s2, s5  }
0x110: {  	v10 =	vadd.f32 v51, v50;
	[tilespmem:s7], [sflag:$0x1] =	stream.strided.gather @!p0 [hbm4b:s5+s31], $0x1000, s6, s31, $0x38;
	[tilespmem:$0x10600] =	vst v63  }
0x111: {  	v54 =	vadd.f32 v53, v52;
	v55 =	vmul.f32 v22, v20;
	v56 =	vmul.f32 v23, v21;
	s5 =	spop @!p0 (v2sf)  }
0x112: {  	v57 =	vmul.f32 v26, v24;
	v58 =	vmul.f32 v27, v25;
	(xrf2) =	vadd.scan.msk.f32 $0xffff, v10;
	s5 =	sand.u32 @!p0 $0xFFFFF80, s5  }
0x113: {  	v59 =	vadd.f32 v56, v55;
	(xrf2) =	vadd.scan.msk.f32 $0xffff, v54;
	s7 =	simm.s32 @!p0 $0x2400;
	s5 =	sadd.s32 @!p0 s1, s5  }
0x114: {  	v10 =	vadd.f32 v58, v57;
	[tilespmem:s7], [sflag:$0x1] =	stream.strided.gather @!p0 [hbm4b:s5+s31], $0x1000, s6, s31, $0x38;
	[tilespmem:$0x10600] =	vst v63  }
0x115: {  	(xrf2) =	vadd.scan.msk.f32 $0xffff, v59;
	s5 =	spop @!p0 (v2sf)  }
0x116: {  	(xrf2) =	vadd.scan.msk.f32 $0xffff, v10;
	s5 =	sand.u32 @!p0 $0xFFFFF80, s5  }
0x117: {  	s7 =	simm.s32 @!p0 $0xA400;
	s5 =	sadd.s32 @!p0 s2, s5  }
0x118: {  	[tilespmem:s7], [sflag:$0x1] =	stream.strided.gather @!p0 [hbm4b:s5+s31], $0x1000, s6, s31, $0x38;
	[tilespmem:$0x10600] =	vst v63  }
0x119: {  	s5 =	spop @!p0 (v2sf)  }
0x11a: {  	s5 =	sand.u32 @!p0 $0xFFFFF80, s5  }
0x11b: {  	s7 =	simm.s32 @!p0 $0x3400;
	s5 =	sadd.s32 @!p0 s1, s5  }
0x11c: {  	[tilespmem:s7], [sflag:$0x1] =	stream.strided.gather @!p0 [hbm4b:s5+s31], $0x1000, s6, s31, $0x38;
	[tilespmem:$0x10600] =	vst v63  }
0x11d: {  	v60, _, _ =	vpop (xrf2);
	s5 =	spop @!p0 (v2sf)  }
0x11e: {  	v61, _, _ =	vpop (xrf2);
	s5 =	sand.u32 @!p0 $0xFFFFF80, s5  }
0x11f: {  	v62, _, _ =	vpop (xrf2);
	s7 =	simm.s32 @!p0 $0xB400;
	s5 =	sadd.s32 @!p0 s2, s5  }
0x120: {  	v63, _, _ =	vpop (xrf2);
	[tilespmem:s7], [sflag:$0x1] =	stream.strided.gather @!p0 [hbm4b:s5+s31], $0x1000, s6, s31, $0x38;
	[tilespmem:$0x10600] =	vst v63  }
0x121: {  	_ =	swait.ge [sflag:s30], $0x4000  }
0x122: {  	[sflag:s30] =	ssyncset.done $0x0  }
0x123: {  	[sflag:s30] =	ssyncadd.s32 $0xFFFFC000  }
0x124: {  	_ =	swait.ge [sflag:s30], $0x4000  }
0x125: {  	[sflag:s30] =	ssyncset.done $0x0  }
0x126: {  	[sflag:s30] =	ssyncadd.s32 $0xFFFFC000  }
0x127: {  	v30 =	vld [tilespmem:s10+$0x0];
	_ =	sdelay $0x1  }
0x128: {  	v31 =	vld [tilespmem:s10+$0x200];
	_ =	sdelay $0x2  }
0x129: {  	(v2sf) =	vpush v30, $0xC;
	_ =	sdelay $0x1  }
0x12a: {  	(v2sf) =	vpush v31, $0xC;
	_ =	sdelay $0x1  }
0x12b: {  	(v2sf) =	vpush v30, $0xD;
	_ =	sdelay $0x1  }
0x12c: {  	(v2sf) =	vpush v31, $0xD;
	_ =	sdelay $0x1  }
0x12d: {  	(v2sf) =	vpush v30, $0xE;
	_ =	sdelay $0x1  }
0x12e: {  	(v2sf) =	vpush v31, $0xE;
	_ =	sdelay $0x1  }
0x12f: {  	(v2sf) =	vpush v30, $0xF;
	_ =	sdelay $0x1  }
0x130: {  	(v2sf) =	vpush v31, $0xF  }
0x131: {  	s7 =	spop (v2sf)  }
0x132: {  	s5 =	sand.u32 $0x7F, s7  }
0x133: {  	s31 =	spop (v2sf);
	v32 =	vor.u32 s5, v0  }
0x134: {  	s6 =	sand.u32 $0x7F, s31;
	v33 =	vor.u32 s5, v1  }
0x135: {  	s7 =	spop (v2sf);
	v34 =	vor.u32 s6, v0  }
0x136: {  	v35 =	vor.u32 s6, v1;
	s5 =	sand.u32 $0x7F, s7  }
0x137: {  	s31 =	spop (v2sf);
	v36 =	vor.u32 s5, v0  }
0x138: {  	s6 =	sand.u32 $0x7F, s31;
	v37 =	vor.u32 s5, v1;
	v14 =	vld.idx.msk [tilespmem:v32+s20+$0x0], $0xffff  }
0x139: {  	s7 =	spop (v2sf);
	v38 =	vor.u32 s6, v0;
	v15 =	vld.idx.msk [tilespmem:v33+s20+$0x0], $0xffff  }
0x13a: {  	v39 =	vor.u32 s6, v1;
	s5 =	sand.u32 $0x7F, s7;
	v16 =	vld.idx.msk [tilespmem:v34+s21+$0x0], $0xffff  }
0x13b: {  	s31 =	spop (v2sf);
	v40 =	vor.u32 s5, v0;
	v17 =	vld.idx.msk [tilespmem:v35+s21+$0x0], $0xffff  }
0x13c: {  	s6 =	sand.u32 $0x7F, s31;
	v41 =	vor.u32 s5, v1;
	v18 =	vld.idx.msk [tilespmem:v36+s22+$0x0], $0xffff  }
0x13d: {  	s7 =	spop (v2sf);
	v42 =	vor.u32 s6, v0;
	v19 =	vld.idx.msk [tilespmem:v37+s22+$0x0], $0xffff  }
0x13e: {  	v43 =	vor.u32 s6, v1;
	s5 =	sand.u32 $0x7F, s7;
	v20 =	vld.idx.msk [tilespmem:v38+s23+$0x0], $0xffff  }
0x13f: {  	s31 =	spop (v2sf);
	v44 =	vor.u32 s5, v0;
	v21 =	vld.idx.msk [tilespmem:v39+s23+$0x0], $0xffff  }
0x140: {  	s6 =	sand.u32 $0x7F, s31;
	v28 =	vor.u32 s5, v1;
	v22 =	vld.idx.msk [tilespmem:v40+s24+$0x0], $0xffff  }
0x141: {  	v45 =	vor.u32 s6, v0;
	v23 =	vld.idx.msk [tilespmem:v41+s24+$0x0], $0xffff  }
0x142: {  	v29 =	vor.u32 s6, v1;
	v24 =	vld.idx.msk [tilespmem:v42+s25+$0x0], $0xffff  }
0x143: {  	v25 =	vld.idx.msk [tilespmem:v43+s25+$0x0], $0xffff  }
0x144: {  	v26 =	vld.idx.msk [tilespmem:v44+s26+$0x0], $0xffff  }
0x145: {  	v28 =	vld.idx.msk [tilespmem:v28+s26+$0x0], $0xffff  }
0x146: {  	v14 =	vmul.f32 v16, v14;
	v15 =	vmul.f32 v17, v15;
	v27 =	vld.idx.msk [tilespmem:v45+s28+$0x0], $0xffff  }
0x147: {  	v46 =	vld.idx.msk [tilespmem:v29+s28+$0x0], $0xffff;
	v47 =	vmul.f32 v20, v18;
	v48 =	vmul.f32 v21, v19  }
0x148: {  	v14 =	vadd.f32 v15, v14  }
0x149: {  	v49 =	vmul.f32 v24, v22;
	v50 =	vmul.f32 v25, v23;
	v17 =	vadd.f32 v48, v47  }
0x14a: {  	v3 =	vbroadcast v3, $0xF;
	v5 =	vbroadcast v5, $0xF;
	(xrf2) =	vadd.scan.msk.f32 $0xffff, v14  }
0x14b: {  	v4 =	vbroadcast v4, $0xF;
	v2 =	vbroadcast v2, $0xF;
	v52 =	vadd.f32 v50, v49;
	(xrf2) =	vadd.scan.msk.f32 $0xffff, v17  }
0x14c: {  	v3 =	vsel vm0, v3, v5;
	v51 =	vmul.f32 v27, v26;
	v53 =	vmul.f32 v46, v28  }
0x14d: {  	v3 =	vsel vm1, v3, v4;
	v55 =	vbroadcast v8, $0xF;
	(xrf2) =	vadd.scan.msk.f32 $0xffff, v52  }
0x14e: {  	v2 =	vsel vm2, v3, v2;
	v3 =	vbroadcast v9, $0xF;
	v54 =	vadd.f32 v53, v51  }
0x14f: {  	v56 =	vbroadcast v6, $0xF;
	v2 =	vsel vm3, v2, v55  }
0x150: {  	v2 =	vsel vm4, v2, v3;
	v3 =	vbroadcast v7, $0xF;
	(xrf2) =	vadd.scan.msk.f32 $0xffff, v54  }
0x151: {  	v2 =	vsel vm5, v2, v56;
	v57 =	vbroadcast v60, $0xF  }
0x152: {  	v2 =	vsel vm6, v2, v3;
	v3 =	vbroadcast v61, $0xF  }
0x153: {  	v2 =	vsel vm7, v2, v57;
	v58 =	vbroadcast v62, $0xF  }
0x154: {  	v2 =	vsel vm8, v2, v3;
	v3 =	vbroadcast v63, $0xF;
	v59, _, _ =	vpop (xrf2)  }
0x155: {  	v2 =	vsel vm9, v2, v58;
	v60, _, _ =	vpop (xrf2)  }
0x156: {  	s3 =	sadd.s32 $0x40, s3;
	v2 =	vsel vm10, v2, v3;
	v61 =	vbroadcast v59, $0xF;
	v3 =	vbroadcast v60, $0xF  }
0x157: {  	p0 =	sne.s32 s3, $0x800;
	v62, _, _ =	vpop (xrf2)  }
.Ltmp0:
0x158: {  	v2 =	vsel vm11, v61, v2;
	v63 =	vbroadcast v62, $0xF;
	(pc) =	sbr.rel @p0 .LBB2_2-.Ltmp0, $4  }
0x159: {  	v2 =	vsel vm12, v2, v3  }
0x15a: {  	v2 =	vsel vm13, v2, v63;
	v3, _, _ =	vpop (xrf2)  }
0x15b: {  	v2 =	vsel vm14, v2, v3  }
0x15c: {  	[tilespmem:s10+$0x10400] =	vst v2  }
0x15d: {  	s0 =	sadd.s32 $0x1, s0  }
0x15e: {  	p0 =	sne.s32 s0, s8  }
.Ltmp1:
0x15f: {  	s3 =	rddreg [dreg:$0x8];
	s5 =	simm.s32 $0x10400;
	(pc) =	sbr.rel @p0 .LBB2_1-.Ltmp1, $4  }
0x160: {  	[hbm4b:s3+s4] =	stream.linear.scatter [tilespmem:s5], [sflag:$0x3], $0x200, $0x38;
	[tilespmem:$0x10600] =	vst v63  }
0x161: {  	_ =	swait.ge [sflag:s9], $0x200  }
0x162: {  	[sflag:s9] =	ssyncset.done $0x0  }
0x163: {  	[sflag:s9] =	ssyncadd.s32 $0xFFFFFE00  }
0x164: {  	_ =	sfence.sel $0x180000  }
0x165: {  	[bflag:$0x0] =	sbarrier.arrive $0xFFFF  }
0x166: {  	_ =	strace $0x90000047  }
0x167: {  	s0 =	stileid.u32;
	[bflag:$0x2] =	sbarrier.arrive $0xFFFF  }
0x168: {  	p0 =	sne.s32 s0, $0x0;
	s0 =	rddreg [dreg:$0x5]  }
0x169: {  	s0 =	sadd.s32 @!p0 $0x100000, s0  }
0x16a: {  	[sflag:s0] =	ssyncadd.tile.s32 @!p0 $0x1;
	_ =	shalt  }
.Lfunc_end2:
_tile_overlayer_lowered:
.L_overlay_start_2:
0x16b: {  	(tag) =	ssettag $0x2  }
0x16c: {  	s0 =	rddreg [dreg:$0x0];
	s2 =	stileid.u32  }
0x16d: {  	s1 =	rddreg [dreg:$0x1];
	p0 =	sne.s32 s2, $0x0  }
0x16e: {  	s3 =	rddreg [dreg:$0x2];
	[bflag:$0x3] =	sbarrier.arrive $0xFFFF;
	s2 =	simm.s32 @!p0 $0x1C03  }
0x16f: {  	[timem:s3], [sflag:s2] =	dma.local @!p0 [hbm:s0], s1  }
0x170: {  	s0 =	simm.s32 @!p0 $0x3  }
0x171: {  	_ =	swait.ge @!p0 [sflag:s0], s1  }
0x172: {  	s1 =	ssub.s32 @!p0 $0x0, s1;
	[sflag:s0] =	ssyncset.done @!p0 $0x0  }
0x173: {  	[sflag:s0] =	ssyncadd.s32 @!p0 s1  }
0x174: {  	[bflag:$0x3] =	sbarrier.arrive $0xFFFF  }
0x175: {  	_ =	shalt  }

// kernel: kernel.7.cloned.1.call-start
scs
__scs_entry_jumppad:
0x0: {  	(pc) =	sbr.rel $0x88, $3  }
0x1: {  	(tag) =	ssettag $0x0;
	lr =	simm.s32 $0x1  }
0x2: {  	[smem:$0x3F9A] =	sst lr;
	_ =	strace $0xD0000000  }
0x3: {  	_ = 	snop  }
0x4: {  	_ = 	snop  }
0x5: {  	_ = 	snop  }
0x6: {  	_ = 	snop  }
0x7: {  	_ = 	snop  }
__scs_overlays_trampoline_lowered:
0x8: {  	[smem:$0x3FA9] =	sst s0  }
0x9: {  	[smem:$0x3FAA] =	sst s1  }
0xa: {  	[smem:$0x3FAB] =	sst s2  }
0xb: {  	[smem:$0x3FAC] =	sst s3  }
0xc: {  	[smem:$0x3FAD] =	sst s4  }
0xd: {  	[smem:$0x3FAE] =	sst s5  }
0xe: {  	[smem:$0x3FAF] =	sst s6  }
0xf: {  	[smem:$0x3FB0] =	sst s7  }
0x10: {  	[smem:$0x3FB1] =	sst s8  }
0x11: {  	[smem:$0x3FB2] =	sst s9;
	s0 =	simm.s32 @!p0 $0x0  }
0x12: {  	s1 =	sld [smem:$0x3F98];
	s0 =	simm.s32 @p0 $0x1  }
0x13: {  	[smem:$0x3FB3] =	sst s0;
	s0 =	simm.s32 @!p1 $0x0  }
0x14: {  	s2 =	sld [smem:$0x3F97];
	s0 =	simm.s32 @p1 $0x1  }
0x15: {  	[smem:$0x3FB4] =	sst s0;
	s0 =	simm.s32 @!p2 $0x0  }
0x16: {  	s3 =	sld [smem:$0x3FDB];
	s0 =	simm.s32 @p2 $0x1  }
0x17: {  	s4 =	simm.s32 $0x1BF5;
	[smem:$0x3FB6] =	sst s0  }
0x18: {  	s0 =	sld [smem:$0x3F99];
	_ =	swait.ge [sflag:s4], $0x0  }
0x19: {  	s7 =	sld [smem:$0x3F9A]  }
0x1a: {  	s8 =	sadd.s32 $0xFFFFE003, lr  }
0x1b: {  	s9 =	sadd.s32 $0xFFFFFEF7, lr;
	s5 =	simm.s32 $0xFFFFFFFF;
	p2 =	slt.u32 s8, $0xFFFFF086  }
0x1c: {  	p1 =	slt.u32 s9, $0xF7A;
	s5 =	simm.s32 @!p2 $0x0  }
0x1d: {  	s5 =	simm.s32 @p1 $0x1;
	p0 =	seq.s32 s7, s2  }
0x1e: {  	s7 =	smul.u32 @!p0 $0xF7A, s2;
	p2 =	seq.s32 @!p0 s5, $0x0  }
0x1f: {  	s9 =	smul.u32 $0xF7A, s1;
	s8 =	simm.s32 @!p0 $0x1BF5;
	p2 =	por !p2, p0  }
0x20: {  	[sflag:s8] =	ssyncset.s32 @!p0 $0xFFFFF086;
	s6 =	sadd.s32 @!p0 s3, s7;
	s7 =	simm.s32 @!p0 $0x108  }
0x21: {  	s3 =	sadd.s32 s3, s9;
	s6 =	sadd.s32 @!p0 $0x88, s6;
	s7 =	simm.s32 @p2 $0x1082  }
0x22: {  	[simem:s7], [sflag:s8] =	dma.local @!p0 [hbm:s6], $0xF7A  }
0x23: {  	s9 =	sor.u32 $0xD0000000, s2;
	s6 =	simm.s32 $0x108;
	_ =	swait.ge @!p0 [sflag:s8], $0x0  }
0x24: {  	s3 =	sadd.s32 $0x88, s3;
	s6 =	simm.s32 @!p1 $0x1082;
	[sflag:s4] =	ssyncset.s32 $0xFFFFF086  }
0x25: {  	[simem:s6], [sflag:s4] =	dma.local [hbm:s3], $0xF7A  }
0x26: {  	[smem:$0x3F9A] =	sst s1;
	(tag) =	ssettag s2;
	_ =	strace s9  }
0x27: {  	s1 =	sld [smem:$0x3FAA]  }
0x28: {  	s2 =	sld [smem:$0x3FAB]  }
0x29: {  	s4 =	sld [smem:$0x3FAD]  }
0x2a: {  	p0 =	seq.s32 s5, $0x0;
	s5 =	sld [smem:$0x3FAE]  }
0x2b: {  	s6 =	sld [smem:$0x3FAF]  }
0x2c: {  	s7 =	sld [smem:$0x3FB0]  }
0x2d: {  	s3 =	simm.s32 $0x108;
	s8 =	sld [smem:$0x3FB1]  }
0x2e: {  	s3 =	simm.s32 @!p0 $0x1082;
	s9 =	sld [smem:$0x3FB2]  }
0x2f: {  	lr =	sadd.s32 s0, s3;
	s0 =	sld [smem:$0x3FA9]  }
0x30: {  	s3 =	sld [smem:$0x3FAC]  }
0x31: {  	[smem:$0x3FB5] =	sst s10  }
0x32: {  	s10 =	sld [smem:$0x3FB3];
	_ =	sdelay $0x3  }
0x33: {  	p0 =	seq.s32 s10, $0x1;
	s10 =	sld [smem:$0x3FB5];
	_ =	sdelay $0x3  }
0x34: {  	[smem:$0x3FB5] =	sst s10  }
0x35: {  	s10 =	sld [smem:$0x3FB4];
	_ =	sdelay $0x3  }
0x36: {  	p1 =	seq.s32 s10, $0x1;
	s10 =	sld [smem:$0x3FB5];
	_ =	sdelay $0x3  }
0x37: {  	[smem:$0x3FB5] =	sst s10  }
0x38: {  	s10 =	sld [smem:$0x3FB6]  }
0x39: {  	_ = 	snop;
	(pc) =	sbr.ind lr, $3  }
0x3a: {  	_ = 	snop  }
0x3b: {  	_ = 	snop  }
0x3c: {  	p2 =	seq.s32 s10, $0x1;
	s10 =	sld [smem:$0x3FB5]  }
0x3d: {  	_ =	shalt  }
0x3e: {  	_ =	shalt  }
0x3f: {  	_ =	shalt  }
0x40: {  	_ =	shalt  }
0x41: {  	_ =	shalt  }
0x42: {  	_ =	shalt  }
0x43: {  	_ =	shalt  }
0x44: {  	_ =	shalt  }
0x45: {  	_ =	shalt  }
0x46: {  	_ =	shalt  }
0x47: {  	_ =	shalt  }
0x48: {  	_ =	shalt  }
0x49: {  	_ =	shalt  }
0x4a: {  	_ =	shalt  }
0x4b: {  	_ =	shalt  }
0x4c: {  	_ =	shalt  }
0x4d: {  	_ =	shalt  }
0x4e: {  	_ =	shalt  }
0x4f: {  	_ =	shalt  }
0x50: {  	_ =	shalt  }
0x51: {  	_ =	shalt  }
0x52: {  	_ =	shalt  }
0x53: {  	_ =	shalt  }
0x54: {  	_ =	shalt  }
0x55: {  	_ =	shalt  }
0x56: {  	_ =	shalt  }
0x57: {  	_ =	shalt  }
0x58: {  	_ =	shalt  }
0x59: {  	_ =	shalt  }
0x5a: {  	_ =	shalt  }
0x5b: {  	_ =	shalt  }
0x5c: {  	_ =	shalt  }
0x5d: {  	_ =	shalt  }
0x5e: {  	_ =	shalt  }
0x5f: {  	_ =	shalt  }
0x60: {  	_ =	shalt  }
0x61: {  	_ =	shalt  }
0x62: {  	_ =	shalt  }
0x63: {  	_ =	shalt  }
0x64: {  	_ =	shalt  }
0x65: {  	_ =	shalt  }
0x66: {  	_ =	shalt  }
0x67: {  	_ =	shalt  }
0x68: {  	_ =	shalt  }
0x69: {  	_ =	shalt  }
0x6a: {  	_ =	shalt  }
0x6b: {  	_ =	shalt  }
0x6c: {  	_ =	shalt  }
0x6d: {  	_ =	shalt  }
0x6e: {  	_ =	shalt  }
0x6f: {  	_ =	shalt  }
0x70: {  	_ =	shalt  }
0x71: {  	_ =	shalt  }
0x72: {  	_ =	shalt  }
0x73: {  	_ =	shalt  }
0x74: {  	_ =	shalt  }
0x75: {  	_ =	shalt  }
0x76: {  	_ =	shalt  }
0x77: {  	_ =	shalt  }
0x78: {  	_ =	shalt  }
0x79: {  	_ =	shalt  }
0x7a: {  	_ =	shalt  }
0x7b: {  	_ =	shalt  }
0x7c: {  	_ =	shalt  }
0x7d: {  	_ =	shalt  }
0x7e: {  	_ =	shalt  }
0x7f: {  	_ =	shalt  }
0x80: {  	_ =	shalt  }
0x81: {  	_ =	shalt  }
0x82: {  	_ =	shalt  }
0x83: {  	_ =	shalt  }
0x84: {  	_ =	shalt  }
0x85: {  	_ =	shalt  }
0x86: {  	_ =	shalt  }
0x87: {  	_ =	shalt  }
.Lfunc_end0:
.L_simem_size_0:
called_computation.1_lowered:
.L_overlay_start_0:
0x88: {  	s2 =	sld [smem:$0x3FD9]  }
0x89: {  	s3 =	sld [smem:$0x3FFE];
	_ =	sdelay $0x1  }
0x8a: {  	s1 =	srdreg.scid  }
0x8b: {  	s0 =	sand.u32 $0x1, s1  }
0x8c: {  	s17 =	sshll.u32 s0, $0xA;
	s2 =	sadd.s32 s3, s2  }
0x8d: {  	s2 =	sadd.s32 s2, s17  }
0x8e: {  	[smem:$0x3FC1] =	sst s2  }
0x8f: {  	_ = 	snop  }
0x90: {  	s2 =	sld [smem:$0x3FC9]  }
0x91: {  	s18 =	sld [smem:$0x3FC8]  }
0x92: {  	s4 =	sld [smem:$0x3FC5]  }
0x93: {  	s5 =	sld [smem:$0x3FC4]  }
0x94: {  	s6 =	sld [smem:$0x3FD0];
	(tm) =	ssettm $0x1  }
0x95: {  	s7 =	sld [smem:$0x3FFB];
	_ =	sdelay $0x3  }
0x96: {  	_ =	strace s7  }
0x97: {  	s7 =	sld [smem:$0x3FFC];
	_ =	sdelay $0x3  }
0x98: {  	_ =	strace s7  }
0x99: {  	s7 =	sld [smem:$0x3FFD];
	_ =	sdelay $0x3  }
0x9a: {  	_ =	strace s7  }
0x9b: {  	_ =	strace $0x8FFFFFFF  }
0x9c: {  	s19 =	sld [smem:$0x3FDB];
	_ =	sdelay $0x1  }
0x9d: {  	s8 =	simm.s32 $_scs_section_size  }
0x9e: {  	s9 =	simm.s32 $_size__tile_overlayer_lowered;
	s10 =	simm.s32 $_tile_overlayer_lowered  }
0x9f: {  	s22 =	simm.s32 $0x1BFF;
	s21 =	sshll.u32 s10, $0x1;
	s7 =	sadd.s32 s8, s19  }
0xa0: {  	s11 =	simm.s32 $0x0;
	s20 =	sshll.u32 s9, $0x1;
	s9 =	sadd.s32 s21, s7  }
0xa1: {  	[timem:s11], [sflag:s22] =	dma.local [hbm:s9], s20  }
0xa2: {  	_ =	swait.ge [sflag:s22], s20  }
0xa3: {  	s8 =	ssub.s32 $0x0, s20;
	[sflag:s22] =	ssyncset.done $0x0  }
0xa4: {  	[sflag:s22] =	ssyncadd.s32 s8;
	_ =	sdelay $0x1  }
0xa5: {  	s23 =	simm.s32 $0x1B8B  }
0xa6: {  	_ =	swait.ge [sflag:s23], $0x1  }
0xa7: {  	[sflag:s23] =	ssyncset.done $0x0  }
0xa8: {  	s25 =	simm.s32 $0x1B8E;
	s24 =	sld [smem:$0x3FFE];
	[sflag:s23] =	ssyncadd.s32 $0xFFFFFFFF  }
0xa9: {  	s26 =	simm.s32 $execute0_lowered;
	[smem:$0x3FD2] =	sst s25  }
0xaa: {  	s9 =	sshll.u32 s26, $0x1;
	_ =	strace $0x80000049;
	[dreg:$0x1] =	wrdreg $0xFFFFFFFF  }
0xab: {  	s28 =	simm.s32 $_size_execute0_lowered;
	s7 =	sadd.s32 s7, s9;
	[dreg:$0x0] =	wrdreg $0x0  }
0xac: {  	s9 =	sshll.u32 s28, $0x1;
	[dreg:$0x2] =	wrdreg s7  }
0xad: {  	[dreg:$0x3] =	wrdreg s9  }
0xae: {  	[dreg:$0x4] =	wrdreg $0xC0  }
0xaf: {  	_ =	task [dreg:s11], $0x5FFFF  }
0xb0: {  	[dreg:$0x1] =	wrdreg $0xFFFFFFFF  }
0xb1: {  	[dreg:$0x0] =	wrdreg $0x60  }
0xb2: {  	[dreg:$0x2] =	wrdreg s2  }
0xb3: {  	[dreg:$0x3] =	wrdreg s18  }
0xb4: {  	[dreg:$0x4] =	wrdreg s24  }
0xb5: {  	[dreg:$0x5] =	wrdreg s4  }
0xb6: {  	[dreg:$0x6] =	wrdreg s5  }
0xb7: {  	[dreg:$0x7] =	wrdreg s6  }
0xb8: {  	[dreg:$0x8] =	wrdreg $0x9  }
0xb9: {  	_ =	task.clear_ibuf [dreg:s11], $0x9FFFF;
	_ =	strace $0x90000049  }
0xba: {  	s29 =	simm.s32 $0x9;
	_ =	strace $0x8000004B  }
0xbb: {  	_ =	swait.ge [sflag:s29], $0x1  }
0xbc: {  	[sflag:s29] =	ssyncadd.s32 $0xFFFFFFFF  }
0xbd: {  	_ =	strace $0x9000004B  }
0xbe: {  	_ =	sfence  }
0xbf: {  	s30 =	sld [smem:$0x0];
	_ =	sdelay $0x2  }
0xc0: {  	s31 =	sshll.u32 s1, $0xD;
	s1 =	sshrl.u32 s1, $0x2  }
0xc1: {  	s3 =	sand.u32 $0x4000, s31;
	s1 =	sadd.s32 s1, s30  }
0xc2: {  	s0 =	sor.u32 s3, s0;
	s1 =	sshll.u32 s1, $0x11  }
0xc3: {  	s0 =	sor.u32 s1, s0  }
0xc4: {  	s0 =	sadd.s32 $0x8F2B, s0  }
0xc5: {  	[sflag:s0] =	ssyncadd.remote.s32 $0x1  }
0xc6: {  	_ =	sfence.sel $0xFFFF  }
0xc7: {  	[dreg:$0x0] =	wrdreg $0xFFFFFFFF;
	(pc) =	sbr.abs _section_cstart, $3  }
0xc8: {  	[dreg:$0x1] =	wrdreg $0xFFFFFFFF  }
0xc9: {  	_ =	task.clear_ibuf [dreg:s11], $0x2FFFF;
	_ =	strace $0x9FFFFFFF  }
0xca: {  	(tm) =	ssettm $0x7FFFFFFF  }
0xcb: {  	_ =	shalt  }
tec
execute0_lowered:
.L_overlay_start_1:
0x0: {  	(tag) =	ssettag $0x1  }
0x1: {  	s0 =	rddreg [dreg:$0x0]  }
0x2: {  	s3 =	rddreg [dreg:$0x1]  }
0x3: {  	s5 =	rddreg [dreg:$0x2]  }
0x4: {  	s1 =	rddreg [dreg:$0x3]  }
0x5: {  	s2 =	rddreg [dreg:$0x4]  }
0x6: {  	s9 =	rddreg [dreg:$0x5];
	s6 =	srdreg.scid;
	s4 =	simm.s32 $0x0  }
0x7: {  	s7 =	stileid.u32;
	s12 =	simm.s32 $0x200;
	s14 =	simm.s32 $0x80  }
0x8: {  	s16 =	simm.s32 $0x600;
	s17 =	simm.s32 $0x480;
	s18 =	simm.s32 $0x280  }
0x9: {  	s19 =	simm.s32 $0x680;
	s20 =	simm.s32 $0x100;
	s21 =	simm.s32 $0x500  }
0xa: {  	s22 =	simm.s32 $0x300;
	s23 =	simm.s32 $0x700;
	s24 =	simm.s32 $0x180  }
0xb: {  	s25 =	simm.s32 $0x580;
	s28 =	simm.s32 $0x780;
	s29 =	simm.s32 $0xC00  }
0xc: {  	s30 =	simm.s32 $0x1;
	s31 =	simm.s32 $0xA00;
	s6 =	sand.u32 $0x1, s6  }
0xd: {  	[smem:$0x7FF] =	sst s4;
	s7 =	sshll.u32 s7, $0x7;
	s8 =	sshll.u32 s6, $0x6  }
0xe: {  	_ =	strace $0x8000004A;
	s6 =	ssub.s32 $0x2, s6;
	s10 =	sor.u32 s8, s7  }
0xf: {  	s26 =	sshrl.u32 s6, $0x1;
	s8 =	sadd.s32 s10, s5;
	s5 =	sadd.s32 $0x1600, s5  }
0x10: {  	s11 =	ssub.s32 s6, s26;
	s6 =	sadd.s32 s0, s10;
	s7 =	sadd.s32 s3, s10  }
0x11: {  	s9 =	sadd.s32 s9, s10;
	s26 =	simm.s32 $0x380;
	s0 =	simm.s32 $0x0  }
0x12: {  	s8 =	sadd.s32 $0xC00, s8;
	s10 =	smax.u32 s11, $0x1;
	s11 =	simm.s32 $0x2  }
.LBB2_1:
0x13: {  	[tilespmem:s4], [sflag:$0x2] =	stream.linear.gather [hbm4b:s6+s4], $0x200, $0x38;
	[tilespmem:$0xC10] =	vst v63  }
0x14: {  	_ =	swait.ge [sflag:s11], $0x200  }
0x15: {  	[sflag:s11] =	ssyncset.done $0x0  }
0x16: {  	[sflag:s11] =	ssyncadd.s32 $0xFFFFFE00  }
0x17: {  	[tilespmem:s12], [sflag:$0x2] =	stream.linear.gather [hbm4b:s7+s4], $0x200, $0x38;
	[tilespmem:$0xC10] =	vst v63  }
0x18: {  	_ =	swait.ge [sflag:s11], $0x200  }
0x19: {  	[sflag:s11] =	ssyncset.done $0x0  }
0x1a: {  	s3 =	simm.s32 $0x800;
	[sflag:s11] =	ssyncadd.s32 $0xFFFFFE00  }
0x1b: {  	[tilespmem:s3], [sflag:$0x1] =	stream.linear.gather [hbm4b:s8+s4], $0x200, $0x38;
	[tilespmem:$0xC10] =	vst v63  }
0x1c: {  	s15 =	simm.s32 $0x400  }
0x1d: {  	[tilespmem:s15], [sflag:$0x1] =	stream.indirect.gather [hbm4b:s1+s14], $0x1, s4, s14, $0xb8;
	[tilespmem:$0xC10] =	vst v63  }
0x1e: {  	_ = 	snop  }
0x1f: {  	[tilespmem:s16], [sflag:$0x1] =	stream.indirect.gather [hbm4b:s2+s14], $0x1, s12, s14, $0xb8;
	[tilespmem:$0xC10] =	vst v63  }
0x20: {  	_ = 	snop  }
0x21: {  	[tilespmem:s17], [sflag:$0x1] =	stream.indirect.gather [hbm4b:s1+s14], $0x1, s14, s14, $0xb8;
	[tilespmem:$0xC10] =	vst v63  }
0x22: {  	_ = 	snop  }
0x23: {  	[tilespmem:s19], [sflag:$0x1] =	stream.indirect.gather [hbm4b:s2+s14], $0x1, s18, s14, $0xb8;
	[tilespmem:$0xC10] =	vst v63  }
0x24: {  	_ = 	snop  }
0x25: {  	[tilespmem:s21], [sflag:$0x1] =	stream.indirect.gather [hbm4b:s1+s14], $0x1, s20, s14, $0xb8;
	[tilespmem:$0xC10] =	vst v63  }
0x26: {  	_ = 	snop  }
0x27: {  	[tilespmem:s23], [sflag:$0x1] =	stream.indirect.gather [hbm4b:s2+s14], $0x1, s22, s14, $0xb8;
	[tilespmem:$0xC10] =	vst v63  }
0x28: {  	_ = 	snop  }
0x29: {  	[tilespmem:s25], [sflag:$0x1] =	stream.indirect.gather [hbm4b:s1+s14], $0x1, s24, s14, $0xb8;
	[tilespmem:$0xC10] =	vst v63  }
0x2a: {  	_ = 	snop  }
0x2b: {  	[tilespmem:s28], [sflag:$0x1] =	stream.indirect.gather [hbm4b:s2+s14], $0x1, s26, s14, $0xb8;
	[tilespmem:$0xC10] =	vst v63  }
0x2c: {  	_ = 	snop  }
0x2d: {  	[tilespmem:s29], [sflag:$0x2] =	stream.linear.gather [hbm4b:s5+s4], $0x10, $0x38;
	[tilespmem:$0xC10] =	vst v63  }
0x2e: {  	_ =	swait.ge [sflag:s11], $0x10  }
0x2f: {  	[sflag:s11] =	ssyncset.done $0x0  }
0x30: {  	[sflag:s11] =	ssyncadd.s32 $0xFFFFFFF0  }
0x31: {  	_ =	swait.ge [sflag:s30], $0x200  }
0x32: {  	[sflag:s30] =	ssyncset.done $0x0  }
0x33: {  	[sflag:s30] =	ssyncadd.s32 $0xFFFFFE00  }
0x34: {  	_ =	swait.ge [sflag:s30], $0x80  }
0x35: {  	[sflag:s30] =	ssyncset.done $0x0  }
0x36: {  	[sflag:s30] =	ssyncadd.s32 $0xFFFFFF80  }
0x37: {  	_ =	swait.ge [sflag:s30], $0x80  }
0x38: {  	[sflag:s30] =	ssyncset.done $0x0  }
0x39: {  	[sflag:s30] =	ssyncadd.s32 $0xFFFFFF80  }
0x3a: {  	_ =	swait.ge [sflag:s30], $0x80  }
0x3b: {  	[sflag:s30] =	ssyncset.done $0x0  }
0x3c: {  	[sflag:s30] =	ssyncadd.s32 $0xFFFFFF80  }
0x3d: {  	_ =	swait.ge [sflag:s30], $0x80  }
0x3e: {  	[sflag:s30] =	ssyncset.done $0x0  }
0x3f: {  	[sflag:s30] =	ssyncadd.s32 $0xFFFFFF80  }
0x40: {  	_ =	swait.ge [sflag:s30], $0x80  }
0x41: {  	[sflag:s30] =	ssyncset.done $0x0  }
0x42: {  	[sflag:s30] =	ssyncadd.s32 $0xFFFFFF80  }
0x43: {  	_ =	swait.ge [sflag:s30], $0x80  }
0x44: {  	[sflag:s30] =	ssyncset.done $0x0  }
0x45: {  	[sflag:s30] =	ssyncadd.s32 $0xFFFFFF80  }
0x46: {  	_ =	swait.ge [sflag:s30], $0x80  }
0x47: {  	[sflag:s30] =	ssyncset.done $0x0  }
0x48: {  	[sflag:s30] =	ssyncadd.s32 $0xFFFFFF80  }
0x49: {  	_ =	swait.ge [sflag:s30], $0x80  }
0x4a: {  	[sflag:s30] =	ssyncset.done $0x0  }
0x4b: {  	s3 =	simm.s32 $0x0;
	[sflag:s30] =	ssyncadd.s32 $0xFFFFFF80  }
0x4c: {  	v0 =	vld [tilespmem:s3+$0x800]  }
0x4d: {  	v1 =	vld [tilespmem:s3+$0x400];
	_ =	sdelay $0x2  }
0x4e: {  	v2 =	vld [tilespmem:s3+$0x600];
	_ =	sdelay $0x1  }
0x4f: {  	v3 =	vadd.f32 v1, v0;
	v1 =	vld [tilespmem:$0xC00];
	_ =	sdelay $0x1  }
0x50: {  	s13 =	simm.s32 $0x10  }
0x51: {  	s15 =	simm.s32 $0x80;
	v0 =	vld [tilespmem:s13+$0x800];
	v2 =	vadd.f32 v2, v3  }
.LBB2_2:
0x52: {  	p0 =	sne.s32 s15, $0x7C0;
	v3 =	vld [tilespmem:s13+$0x400]  }
0x53: {  	v1 =	vadd.f32 v1, v2  }
0x54: {  	v2 =	vld [tilespmem:s13+$0x600]  }
.Ltmp0:
0x55: {  	[tilespmem:s3+$0xA00] =	vst v1;
	s3 =	smov.u32 s13;
	(pc) =	sbr.rel @p0 .LBB2_2-.Ltmp0, $4  }
0x56: {  	v1 =	vld [tilespmem:$0xC00]  }
0x57: {  	v3 =	vadd.f32 v3, v0  }
0x58: {  	s13 =	sshra.s32 s15, $0x2  }
0x59: {  	s15 =	sadd.s32 $0x40, s15;
	v0 =	vld [tilespmem:s13+$0x800];
	v2 =	vadd.f32 v2, v3  }
0x5a: {  	v3 =	vld [tilespmem:s13+$0x400]  }
0x5b: {  	v1 =	vadd.f32 v1, v2  }
0x5c: {  	v63 =	vld [tilespmem:s13+$0x600]  }
0x5d: {  	[tilespmem:s3+$0xA00] =	vst v1  }
0x5e: {  	v1 =	vld [tilespmem:$0xC00]  }
0x5f: {  	v0 =	vadd.f32 v3, v0;
	_ =	sdelay $0x1  }
0x60: {  	v0 =	vadd.f32 v63, v0;
	_ =	sdelay $0x1  }
0x61: {  	s0 =	sadd.s32 $0x1, s0;
	v0 =	vadd.f32 v1, v0  }
0x62: {  	p0 =	sne.s32 s0, s10  }
.Ltmp1:
0x63: {  	[tilespmem:s13+$0xA00] =	vst v0;
	(pc) =	sbr.rel @p0 .LBB2_1-.Ltmp1, $4  }
0x64: {  	[hbm4b:s9+s4] =	stream.linear.scatter [tilespmem:s31], [sflag:$0x2], $0x200, $0x38;
	[tilespmem:$0xC10] =	vst v63  }
0x65: {  	_ =	swait.ge [sflag:s11], $0x200  }
0x66: {  	[sflag:s11] =	ssyncset.done $0x0  }
0x67: {  	[sflag:s11] =	ssyncadd.s32 $0xFFFFFE00  }
0x68: {  	_ =	sfence.sel $0x180000  }
0x69: {  	[bflag:$0x0] =	sbarrier.arrive $0xFFFF  }
0x6a: {  	_ =	strace $0x9000004A  }
0x6b: {  	s0 =	stileid.u32;
	[bflag:$0x2] =	sbarrier.arrive $0xFFFF  }
0x6c: {  	p0 =	sne.s32 s0, $0x0;
	s0 =	rddreg [dreg:$0x6]  }
0x6d: {  	s0 =	sadd.s32 @!p0 $0x100000, s0  }
0x6e: {  	[sflag:s0] =	ssyncadd.tile.s32 @!p0 $0x1;
	_ =	shalt  }
.Lfunc_end2:
_tile_overlayer_lowered:
.L_overlay_start_2:
0x6f: {  	(tag) =	ssettag $0x2  }
0x70: {  	s0 =	rddreg [dreg:$0x0];
	s2 =	stileid.u32  }
0x71: {  	s1 =	rddreg [dreg:$0x1];
	p0 =	sne.s32 s2, $0x0  }
0x72: {  	s3 =	rddreg [dreg:$0x2];
	[bflag:$0x3] =	sbarrier.arrive $0xFFFF;
	s2 =	simm.s32 @!p0 $0x1C02  }
0x73: {  	[timem:s3], [sflag:s2] =	dma.local @!p0 [hbm:s0], s1  }
0x74: {  	s0 =	simm.s32 @!p0 $0x2  }
0x75: {  	_ =	swait.ge @!p0 [sflag:s0], s1  }
0x76: {  	s1 =	ssub.s32 @!p0 $0x0, s1;
	[sflag:s0] =	ssyncset.done @!p0 $0x0  }
0x77: {  	[sflag:s0] =	ssyncadd.s32 @!p0 s1  }
0x78: {  	[bflag:$0x3] =	sbarrier.arrive $0xFFFF  }
0x79: {  	_ =	shalt  }

</sc_bundles>
